<compile_context>
chip_gen: v7x
topology: tpu7x:2x2x1
jax: 0.10.2.dev20260603
libtpu: 0.0.44.dev20260713+nightly
codegen_flags: <defaults>
</compile_context>

<pallas_src>
import functools

import jax
import jax.numpy as jnp
from jax import lax
from jax.experimental import pallas as pl
from jax.experimental.pallas import tpu as pltpu
from jax.experimental.pallas import tpu_sc as plsc

N = 10000
D = 128
HD = D // 2
E = 320000
NC = 2
NS = 16
CHUNK = 128
CPT = 160
EPAD = NS * CPT * CHUNK
DPT = CPT // NC
NPAD = 10240
RPT = NPAD // NS
DEGW = 16
MB = 1000
NBUF = 5
ZCH = 128

_mesh = plsc.VectorSubcoreMesh(core_axis_name="c", subcore_axis_name="s")


@functools.partial(
    pl.kernel,
    out_type=jax.ShapeDtypeStruct((NC, NPAD, DEGW), jnp.float32),
    mesh=_mesh,
    scratch_types=[
        pltpu.VMEM((DPT, CHUNK), jnp.int32),
        pltpu.VMEM((CHUNK, DEGW), jnp.float32),
        pltpu.VMEM((RPT, DEGW), jnp.float32),
        pltpu.VMEM_SHARED((NPAD, DEGW), jnp.float32),
    ],
    compiler_params=pltpu.CompilerParams(use_tc_tiling_on_sc=False),
)
def _deg_sc(dst_hbm, ones_hbm, zeros_hbm, out_hbm, dst_v, ones_v, zer_v, acc_sh):
    c = lax.axis_index("c")
    s = lax.axis_index("s")
    pltpu.sync_copy(zeros_hbm, zer_v)
    pltpu.sync_copy(zer_v, acc_sh.at[pl.ds(s * RPT, RPT)])
    pltpu.sync_copy(ones_hbm, ones_v)
    pltpu.sync_copy(dst_hbm.at[s, pl.ds(c * DPT, DPT)], dst_v)
    plsc.subcore_barrier()

    def body(j, carry):
        pltpu.sync_copy(ones_v, acc_sh.at[dst_v.at[j]], add=True)
        return carry

    lax.fori_loop(0, DPT, body, 0)
    plsc.subcore_barrier()
    pltpu.sync_copy(acc_sh.at[pl.ds(s * RPT, RPT)],
                    out_hbm.at[c, pl.ds(s * RPT, RPT)])


def _make_agg(dtype, nacc):
  @functools.partial(
      pl.kernel,
      out_type=jax.ShapeDtypeStruct((NC, nacc, NPAD, HD), dtype),
      mesh=_mesh,
      scratch_types=[
          pltpu.VMEM((CPT, CHUNK), jnp.int32),
          pltpu.VMEM((CPT, CHUNK), jnp.int32),
          pltpu.VMEM((NBUF, CHUNK, HD), dtype),
          pltpu.VMEM((ZCH, HD), dtype),
          pltpu.VMEM_SHARED((nacc, NPAD, HD), dtype),
          pltpu.SemaphoreType.DMA,
          pltpu.SemaphoreType.DMA,
      ],
      compiler_params=pltpu.CompilerParams(use_tc_tiling_on_sc=False),
  )
  def _agg_sc(htab_hbm, src_hbm, dst_hbm, zeros_hbm, out_hbm,
              src_v, dst_v, rows_v, zer_v, acc_sh, sem, ssem):
      c = lax.axis_index("c")
      s = lax.axis_index("s")
      pltpu.sync_copy(src_hbm.at[s], src_v)
      pltpu.sync_copy(dst_hbm.at[s], dst_v)
      for b in range(NBUF - 1):
          pltpu.async_copy(htab_hbm.at[c].at[src_v.at[b]], rows_v.at[b], sem)
      pltpu.sync_copy(zeros_hbm, zer_v)
      for a in range(nacc):
          for k in range(RPT // ZCH):
              pltpu.sync_copy(zer_v,
                              acc_sh.at[a, pl.ds(s * RPT + k * ZCH, ZCH)])
      plsc.subcore_barrier()

      def body(g, carry):
          for b in range(NBUF):
              j = g * NBUF + b
              jn = j + NBUF - 1
              pltpu.make_async_copy(htab_hbm.at[c].at[src_v.at[j]],
                                    rows_v.at[b], sem).wait()
              pltpu.async_copy(rows_v.at[b],
                               acc_sh.at[j % nacc].at[dst_v.at[j]], ssem,
                               add=True)

              @pl.when(j > 0)
              def _():
                  bp = (b + NBUF - 1) % NBUF
                  pltpu.make_async_copy(
                      rows_v.at[bp],
                      acc_sh.at[(j - 1) % nacc].at[dst_v.at[j - 1]],
                      ssem).wait()

              @pl.when(jn < CPT)
              def _():
                  pltpu.async_copy(htab_hbm.at[c].at[src_v.at[jn]],
                                   rows_v.at[(b + NBUF - 1) % NBUF], sem)
          return carry

      lax.fori_loop(0, CPT // NBUF, body, 0)
      pltpu.make_async_copy(rows_v.at[(NBUF - 1) % NBUF],
                            acc_sh.at[(CPT - 1) % nacc].at[dst_v.at[CPT - 1]],
                            ssem).wait()
      plsc.subcore_barrier()
      for a in range(nacc):
          pltpu.sync_copy(acc_sh.at[a, pl.ds(s * RPT, RPT)],
                          out_hbm.at[c, a, pl.ds(s * RPT, RPT)])

  return _agg_sc


_agg_l1 = _make_agg(jnp.bfloat16, 1)
_agg_l2 = _make_agg(jnp.bfloat16, 3)


def _dinv_block(deg_ref):
    deg = jnp.sum(deg_ref[...], axis=2) * (1.0 / DEGW)
    return lax.rsqrt(deg[0] + deg[1] + 1.0)


def _split(h):
    return jnp.stack([h[:, :HD], h[:, HD:]])


def _unsplit(ref):
    return jnp.concatenate([ref[0], ref[1]], axis=-1)


def _tc1_body(deg_ref, x_ref, w_ref, out_ref):
    dinv = _dinv_block(deg_ref)
    h = jnp.dot(x_ref[...], w_ref[...], preferred_element_type=jnp.float32)
    out_ref[...] = _split(h * dinv[:, None])


def _accsum(agg_ref):
    a = agg_ref[...].astype(jnp.float32)
    a = jnp.sum(a, axis=1)
    return jnp.concatenate([a[0], a[1]], axis=-1)


def _tc2_body(deg_ref, agg_ref, hp_ref, b_ref, w_ref, out_ref):
    dinv = _dinv_block(deg_ref)
    s = _accsum(agg_ref) + _unsplit(hp_ref)
    x1 = s * dinv[:, None] + b_ref[...][None, :]
    h2 = jnp.dot(x1, w_ref[...], preferred_element_type=jnp.float32)
    out_ref[...] = _split(h2 * dinv[:, None])


def _tc3_body(deg_ref, agg_ref, hp_ref, b_ref, out_ref):
    dinv = _dinv_block(deg_ref)
    s = _accsum(agg_ref) + _unsplit(hp_ref)
    out_ref[...] = jnp.tanh(s * dinv[:, None] + b_ref[...][None, :])


_deg_spec = pl.BlockSpec((NC, MB, DEGW), lambda i: (0, i, 0))
_row_spec = pl.BlockSpec((MB, D), lambda i: (i, 0))
_half_spec = pl.BlockSpec((NC, MB, HD), lambda i: (0, i, 0))
_acc1_spec = pl.BlockSpec((NC, 1, MB, HD), lambda i: (0, 0, i, 0))
_acc3_spec = pl.BlockSpec((NC, 3, MB, HD), lambda i: (0, 0, i, 0))
_mat_spec = pl.BlockSpec((D, D), lambda i: (0, 0))
_vec_spec = pl.BlockSpec((D,), lambda i: (0,))
_half_t = jax.ShapeDtypeStruct((NC, N, HD), jnp.float32)
_out_t = jax.ShapeDtypeStruct((N, D), jnp.float32)


def _tc1(degp, x, w1):
    return pl.pallas_call(
        _tc1_body, grid=(N // MB,),
        in_specs=[_deg_spec, _row_spec, _mat_spec],
        out_specs=_half_spec, out_shape=_half_t,
    )(degp, x, w1)


def _tc2(degp, agg, hp, b1, w2):
    return pl.pallas_call(
        _tc2_body, grid=(N // MB,),
        in_specs=[_deg_spec, _acc1_spec, _half_spec, _vec_spec, _mat_spec],
        out_specs=_half_spec, out_shape=_half_t,
    )(degp, agg, hp, b1, w2)


def _tc3(degp, agg, hp, b2):
    return pl.pallas_call(
        _tc3_body, grid=(N // MB,),
        in_specs=[_deg_spec, _acc3_spec, _half_spec, _vec_spec],
        out_specs=_row_spec, out_shape=_out_t,
    )(degp, agg, hp, b2)


def kernel(x, edge_index, W1, b1, W2, b2):
    src = edge_index[0].astype(jnp.int32)
    dst = edge_index[1].astype(jnp.int32)
    padlen = EPAD - E
    srcp = jnp.concatenate([src, jnp.zeros((padlen,), jnp.int32)]).reshape(NS, CPT, CHUNK)
    dstp = jnp.concatenate([dst, jnp.full((padlen,), N, jnp.int32)]).reshape(NS, CPT, CHUNK)
    ones8 = jnp.ones((CHUNK, DEGW), jnp.float32)
    zer8 = jnp.zeros((RPT, DEGW), jnp.float32)
    zer64b = jnp.zeros((ZCH, HD), jnp.bfloat16)

    degp = _deg_sc(dstp, ones8, zer8)
    h1p = _tc1(degp, x, W1)
    agg1 = _agg_l1(h1p.astype(jnp.bfloat16), srcp, dstp, zer64b)
    h2p = _tc2(degp, agg1, h1p, b1, W2)
    agg2 = _agg_l2(h2p.astype(jnp.bfloat16), srcp, dstp, zer64b)
    return _tc3(degp, agg2, h2p, b2)

# --- scband reference (transcript-rebuilt; emitter-appended) ---
"""Pipeline reference for scband-gcnencoder-18614388261506 (READ-ONLY COPY).

The authoritative reference and input builder live on the scoring server;
editing this copy changes nothing except your own understanding.
"""

import jax, jax.numpy as jnp
import numpy as np

N_NODES = 10000
D_IN = 128
D_HID = 128
N_EDGES = 320000


def gcn_conv(x, src, dst, W, b):
    N = x.shape[0]
    deg = jnp.zeros((N,), dtype=x.dtype).at[dst].add(1.0)
    dinv = jnp.where(deg > 0, jax.lax.rsqrt(deg), 0.0)
    norm = dinv[src] * dinv[dst]
    h = x @ W
    msg = h[src] * norm[:, None]
    out = jnp.zeros((N, W.shape[1]), dtype=x.dtype).at[dst].add(msg)
    return out + b


def setup_inputs(seed: int = 0) -> dict:
    key = jax.random.key(seed)
    k1, k2, k3, k4 = jax.random.split(key, 4)
    x = jax.random.normal(k1, (N_NODES, D_IN), dtype=jnp.float32)
    edge_index = jax.random.randint(k2, (2, N_EDGES), 0, N_NODES, dtype=jnp.int64)
    s1 = 1.0 / np.sqrt(D_IN)
    s2 = 1.0 / np.sqrt(D_HID)
    W1 = jax.random.uniform(k3, (D_IN, D_HID), dtype=jnp.float32, minval=-s1, maxval=s1)
    b1 = jnp.zeros((D_HID,), dtype=jnp.float32)
    W2 = jax.random.uniform(k4, (D_HID, D_IN), dtype=jnp.float32, minval=-s2, maxval=s2)
    b2 = jnp.zeros((D_IN,), dtype=jnp.float32)
    return {"x": x, "edge_index": edge_index, "W1": W1, "b1": b1, "W2": W2, "b2": b2}


def reference(x, edge_index, W1, b1, W2, b2):
    N = x.shape[0]
    loop = jnp.arange(N, dtype=edge_index.dtype)
    src = jnp.concatenate([edge_index[0], loop])
    dst = jnp.concatenate([edge_index[1], loop])
    x1 = gcn_conv(x, src, dst, W1, b1)
    x2 = gcn_conv(x1, src, dst, W2, b2)
    return jnp.tanh(x2)

if __name__ == "__main__":
    import jax
    _d = setup_inputs()
    print(jax.jit(kernel)(*tuple(_d.values())))

</pallas_src>

<mosaic_0001>
#map = affine_map<(d0, d1) -> (0, 0, 0)>
#map1 = affine_map<(d0, d1) -> (0, 0)>
#map2 = affine_map<(d0, d1) -> (0, 0, 0, 0)>
module attributes {stable_mosaic.version = 14 : i64} {
  func.func @_agg_sc(%arg0: i32, %arg1: i32, %arg2: memref<2x10000x64xbf16, #tpu.memory_space<hbm>>, %arg3: memref<16x160x128xi32, #tpu.memory_space<hbm>>, %arg4: memref<16x160x128xi32, #tpu.memory_space<hbm>>, %arg5: memref<128x64xbf16, #tpu.memory_space<hbm>>, %arg6: memref<2x3x10240x64xbf16, #tpu.memory_space<hbm>>, %arg7: memref<160x128xi32, #tpu.memory_space<vmem>>, %arg8: memref<160x128xi32, #tpu.memory_space<vmem>>, %arg9: memref<5x128x64xbf16, #tpu.memory_space<vmem>>, %arg10: memref<128x64xbf16, #tpu.memory_space<vmem>>, %arg11: memref<3x10240x64xbf16, #tpu.memory_space<vmem_shared>>, %arg12: memref<!tpu.dma_semaphore, #tpu.memory_space<semaphore_mem>>, %arg13: memref<!tpu.dma_semaphore, #tpu.memory_space<semaphore_mem>>) attributes {dimension_semantics = [#tpu.dimension_semantics<core_parallel>, #tpu.dimension_semantics<subcore_parallel>], iteration_bounds = array<i64: 2, 16>, scalar_prefetch = 0 : i64, scratch_operands = 7 : i64, tpu.core_type = #tpu.core_type<sc_vector_subcore>, window_params = [{transform_indices = #map}, {transform_indices = #map}, {transform_indices = #map}, {transform_indices = #map1}, {transform_indices = #map2}]} {
    "tpu.region"() ({
      %run_scoped3A_175 = tpu.sem_alloc : memref<!tpu.dma_semaphore, #tpu.memory_space<semaphore_mem>>
      %dma_start3A_176 = arith.constant 0 : i32
      %dma_start3A_177 = arith.constant 0 : i32
      %dma_start3A_178 = tpu.memref_slice %arg3[%arg1, %dma_start3A_176, %dma_start3A_177] : memref<16x160x128xi32, #tpu.memory_space<hbm>> -> memref<1x160x128xi32, #tpu.memory_space<hbm>>
      %dma_start3A_179 = tpu.memref_squeeze %dma_start3A_178 : memref<1x160x128xi32, #tpu.memory_space<hbm>> -> memref<160x128xi32, #tpu.memory_space<hbm>>
      %dma_start3A_180 = arith.constant 0 : i32
      %dma_start3A_181 = arith.constant 0 : i32
      %dma_start3A_182 = tpu.memref_slice %arg3[%arg1, %dma_start3A_180, %dma_start3A_181] : memref<16x160x128xi32, #tpu.memory_space<hbm>> -> memref<1x160x128xi32, #tpu.memory_space<hbm>>
      %dma_start3A_183 = tpu.memref_squeeze %dma_start3A_182 : memref<1x160x128xi32, #tpu.memory_space<hbm>> -> memref<160x128xi32, #tpu.memory_space<hbm>>
      tpu.enqueue_dma source(%dma_start3A_183 : memref<160x128xi32, #tpu.memory_space<hbm>>) target(%arg7 : memref<160x128xi32, #tpu.memory_space<vmem>>) target_semaphore(%run_scoped3A_175 : memref<!tpu.dma_semaphore, #tpu.memory_space<semaphore_mem>>)
      %dma_wait3A_184 = arith.constant 0 : i32
      %dma_wait3A_185 = arith.constant 0 : i32
      %dma_wait3A_186 = tpu.memref_slice %arg3[%arg1, %dma_wait3A_184, %dma_wait3A_185] : memref<16x160x128xi32, #tpu.memory_space<hbm>> -> memref<1x160x128xi32, #tpu.memory_space<hbm>>
      %dma_wait3A_187 = tpu.memref_squeeze %dma_wait3A_186 : memref<1x160x128xi32, #tpu.memory_space<hbm>> -> memref<160x128xi32, #tpu.memory_space<hbm>>
      %dma_wait3A_188 = arith.constant 0 : i32
      %dma_wait3A_189 = arith.constant 0 : i32
      %dma_wait3A_190 = tpu.memref_slice %arg3[%arg1, %dma_wait3A_188, %dma_wait3A_189] : memref<16x160x128xi32, #tpu.memory_space<hbm>> -> memref<1x160x128xi32, #tpu.memory_space<hbm>>
      %dma_wait3A_191 = tpu.memref_squeeze %dma_wait3A_190 : memref<1x160x128xi32, #tpu.memory_space<hbm>> -> memref<160x128xi32, #tpu.memory_space<hbm>>
      tpu.wait_dma2 semaphore(%run_scoped3A_175 : memref<!tpu.dma_semaphore, #tpu.memory_space<semaphore_mem>>) src(%dma_wait3A_191 : memref<160x128xi32, #tpu.memory_space<hbm>>) dst(%arg7 : memref<160x128xi32, #tpu.memory_space<vmem>>)
      tpu.yield
    }) : () -> ()
    "tpu.region"() ({
      %run_scoped3A_175 = tpu.sem_alloc : memref<!tpu.dma_semaphore, #tpu.memory_space<semaphore_mem>>
      %dma_start3A_176 = arith.constant 0 : i32
      %dma_start3A_177 = arith.constant 0 : i32
      %dma_start3A_178 = tpu.memref_slice %arg4[%arg1, %dma_start3A_176, %dma_start3A_177] : memref<16x160x128xi32, #tpu.memory_space<hbm>> -> memref<1x160x128xi32, #tpu.memory_space<hbm>>
      %dma_start3A_179 = tpu.memref_squeeze %dma_start3A_178 : memref<1x160x128xi32, #tpu.memory_space<hbm>> -> memref<160x128xi32, #tpu.memory_space<hbm>>
      %dma_start3A_180 = arith.constant 0 : i32
      %dma_start3A_181 = arith.constant 0 : i32
      %dma_start3A_182 = tpu.memref_slice %arg4[%arg1, %dma_start3A_180, %dma_start3A_181] : memref<16x160x128xi32, #tpu.memory_space<hbm>> -> memref<1x160x128xi32, #tpu.memory_space<hbm>>
      %dma_start3A_183 = tpu.memref_squeeze %dma_start3A_182 : memref<1x160x128xi32, #tpu.memory_space<hbm>> -> memref<160x128xi32, #tpu.memory_space<hbm>>
      tpu.enqueue_dma source(%dma_start3A_183 : memref<160x128xi32, #tpu.memory_space<hbm>>) target(%arg8 : memref<160x128xi32, #tpu.memory_space<vmem>>) target_semaphore(%run_scoped3A_175 : memref<!tpu.dma_semaphore, #tpu.memory_space<semaphore_mem>>)
      %dma_wait3A_184 = arith.constant 0 : i32
      %dma_wait3A_185 = arith.constant 0 : i32
      %dma_wait3A_186 = tpu.memref_slice %arg4[%arg1, %dma_wait3A_184, %dma_wait3A_185] : memref<16x160x128xi32, #tpu.memory_space<hbm>> -> memref<1x160x128xi32, #tpu.memory_space<hbm>>
      %dma_wait3A_187 = tpu.memref_squeeze %dma_wait3A_186 : memref<1x160x128xi32, #tpu.memory_space<hbm>> -> memref<160x128xi32, #tpu.memory_space<hbm>>
      %dma_wait3A_188 = arith.constant 0 : i32
      %dma_wait3A_189 = arith.constant 0 : i32
      %dma_wait3A_190 = tpu.memref_slice %arg4[%arg1, %dma_wait3A_188, %dma_wait3A_189] : memref<16x160x128xi32, #tpu.memory_space<hbm>> -> memref<1x160x128xi32, #tpu.memory_space<hbm>>
      %dma_wait3A_191 = tpu.memref_squeeze %dma_wait3A_190 : memref<1x160x128xi32, #tpu.memory_space<hbm>> -> memref<160x128xi32, #tpu.memory_space<hbm>>
      tpu.wait_dma2 semaphore(%run_scoped3A_175 : memref<!tpu.dma_semaphore, #tpu.memory_space<semaphore_mem>>) src(%dma_wait3A_191 : memref<160x128xi32, #tpu.memory_space<hbm>>) dst(%arg8 : memref<160x128xi32, #tpu.memory_space<vmem>>)
      tpu.yield
    }) : () -> ()
    %dma_start3A = arith.constant 0 : i32
    %dma_start3A_0 = arith.constant 0 : i32
    %dma_start3A_1 = arith.constant 0 : i32
    %dma_start3A_2 = arith.constant 0 : i32
    %dma_start3A_3 = tpu.memref_slice %arg9[%dma_start3A_0, %dma_start3A_1, %dma_start3A_2] : memref<5x128x64xbf16, #tpu.memory_space<vmem>> -> memref<1x128x64xbf16, #tpu.memory_space<vmem>>
    %dma_start3A_4 = tpu.memref_squeeze %dma_start3A_3 : memref<1x128x64xbf16, #tpu.memory_space<vmem>> -> memref<128x64xbf16, #tpu.memory_space<vmem>>
    %dma_start3A_5 = arith.constant 0 : i32
    %dma_start3A_6 = tpu.memref_slice %arg7[%dma_start3A, %dma_start3A_5] : memref<160x128xi32, #tpu.memory_space<vmem>> -> memref<1x128xi32, #tpu.memory_space<vmem>>
    %dma_start3A_7 = tpu.memref_squeeze %dma_start3A_6 : memref<1x128xi32, #tpu.memory_space<vmem>> -> memref<128xi32, #tpu.memory_space<vmem>>
    %dma_start3A_8 = arith.constant 0 : i32
    %dma_start3A_9 = arith.constant 0 : i32
    %dma_start3A_10 = tpu.memref_slice %arg2[%arg0, %dma_start3A_8, %dma_start3A_9] : memref<2x10000x64xbf16, #tpu.memory_space<hbm>> -> memref<1x10000x64xbf16, #tpu.memory_space<hbm>>
    %dma_start3A_11 = tpu.memref_squeeze %dma_start3A_10 : memref<1x10000x64xbf16, #tpu.memory_space<hbm>> -> memref<10000x64xbf16, #tpu.memory_space<hbm>>
    %dma_start3A_12 = arith.constant 0 : i32
    %dma_start3A_13 = arith.constant 0 : i32
    %dma_start3A_14 = tpu.memref_slice %dma_start3A_11[%dma_start3A_12, %dma_start3A_13] : memref<10000x64xbf16, #tpu.memory_space<hbm>> -> memref<10000x64xbf16, #tpu.memory_space<hbm>>
    tpu.enqueue_indirect_dma source(%dma_start3A_14 : memref<10000x64xbf16, #tpu.memory_space<hbm>>) target(%dma_start3A_4 : memref<128x64xbf16, #tpu.memory_space<vmem>>) offsets(%dma_start3A_7 : memref<128xi32, #tpu.memory_space<vmem>>) semaphore(%arg12 : memref<!tpu.dma_semaphore, #tpu.memory_space<semaphore_mem>>)
    %dma_start3A_15 = arith.constant 1 : i32
    %dma_start3A_16 = arith.constant 1 : i32
    %dma_start3A_17 = arith.constant 0 : i32
    %dma_start3A_18 = arith.constant 0 : i32
    %dma_start3A_19 = tpu.memref_slice %arg9[%dma_start3A_16, %dma_start3A_17, %dma_start3A_18] : memref<5x128x64xbf16, #tpu.memory_space<vmem>> -> memref<1x128x64xbf16, #tpu.memory_space<vmem>>
    %dma_start3A_20 = tpu.memref_squeeze %dma_start3A_19 : memref<1x128x64xbf16, #tpu.memory_space<vmem>> -> memref<128x64xbf16, #tpu.memory_space<vmem>>
    %dma_start3A_21 = arith.constant 0 : i32
    %dma_start3A_22 = tpu.memref_slice %arg7[%dma_start3A_15, %dma_start3A_21] : memref<160x128xi32, #tpu.memory_space<vmem>> -> memref<1x128xi32, #tpu.memory_space<vmem>>
    %dma_start3A_23 = tpu.memref_squeeze %dma_start3A_22 : memref<1x128xi32, #tpu.memory_space<vmem>> -> memref<128xi32, #tpu.memory_space<vmem>>
    %dma_start3A_24 = arith.constant 0 : i32
    %dma_start3A_25 = arith.constant 0 : i32
    %dma_start3A_26 = tpu.memref_slice %arg2[%arg0, %dma_start3A_24, %dma_start3A_25] : memref<2x10000x64xbf16, #tpu.memory_space<hbm>> -> memref<1x10000x64xbf16, #tpu.memory_space<hbm>>
    %dma_start3A_27 = tpu.memref_squeeze %dma_start3A_26 : memref<1x10000x64xbf16, #tpu.memory_space<hbm>> -> memref<10000x64xbf16, #tpu.memory_space<hbm>>
    %dma_start3A_28 = arith.constant 0 : i32
    %dma_start3A_29 = arith.constant 0 : i32
    %dma_start3A_30 = tpu.memref_slice %dma_start3A_27[%dma_start3A_28, %dma_start3A_29] : memref<10000x64xbf16, #tpu.memory_space<hbm>> -> memref<10000x64xbf16, #tpu.memory_space<hbm>>
    tpu.enqueue_indirect_dma source(%dma_start3A_30 : memref<10000x64xbf16, #tpu.memory_space<hbm>>) target(%dma_start3A_20 : memref<128x64xbf16, #tpu.memory_space<vmem>>) offsets(%dma_start3A_23 : memref<128xi32, #tpu.memory_space<vmem>>) semaphore(%arg12 : memref<!tpu.dma_semaphore, #tpu.memory_space<semaphore_mem>>)
    %dma_start3A_31 = arith.constant 2 : i32
    %dma_start3A_32 = arith.constant 2 : i32
    %dma_start3A_33 = arith.constant 0 : i32
    %dma_start3A_34 = arith.constant 0 : i32
    %dma_start3A_35 = tpu.memref_slice %arg9[%dma_start3A_32, %dma_start3A_33, %dma_start3A_34] : memref<5x128x64xbf16, #tpu.memory_space<vmem>> -> memref<1x128x64xbf16, #tpu.memory_space<vmem>>
    %dma_start3A_36 = tpu.memref_squeeze %dma_start3A_35 : memref<1x128x64xbf16, #tpu.memory_space<vmem>> -> memref<128x64xbf16, #tpu.memory_space<vmem>>
    %dma_start3A_37 = arith.constant 0 : i32
    %dma_start3A_38 = tpu.memref_slice %arg7[%dma_start3A_31, %dma_start3A_37] : memref<160x128xi32, #tpu.memory_space<vmem>> -> memref<1x128xi32, #tpu.memory_space<vmem>>
    %dma_start3A_39 = tpu.memref_squeeze %dma_start3A_38 : memref<1x128xi32, #tpu.memory_space<vmem>> -> memref<128xi32, #tpu.memory_space<vmem>>
    %dma_start3A_40 = arith.constant 0 : i32
    %dma_start3A_41 = arith.constant 0 : i32
    %dma_start3A_42 = tpu.memref_slice %arg2[%arg0, %dma_start3A_40, %dma_start3A_41] : memref<2x10000x64xbf16, #tpu.memory_space<hbm>> -> memref<1x10000x64xbf16, #tpu.memory_space<hbm>>
    %dma_start3A_43 = tpu.memref_squeeze %dma_start3A_42 : memref<1x10000x64xbf16, #tpu.memory_space<hbm>> -> memref<10000x64xbf16, #tpu.memory_space<hbm>>
    %dma_start3A_44 = arith.constant 0 : i32
    %dma_start3A_45 = arith.constant 0 : i32
    %dma_start3A_46 = tpu.memref_slice %dma_start3A_43[%dma_start3A_44, %dma_start3A_45] : memref<10000x64xbf16, #tpu.memory_space<hbm>> -> memref<10000x64xbf16, #tpu.memory_space<hbm>>
    tpu.enqueue_indirect_dma source(%dma_start3A_46 : memref<10000x64xbf16, #tpu.memory_space<hbm>>) target(%dma_start3A_36 : memref<128x64xbf16, #tpu.memory_space<vmem>>) offsets(%dma_start3A_39 : memref<128xi32, #tpu.memory_space<vmem>>) semaphore(%arg12 : memref<!tpu.dma_semaphore, #tpu.memory_space<semaphore_mem>>)
    %dma_start3A_47 = arith.constant 3 : i32
    %dma_start3A_48 = arith.constant 3 : i32
    %dma_start3A_49 = arith.constant 0 : i32
    %dma_start3A_50 = arith.constant 0 : i32
    %dma_start3A_51 = tpu.memref_slice %arg9[%dma_start3A_48, %dma_start3A_49, %dma_start3A_50] : memref<5x128x64xbf16, #tpu.memory_space<vmem>> -> memref<1x128x64xbf16, #tpu.memory_space<vmem>>
    %dma_start3A_52 = tpu.memref_squeeze %dma_start3A_51 : memref<1x128x64xbf16, #tpu.memory_space<vmem>> -> memref<128x64xbf16, #tpu.memory_space<vmem>>
    %dma_start3A_53 = arith.constant 0 : i32
    %dma_start3A_54 = tpu.memref_slice %arg7[%dma_start3A_47, %dma_start3A_53] : memref<160x128xi32, #tpu.memory_space<vmem>> -> memref<1x128xi32, #tpu.memory_space<vmem>>
    %dma_start3A_55 = tpu.memref_squeeze %dma_start3A_54 : memref<1x128xi32, #tpu.memory_space<vmem>> -> memref<128xi32, #tpu.memory_space<vmem>>
    %dma_start3A_56 = arith.constant 0 : i32
    %dma_start3A_57 = arith.constant 0 : i32
    %dma_start3A_58 = tpu.memref_slice %arg2[%arg0, %dma_start3A_56, %dma_start3A_57] : memref<2x10000x64xbf16, #tpu.memory_space<hbm>> -> memref<1x10000x64xbf16, #tpu.memory_space<hbm>>
    %dma_start3A_59 = tpu.memref_squeeze %dma_start3A_58 : memref<1x10000x64xbf16, #tpu.memory_space<hbm>> -> memref<10000x64xbf16, #tpu.memory_space<hbm>>
    %dma_start3A_60 = arith.constant 0 : i32
    %dma_start3A_61 = arith.constant 0 : i32
    %dma_start3A_62 = tpu.memref_slice %dma_start3A_59[%dma_start3A_60, %dma_start3A_61] : memref<10000x64xbf16, #tpu.memory_space<hbm>> -> memref<10000x64xbf16, #tpu.memory_space<hbm>>
    tpu.enqueue_indirect_dma source(%dma_start3A_62 : memref<10000x64xbf16, #tpu.memory_space<hbm>>) target(%dma_start3A_52 : memref<128x64xbf16, #tpu.memory_space<vmem>>) offsets(%dma_start3A_55 : memref<128xi32, #tpu.memory_space<vmem>>) semaphore(%arg12 : memref<!tpu.dma_semaphore, #tpu.memory_space<semaphore_mem>>)
    "tpu.region"() ({
      %run_scoped3A_175 = tpu.sem_alloc : memref<!tpu.dma_semaphore, #tpu.memory_space<semaphore_mem>>
      tpu.enqueue_dma source(%arg5 : memref<128x64xbf16, #tpu.memory_space<hbm>>) target(%arg10 : memref<128x64xbf16, #tpu.memory_space<vmem>>) target_semaphore(%run_scoped3A_175 : memref<!tpu.dma_semaphore, #tpu.memory_space<semaphore_mem>>)
      tpu.wait_dma2 semaphore(%run_scoped3A_175 : memref<!tpu.dma_semaphore, #tpu.memory_space<semaphore_mem>>) src(%arg5 : memref<128x64xbf16, #tpu.memory_space<hbm>>) dst(%arg10 : memref<128x64xbf16, #tpu.memory_space<vmem>>)
      tpu.yield
    }) : () -> ()
    %mul3A = arith.constant 640 : i32
    %mul3A_63 = arith.muli %arg1, %mul3A : i32
    %add3A = arith.constant 0 : i32
    %add3A_64 = arith.addi %mul3A_63, %add3A : i32
    %run_scoped3A = arith.constant 0 : i32
    "tpu.region"() ({
      %run_scoped3A_175 = tpu.sem_alloc : memref<!tpu.dma_semaphore, #tpu.memory_space<semaphore_mem>>
      %dma_start3A_176 = arith.constant 0 : i32
      %dma_start3A_177 = tpu.memref_slice %arg11[%run_scoped3A, %add3A_64, %dma_start3A_176] : memref<3x10240x64xbf16, #tpu.memory_space<vmem_shared>> -> memref<1x128x64xbf16, #tpu.memory_space<vmem_shared>>
      %dma_start3A_178 = tpu.memref_squeeze %dma_start3A_177 : memref<1x128x64xbf16, #tpu.memory_space<vmem_shared>> -> memref<128x64xbf16, #tpu.memory_space<vmem_shared>>
      %dma_start3A_179 = arith.constant 0 : i32
      %dma_start3A_180 = tpu.memref_slice %arg11[%run_scoped3A, %add3A_64, %dma_start3A_179] : memref<3x10240x64xbf16, #tpu.memory_space<vmem_shared>> -> memref<1x128x64xbf16, #tpu.memory_space<vmem_shared>>
      %dma_start3A_181 = tpu.memref_squeeze %dma_start3A_180 : memref<1x128x64xbf16, #tpu.memory_space<vmem_shared>> -> memref<128x64xbf16, #tpu.memory_space<vmem_shared>>
      tpu.enqueue_dma source(%arg10 : memref<128x64xbf16, #tpu.memory_space<vmem>>) target(%dma_start3A_181 : memref<128x64xbf16, #tpu.memory_space<vmem_shared>>) target_semaphore(%run_scoped3A_175 : memref<!tpu.dma_semaphore, #tpu.memory_space<semaphore_mem>>)
      %dma_wait3A_182 = arith.constant 0 : i32
      %dma_wait3A_183 = tpu.memref_slice %arg11[%run_scoped3A, %add3A_64, %dma_wait3A_182] : memref<3x10240x64xbf16, #tpu.memory_space<vmem_shared>> -> memref<1x128x64xbf16, #tpu.memory_space<vmem_shared>>
      %dma_wait3A_184 = tpu.memref_squeeze %dma_wait3A_183 : memref<1x128x64xbf16, #tpu.memory_space<vmem_shared>> -> memref<128x64xbf16, #tpu.memory_space<vmem_shared>>
      %dma_wait3A_185 = arith.constant 0 : i32
      %dma_wait3A_186 = tpu.memref_slice %arg11[%run_scoped3A, %add3A_64, %dma_wait3A_185] : memref<3x10240x64xbf16, #tpu.memory_space<vmem_shared>> -> memref<1x128x64xbf16, #tpu.memory_space<vmem_shared>>
      %dma_wait3A_187 = tpu.memref_squeeze %dma_wait3A_186 : memref<1x128x64xbf16, #tpu.memory_space<vmem_shared>> -> memref<128x64xbf16, #tpu.memory_space<vmem_shared>>
      tpu.wait_dma2 semaphore(%run_scoped3A_175 : memref<!tpu.dma_semaphore, #tpu.memory_space<semaphore_mem>>) src(%arg10 : memref<128x64xbf16, #tpu.memory_space<vmem>>) dst(%dma_wait3A_187 : memref<128x64xbf16, #tpu.memory_space<vmem_shared>>)
      tpu.yield
    }) : () -> ()
    %mul3A_65 = arith.constant 640 : i32
    %mul3A_66 = arith.muli %arg1, %mul3A_65 : i32
    %add3A_67 = arith.constant 128 : i32
    %add3A_68 = arith.addi %mul3A_66, %add3A_67 : i32
    %run_scoped3A_69 = arith.constant 0 : i32
    "tpu.region"() ({
      %run_scoped3A_175 = tpu.sem_alloc : memref<!tpu.dma_semaphore, #tpu.memory_space<semaphore_mem>>
      %dma_start3A_176 = arith.constant 0 : i32
      %dma_start3A_177 = tpu.memref_slice %arg11[%run_scoped3A_69, %add3A_68, %dma_start3A_176] : memref<3x10240x64xbf16, #tpu.memory_space<vmem_shared>> -> memref<1x128x64xbf16, #tpu.memory_space<vmem_shared>>
      %dma_start3A_178 = tpu.memref_squeeze %dma_start3A_177 : memref<1x128x64xbf16, #tpu.memory_space<vmem_shared>> -> memref<128x64xbf16, #tpu.memory_space<vmem_shared>>
      %dma_start3A_179 = arith.constant 0 : i32
      %dma_start3A_180 = tpu.memref_slice %arg11[%run_scoped3A_69, %add3A_68, %dma_start3A_179] : memref<3x10240x64xbf16, #tpu.memory_space<vmem_shared>> -> memref<1x128x64xbf16, #tpu.memory_space<vmem_shared>>
      %dma_start3A_181 = tpu.memref_squeeze %dma_start3A_180 : memref<1x128x64xbf16, #tpu.memory_space<vmem_shared>> -> memref<128x64xbf16, #tpu.memory_space<vmem_shared>>
      tpu.enqueue_dma source(%arg10 : memref<128x64xbf16, #tpu.memory_space<vmem>>) target(%dma_start3A_181 : memref<128x64xbf16, #tpu.memory_space<vmem_shared>>) target_semaphore(%run_scoped3A_175 : memref<!tpu.dma_semaphore, #tpu.memory_space<semaphore_mem>>)
      %dma_wait3A_182 = arith.constant 0 : i32
      %dma_wait3A_183 = tpu.memref_slice %arg11[%run_scoped3A_69, %add3A_68, %dma_wait3A_182] : memref<3x10240x64xbf16, #tpu.memory_space<vmem_shared>> -> memref<1x128x64xbf16, #tpu.memory_space<vmem_shared>>
      %dma_wait3A_184 = tpu.memref_squeeze %dma_wait3A_183 : memref<1x128x64xbf16, #tpu.memory_space<vmem_shared>> -> memref<128x64xbf16, #tpu.memory_space<vmem_shared>>
      %dma_wait3A_185 = arith.constant 0 : i32
      %dma_wait3A_186 = tpu.memref_slice %arg11[%run_scoped3A_69, %add3A_68, %dma_wait3A_185] : memref<3x10240x64xbf16, #tpu.memory_space<vmem_shared>> -> memref<1x128x64xbf16, #tpu.memory_space<vmem_shared>>
      %dma_wait3A_187 = tpu.memref_squeeze %dma_wait3A_186 : memref<1x128x64xbf16, #tpu.memory_space<vmem_shared>> -> memref<128x64xbf16, #tpu.memory_space<vmem_shared>>
      tpu.wait_dma2 semaphore(%run_scoped3A_175 : memref<!tpu.dma_semaphore, #tpu.memory_space<semaphore_mem>>) src(%arg10 : memref<128x64xbf16, #tpu.memory_space<vmem>>) dst(%dma_wait3A_187 : memref<128x64xbf16, #tpu.memory_space<vmem_shared>>)
      tpu.yield
    }) : () -> ()
    %mul3A_70 = arith.constant 640 : i32
    %mul3A_71 = arith.muli %arg1, %mul3A_70 : i32
    %add3A_72 = arith.constant 256 : i32
    %add3A_73 = arith.addi %mul3A_71, %add3A_72 : i32
    %run_scoped3A_74 = arith.constant 0 : i32
    "tpu.region"() ({
      %run_scoped3A_175 = tpu.sem_alloc : memref<!tpu.dma_semaphore, #tpu.memory_space<semaphore_mem>>
      %dma_start3A_176 = arith.constant 0 : i32
      %dma_start3A_177 = tpu.memref_slice %arg11[%run_scoped3A_74, %add3A_73, %dma_start3A_176] : memref<3x10240x64xbf16, #tpu.memory_space<vmem_shared>> -> memref<1x128x64xbf16, #tpu.memory_space<vmem_shared>>
      %dma_start3A_178 = tpu.memref_squeeze %dma_start3A_177 : memref<1x128x64xbf16, #tpu.memory_space<vmem_shared>> -> memref<128x64xbf16, #tpu.memory_space<vmem_shared>>
      %dma_start3A_179 = arith.constant 0 : i32
      %dma_start3A_180 = tpu.memref_slice %arg11[%run_scoped3A_74, %add3A_73, %dma_start3A_179] : memref<3x10240x64xbf16, #tpu.memory_space<vmem_shared>> -> memref<1x128x64xbf16, #tpu.memory_space<vmem_shared>>
      %dma_start3A_181 = tpu.memref_squeeze %dma_start3A_180 : memref<1x128x64xbf16, #tpu.memory_space<vmem_shared>> -> memref<128x64xbf16, #tpu.memory_space<vmem_shared>>
      tpu.enqueue_dma source(%arg10 : memref<128x64xbf16, #tpu.memory_space<vmem>>) target(%dma_start3A_181 : memref<128x64xbf16, #tpu.memory_space<vmem_shared>>) target_semaphore(%run_scoped3A_175 : memref<!tpu.dma_semaphore, #tpu.memory_space<semaphore_mem>>)
      %dma_wait3A_182 = arith.constant 0 : i32
      %dma_wait3A_183 = tpu.memref_slice %arg11[%run_scoped3A_74, %add3A_73, %dma_wait3A_182] : memref<3x10240x64xbf16, #tpu.memory_space<vmem_shared>> -> memref<1x128x64xbf16, #tpu.memory_space<vmem_shared>>
      %dma_wait3A_184 = tpu.memref_squeeze %dma_wait3A_183 : memref<1x128x64xbf16, #tpu.memory_space<vmem_shared>> -> memref<128x64xbf16, #tpu.memory_space<vmem_shared>>
      %dma_wait3A_185 = arith.constant 0 : i32
      %dma_wait3A_186 = tpu.memref_slice %arg11[%run_scoped3A_74, %add3A_73, %dma_wait3A_185] : memref<3x10240x64xbf16, #tpu.memory_space<vmem_shared>> -> memref<1x128x64xbf16, #tpu.memory_space<vmem_shared>>
      %dma_wait3A_187 = tpu.memref_squeeze %dma_wait3A_186 : memref<1x128x64xbf16, #tpu.memory_space<vmem_shared>> -> memref<128x64xbf16, #tpu.memory_space<vmem_shared>>
      tpu.wait_dma2 semaphore(%run_scoped3A_175 : memref<!tpu.dma_semaphore, #tpu.memory_space<semaphore_mem>>) src(%arg10 : memref<128x64xbf16, #tpu.memory_space<vmem>>) dst(%dma_wait3A_187 : memref<128x64xbf16, #tpu.memory_space<vmem_shared>>)
      tpu.yield
    }) : () -> ()
    %mul3A_75 = arith.constant 640 : i32
    %mul3A_76 = arith.muli %arg1, %mul3A_75 : i32
    %add3A_77 = arith.constant 384 : i32
    %add3A_78 = arith.addi %mul3A_76, %add3A_77 : i32
    %run_scoped3A_79 = arith.constant 0 : i32
    "tpu.region"() ({
      %run_scoped3A_175 = tpu.sem_alloc : memref<!tpu.dma_semaphore, #tpu.memory_space<semaphore_mem>>
      %dma_start3A_176 = arith.constant 0 : i32
      %dma_start3A_177 = tpu.memref_slice %arg11[%run_scoped3A_79, %add3A_78, %dma_start3A_176] : memref<3x10240x64xbf16, #tpu.memory_space<vmem_shared>> -> memref<1x128x64xbf16, #tpu.memory_space<vmem_shared>>
      %dma_start3A_178 = tpu.memref_squeeze %dma_start3A_177 : memref<1x128x64xbf16, #tpu.memory_space<vmem_shared>> -> memref<128x64xbf16, #tpu.memory_space<vmem_shared>>
      %dma_start3A_179 = arith.constant 0 : i32
      %dma_start3A_180 = tpu.memref_slice %arg11[%run_scoped3A_79, %add3A_78, %dma_start3A_179] : memref<3x10240x64xbf16, #tpu.memory_space<vmem_shared>> -> memref<1x128x64xbf16, #tpu.memory_space<vmem_shared>>
      %dma_start3A_181 = tpu.memref_squeeze %dma_start3A_180 : memref<1x128x64xbf16, #tpu.memory_space<vmem_shared>> -> memref<128x64xbf16, #tpu.memory_space<vmem_shared>>
      tpu.enqueue_dma source(%arg10 : memref<128x64xbf16, #tpu.memory_space<vmem>>) target(%dma_start3A_181 : memref<128x64xbf16, #tpu.memory_space<vmem_shared>>) target_semaphore(%run_scoped3A_175 : memref<!tpu.dma_semaphore, #tpu.memory_space<semaphore_mem>>)
      %dma_wait3A_182 = arith.constant 0 : i32
      %dma_wait3A_183 = tpu.memref_slice %arg11[%run_scoped3A_79, %add3A_78, %dma_wait3A_182] : memref<3x10240x64xbf16, #tpu.memory_space<vmem_shared>> -> memref<1x128x64xbf16, #tpu.memory_space<vmem_shared>>
      %dma_wait3A_184 = tpu.memref_squeeze %dma_wait3A_183 : memref<1x128x64xbf16, #tpu.memory_space<vmem_shared>> -> memref<128x64xbf16, #tpu.memory_space<vmem_shared>>
      %dma_wait3A_185 = arith.constant 0 : i32
      %dma_wait3A_186 = tpu.memref_slice %arg11[%run_scoped3A_79, %add3A_78, %dma_wait3A_185] : memref<3x10240x64xbf16, #tpu.memory_space<vmem_shared>> -> memref<1x128x64xbf16, #tpu.memory_space<vmem_shared>>
      %dma_wait3A_187 = tpu.memref_squeeze %dma_wait3A_186 : memref<1x128x64xbf16, #tpu.memory_space<vmem_shared>> -> memref<128x64xbf16, #tpu.memory_space<vmem_shared>>
      tpu.wait_dma2 semaphore(%run_scoped3A_175 : memref<!tpu.dma_semaphore, #tpu.memory_space<semaphore_mem>>) src(%arg10 : memref<128x64xbf16, #tpu.memory_space<vmem>>) dst(%dma_wait3A_187 : memref<128x64xbf16, #tpu.memory_space<vmem_shared>>)
      tpu.yield
    }) : () -> ()
    %mul3A_80 = arith.constant 640 : i32
    %mul3A_81 = arith.muli %arg1, %mul3A_80 : i32
    %add3A_82 = arith.constant 512 : i32
    %add3A_83 = arith.addi %mul3A_81, %add3A_82 : i32
    %run_scoped3A_84 = arith.constant 0 : i32
    "tpu.region"() ({
      %run_scoped3A_175 = tpu.sem_alloc : memref<!tpu.dma_semaphore, #tpu.memory_space<semaphore_mem>>
      %dma_start3A_176 = arith.constant 0 : i32
      %dma_start3A_177 = tpu.memref_slice %arg11[%run_scoped3A_84, %add3A_83, %dma_start3A_176] : memref<3x10240x64xbf16, #tpu.memory_space<vmem_shared>> -> memref<1x128x64xbf16, #tpu.memory_space<vmem_shared>>
      %dma_start3A_178 = tpu.memref_squeeze %dma_start3A_177 : memref<1x128x64xbf16, #tpu.memory_space<vmem_shared>> -> memref<128x64xbf16, #tpu.memory_space<vmem_shared>>
      %dma_start3A_179 = arith.constant 0 : i32
      %dma_start3A_180 = tpu.memref_slice %arg11[%run_scoped3A_84, %add3A_83, %dma_start3A_179] : memref<3x10240x64xbf16, #tpu.memory_space<vmem_shared>> -> memref<1x128x64xbf16, #tpu.memory_space<vmem_shared>>
      %dma_start3A_181 = tpu.memref_squeeze %dma_start3A_180 : memref<1x128x64xbf16, #tpu.memory_space<vmem_shared>> -> memref<128x64xbf16, #tpu.memory_space<vmem_shared>>
      tpu.enqueue_dma source(%arg10 : memref<128x64xbf16, #tpu.memory_space<vmem>>) target(%dma_start3A_181 : memref<128x64xbf16, #tpu.memory_space<vmem_shared>>) target_semaphore(%run_scoped3A_175 : memref<!tpu.dma_semaphore, #tpu.memory_space<semaphore_mem>>)
      %dma_wait3A_182 = arith.constant 0 : i32
      %dma_wait3A_183 = tpu.memref_slice %arg11[%run_scoped3A_84, %add3A_83, %dma_wait3A_182] : memref<3x10240x64xbf16, #tpu.memory_space<vmem_shared>> -> memref<1x128x64xbf16, #tpu.memory_space<vmem_shared>>
      %dma_wait3A_184 = tpu.memref_squeeze %dma_wait3A_183 : memref<1x128x64xbf16, #tpu.memory_space<vmem_shared>> -> memref<128x64xbf16, #tpu.memory_space<vmem_shared>>
      %dma_wait3A_185 = arith.constant 0 : i32
      %dma_wait3A_186 = tpu.memref_slice %arg11[%run_scoped3A_84, %add3A_83, %dma_wait3A_185] : memref<3x10240x64xbf16, #tpu.memory_space<vmem_shared>> -> memref<1x128x64xbf16, #tpu.memory_space<vmem_shared>>
      %dma_wait3A_187 = tpu.memref_squeeze %dma_wait3A_186 : memref<1x128x64xbf16, #tpu.memory_space<vmem_shared>> -> memref<128x64xbf16, #tpu.memory_space<vmem_shared>>
      tpu.wait_dma2 semaphore(%run_scoped3A_175 : memref<!tpu.dma_semaphore, #tpu.memory_space<semaphore_mem>>) src(%arg10 : memref<128x64xbf16, #tpu.memory_space<vmem>>) dst(%dma_wait3A_187 : memref<128x64xbf16, #tpu.memory_space<vmem_shared>>)
      tpu.yield
    }) : () -> ()
    %mul3A_85 = arith.constant 640 : i32
    %mul3A_86 = arith.muli %arg1, %mul3A_85 : i32
    %add3A_87 = arith.constant 0 : i32
    %add3A_88 = arith.addi %mul3A_86, %add3A_87 : i32
    %run_scoped3A_89 = arith.constant 1 : i32
    "tpu.region"() ({
      %run_scoped3A_175 = tpu.sem_alloc : memref<!tpu.dma_semaphore, #tpu.memory_space<semaphore_mem>>
      %dma_start3A_176 = arith.constant 0 : i32
      %dma_start3A_177 = tpu.memref_slice %arg11[%run_scoped3A_89, %add3A_88, %dma_start3A_176] : memref<3x10240x64xbf16, #tpu.memory_space<vmem_shared>> -> memref<1x128x64xbf16, #tpu.memory_space<vmem_shared>>
      %dma_start3A_178 = tpu.memref_squeeze %dma_start3A_177 : memref<1x128x64xbf16, #tpu.memory_space<vmem_shared>> -> memref<128x64xbf16, #tpu.memory_space<vmem_shared>>
      %dma_start3A_179 = arith.constant 0 : i32
      %dma_start3A_180 = tpu.memref_slice %arg11[%run_scoped3A_89, %add3A_88, %dma_start3A_179] : memref<3x10240x64xbf16, #tpu.memory_space<vmem_shared>> -> memref<1x128x64xbf16, #tpu.memory_space<vmem_shared>>
      %dma_start3A_181 = tpu.memref_squeeze %dma_start3A_180 : memref<1x128x64xbf16, #tpu.memory_space<vmem_shared>> -> memref<128x64xbf16, #tpu.memory_space<vmem_shared>>
      tpu.enqueue_dma source(%arg10 : memref<128x64xbf16, #tpu.memory_space<vmem>>) target(%dma_start3A_181 : memref<128x64xbf16, #tpu.memory_space<vmem_shared>>) target_semaphore(%run_scoped3A_175 : memref<!tpu.dma_semaphore, #tpu.memory_space<semaphore_mem>>)
      %dma_wait3A_182 = arith.constant 0 : i32
      %dma_wait3A_183 = tpu.memref_slice %arg11[%run_scoped3A_89, %add3A_88, %dma_wait3A_182] : memref<3x10240x64xbf16, #tpu.memory_space<vmem_shared>> -> memref<1x128x64xbf16, #tpu.memory_space<vmem_shared>>
      %dma_wait3A_184 = tpu.memref_squeeze %dma_wait3A_183 : memref<1x128x64xbf16, #tpu.memory_space<vmem_shared>> -> memref<128x64xbf16, #tpu.memory_space<vmem_shared>>
      %dma_wait3A_185 = arith.constant 0 : i32
      %dma_wait3A_186 = tpu.memref_slice %arg11[%run_scoped3A_89, %add3A_88, %dma_wait3A_185] : memref<3x10240x64xbf16, #tpu.memory_space<vmem_shared>> -> memref<1x128x64xbf16, #tpu.memory_space<vmem_shared>>
      %dma_wait3A_187 = tpu.memref_squeeze %dma_wait3A_186 : memref<1x128x64xbf16, #tpu.memory_space<vmem_shared>> -> memref<128x64xbf16, #tpu.memory_space<vmem_shared>>
      tpu.wait_dma2 semaphore(%run_scoped3A_175 : memref<!tpu.dma_semaphore, #tpu.memory_space<semaphore_mem>>) src(%arg10 : memref<128x64xbf16, #tpu.memory_space<vmem>>) dst(%dma_wait3A_187 : memref<128x64xbf16, #tpu.memory_space<vmem_shared>>)
      tpu.yield
    }) : () -> ()
    %mul3A_90 = arith.constant 640 : i32
    %mul3A_91 = arith.muli %arg1, %mul3A_90 : i32
    %add3A_92 = arith.constant 128 : i32
    %add3A_93 = arith.addi %mul3A_91, %add3A_92 : i32
    %run_scoped3A_94 = arith.constant 1 : i32
    "tpu.region"() ({
      %run_scoped3A_175 = tpu.sem_alloc : memref<!tpu.dma_semaphore, #tpu.memory_space<semaphore_mem>>
      %dma_start3A_176 = arith.constant 0 : i32
      %dma_start3A_177 = tpu.memref_slice %arg11[%run_scoped3A_94, %add3A_93, %dma_start3A_176] : memref<3x10240x64xbf16, #tpu.memory_space<vmem_shared>> -> memref<1x128x64xbf16, #tpu.memory_space<vmem_shared>>
      %dma_start3A_178 = tpu.memref_squeeze %dma_start3A_177 : memref<1x128x64xbf16, #tpu.memory_space<vmem_shared>> -> memref<128x64xbf16, #tpu.memory_space<vmem_shared>>
      %dma_start3A_179 = arith.constant 0 : i32
      %dma_start3A_180 = tpu.memref_slice %arg11[%run_scoped3A_94, %add3A_93, %dma_start3A_179] : memref<3x10240x64xbf16, #tpu.memory_space<vmem_shared>> -> memref<1x128x64xbf16, #tpu.memory_space<vmem_shared>>
      %dma_start3A_181 = tpu.memref_squeeze %dma_start3A_180 : memref<1x128x64xbf16, #tpu.memory_space<vmem_shared>> -> memref<128x64xbf16, #tpu.memory_space<vmem_shared>>
      tpu.enqueue_dma source(%arg10 : memref<128x64xbf16, #tpu.memory_space<vmem>>) target(%dma_start3A_181 : memref<128x64xbf16, #tpu.memory_space<vmem_shared>>) target_semaphore(%run_scoped3A_175 : memref<!tpu.dma_semaphore, #tpu.memory_space<semaphore_mem>>)
      %dma_wait3A_182 = arith.constant 0 : i32
      %dma_wait3A_183 = tpu.memref_slice %arg11[%run_scoped3A_94, %add3A_93, %dma_wait3A_182] : memref<3x10240x64xbf16, #tpu.memory_space<vmem_shared>> -> memref<1x128x64xbf16, #tpu.memory_space<vmem_shared>>
      %dma_wait3A_184 = tpu.memref_squeeze %dma_wait3A_183 : memref<1x128x64xbf16, #tpu.memory_space<vmem_shared>> -> memref<128x64xbf16, #tpu.memory_space<vmem_shared>>
      %dma_wait3A_185 = arith.constant 0 : i32
      %dma_wait3A_186 = tpu.memref_slice %arg11[%run_scoped3A_94, %add3A_93, %dma_wait3A_185] : memref<3x10240x64xbf16, #tpu.memory_space<vmem_shared>> -> memref<1x128x64xbf16, #tpu.memory_space<vmem_shared>>
      %dma_wait3A_187 = tpu.memref_squeeze %dma_wait3A_186 : memref<1x128x64xbf16, #tpu.memory_space<vmem_shared>> -> memref<128x64xbf16, #tpu.memory_space<vmem_shared>>
      tpu.wait_dma2 semaphore(%run_scoped3A_175 : memref<!tpu.dma_semaphore, #tpu.memory_space<semaphore_mem>>) src(%arg10 : memref<128x64xbf16, #tpu.memory_space<vmem>>) dst(%dma_wait3A_187 : memref<128x64xbf16, #tpu.memory_space<vmem_shared>>)
      tpu.yield
    }) : () -> ()
    %mul3A_95 = arith.constant 640 : i32
    %mul3A_96 = arith.muli %arg1, %mul3A_95 : i32
    %add3A_97 = arith.constant 256 : i32
    %add3A_98 = arith.addi %mul3A_96, %add3A_97 : i32
    %run_scoped3A_99 = arith.constant 1 : i32
    "tpu.region"() ({
      %run_scoped3A_175 = tpu.sem_alloc : memref<!tpu.dma_semaphore, #tpu.memory_space<semaphore_mem>>
      %dma_start3A_176 = arith.constant 0 : i32
      %dma_start3A_177 = tpu.memref_slice %arg11[%run_scoped3A_99, %add3A_98, %dma_start3A_176] : memref<3x10240x64xbf16, #tpu.memory_space<vmem_shared>> -> memref<1x128x64xbf16, #tpu.memory_space<vmem_shared>>
      %dma_start3A_178 = tpu.memref_squeeze %dma_start3A_177 : memref<1x128x64xbf16, #tpu.memory_space<vmem_shared>> -> memref<128x64xbf16, #tpu.memory_space<vmem_shared>>
      %dma_start3A_179 = arith.constant 0 : i32
      %dma_start3A_180 = tpu.memref_slice %arg11[%run_scoped3A_99, %add3A_98, %dma_start3A_179] : memref<3x10240x64xbf16, #tpu.memory_space<vmem_shared>> -> memref<1x128x64xbf16, #tpu.memory_space<vmem_shared>>
      %dma_start3A_181 = tpu.memref_squeeze %dma_start3A_180 : memref<1x128x64xbf16, #tpu.memory_space<vmem_shared>> -> memref<128x64xbf16, #tpu.memory_space<vmem_shared>>
      tpu.enqueue_dma source(%arg10 : memref<128x64xbf16, #tpu.memory_space<vmem>>) target(%dma_start3A_181 : memref<128x64xbf16, #tpu.memory_space<vmem_shared>>) target_semaphore(%run_scoped3A_175 : memref<!tpu.dma_semaphore, #tpu.memory_space<semaphore_mem>>)
      %dma_wait3A_182 = arith.constant 0 : i32
      %dma_wait3A_183 = tpu.memref_slice %arg11[%run_scoped3A_99, %add3A_98, %dma_wait3A_182] : memref<3x10240x64xbf16, #tpu.memory_space<vmem_shared>> -> memref<1x128x64xbf16, #tpu.memory_space<vmem_shared>>
      %dma_wait3A_184 = tpu.memref_squeeze %dma_wait3A_183 : memref<1x128x64xbf16, #tpu.memory_space<vmem_shared>> -> memref<128x64xbf16, #tpu.memory_space<vmem_shared>>
      %dma_wait3A_185 = arith.constant 0 : i32
      %dma_wait3A_186 = tpu.memref_slice %arg11[%run_scoped3A_99, %add3A_98, %dma_wait3A_185] : memref<3x10240x64xbf16, #tpu.memory_space<vmem_shared>> -> memref<1x128x64xbf16, #tpu.memory_space<vmem_shared>>
      %dma_wait3A_187 = tpu.memref_squeeze %dma_wait3A_186 : memref<1x128x64xbf16, #tpu.memory_space<vmem_shared>> -> memref<128x64xbf16, #tpu.memory_space<vmem_shared>>
      tpu.wait_dma2 semaphore(%run_scoped3A_175 : memref<!tpu.dma_semaphore, #tpu.memory_space<semaphore_mem>>) src(%arg10 : memref<128x64xbf16, #tpu.memory_space<vmem>>) dst(%dma_wait3A_187 : memref<128x64xbf16, #tpu.memory_space<vmem_shared>>)
      tpu.yield
    }) : () -> ()
    %mul3A_100 = arith.constant 640 : i32
    %mul3A_101 = arith.muli %arg1, %mul3A_100 : i32
    %add3A_102 = arith.constant 384 : i32
    %add3A_103 = arith.addi %mul3A_101, %add3A_102 : i32
    %run_scoped3A_104 = arith.constant 1 : i32
    "tpu.region"() ({
      %run_scoped3A_175 = tpu.sem_alloc : memref<!tpu.dma_semaphore, #tpu.memory_space<semaphore_mem>>
      %dma_start3A_176 = arith.constant 0 : i32
      %dma_start3A_177 = tpu.memref_slice %arg11[%run_scoped3A_104, %add3A_103, %dma_start3A_176] : memref<3x10240x64xbf16, #tpu.memory_space<vmem_shared>> -> memref<1x128x64xbf16, #tpu.memory_space<vmem_shared>>
      %dma_start3A_178 = tpu.memref_squeeze %dma_start3A_177 : memref<1x128x64xbf16, #tpu.memory_space<vmem_shared>> -> memref<128x64xbf16, #tpu.memory_space<vmem_shared>>
      %dma_start3A_179 = arith.constant 0 : i32
      %dma_start3A_180 = tpu.memref_slice %arg11[%run_scoped3A_104, %add3A_103, %dma_start3A_179] : memref<3x10240x64xbf16, #tpu.memory_space<vmem_shared>> -> memref<1x128x64xbf16, #tpu.memory_space<vmem_shared>>
      %dma_start3A_181 = tpu.memref_squeeze %dma_start3A_180 : memref<1x128x64xbf16, #tpu.memory_space<vmem_shared>> -> memref<128x64xbf16, #tpu.memory_space<vmem_shared>>
      tpu.enqueue_dma source(%arg10 : memref<128x64xbf16, #tpu.memory_space<vmem>>) target(%dma_start3A_181 : memref<128x64xbf16, #tpu.memory_space<vmem_shared>>) target_semaphore(%run_scoped3A_175 : memref<!tpu.dma_semaphore, #tpu.memory_space<semaphore_mem>>)
      %dma_wait3A_182 = arith.constant 0 : i32
      %dma_wait3A_183 = tpu.memref_slice %arg11[%run_scoped3A_104, %add3A_103, %dma_wait3A_182] : memref<3x10240x64xbf16, #tpu.memory_space<vmem_shared>> -> memref<1x128x64xbf16, #tpu.memory_space<vmem_shared>>
      %dma_wait3A_184 = tpu.memref_squeeze %dma_wait3A_183 : memref<1x128x64xbf16, #tpu.memory_space<vmem_shared>> -> memref<128x64xbf16, #tpu.memory_space<vmem_shared>>
      %dma_wait3A_185 = arith.constant 0 : i32
      %dma_wait3A_186 = tpu.memref_slice %arg11[%run_scoped3A_104, %add3A_103, %dma_wait3A_185] : memref<3x10240x64xbf16, #tpu.memory_space<vmem_shared>> -> memref<1x128x64xbf16, #tpu.memory_space<vmem_shared>>
      %dma_wait3A_187 = tpu.memref_squeeze %dma_wait3A_186 : memref<1x128x64xbf16, #tpu.memory_space<vmem_shared>> -> memref<128x64xbf16, #tpu.memory_space<vmem_shared>>
      tpu.wait_dma2 semaphore(%run_scoped3A_175 : memref<!tpu.dma_semaphore, #tpu.memory_space<semaphore_mem>>) src(%arg10 : memref<128x64xbf16, #tpu.memory_space<vmem>>) dst(%dma_wait3A_187 : memref<128x64xbf16, #tpu.memory_space<vmem_shared>>)
      tpu.yield
    }) : () -> ()
    %mul3A_105 = arith.constant 640 : i32
    %mul3A_106 = arith.muli %arg1, %mul3A_105 : i32
    %add3A_107 = arith.constant 512 : i32
    %add3A_108 = arith.addi %mul3A_106, %add3A_107 : i32
    %run_scoped3A_109 = arith.constant 1 : i32
    "tpu.region"() ({
      %run_scoped3A_175 = tpu.sem_alloc : memref<!tpu.dma_semaphore, #tpu.memory_space<semaphore_mem>>
      %dma_start3A_176 = arith.constant 0 : i32
      %dma_start3A_177 = tpu.memref_slice %arg11[%run_scoped3A_109, %add3A_108, %dma_start3A_176] : memref<3x10240x64xbf16, #tpu.memory_space<vmem_shared>> -> memref<1x128x64xbf16, #tpu.memory_space<vmem_shared>>
      %dma_start3A_178 = tpu.memref_squeeze %dma_start3A_177 : memref<1x128x64xbf16, #tpu.memory_space<vmem_shared>> -> memref<128x64xbf16, #tpu.memory_space<vmem_shared>>
      %dma_start3A_179 = arith.constant 0 : i32
      %dma_start3A_180 = tpu.memref_slice %arg11[%run_scoped3A_109, %add3A_108, %dma_start3A_179] : memref<3x10240x64xbf16, #tpu.memory_space<vmem_shared>> -> memref<1x128x64xbf16, #tpu.memory_space<vmem_shared>>
      %dma_start3A_181 = tpu.memref_squeeze %dma_start3A_180 : memref<1x128x64xbf16, #tpu.memory_space<vmem_shared>> -> memref<128x64xbf16, #tpu.memory_space<vmem_shared>>
      tpu.enqueue_dma source(%arg10 : memref<128x64xbf16, #tpu.memory_space<vmem>>) target(%dma_start3A_181 : memref<128x64xbf16, #tpu.memory_space<vmem_shared>>) target_semaphore(%run_scoped3A_175 : memref<!tpu.dma_semaphore, #tpu.memory_space<semaphore_mem>>)
      %dma_wait3A_182 = arith.constant 0 : i32
      %dma_wait3A_183 = tpu.memref_slice %arg11[%run_scoped3A_109, %add3A_108, %dma_wait3A_182] : memref<3x10240x64xbf16, #tpu.memory_space<vmem_shared>> -> memref<1x128x64xbf16, #tpu.memory_space<vmem_shared>>
      %dma_wait3A_184 = tpu.memref_squeeze %dma_wait3A_183 : memref<1x128x64xbf16, #tpu.memory_space<vmem_shared>> -> memref<128x64xbf16, #tpu.memory_space<vmem_shared>>
      %dma_wait3A_185 = arith.constant 0 : i32
      %dma_wait3A_186 = tpu.memref_slice %arg11[%run_scoped3A_109, %add3A_108, %dma_wait3A_185] : memref<3x10240x64xbf16, #tpu.memory_space<vmem_shared>> -> memref<1x128x64xbf16, #tpu.memory_space<vmem_shared>>
      %dma_wait3A_187 = tpu.memref_squeeze %dma_wait3A_186 : memref<1x128x64xbf16, #tpu.memory_space<vmem_shared>> -> memref<128x64xbf16, #tpu.memory_space<vmem_shared>>
      tpu.wait_dma2 semaphore(%run_scoped3A_175 : memref<!tpu.dma_semaphore, #tpu.memory_space<semaphore_mem>>) src(%arg10 : memref<128x64xbf16, #tpu.memory_space<vmem>>) dst(%dma_wait3A_187 : memref<128x64xbf16, #tpu.memory_space<vmem_shared>>)
      tpu.yield
    }) : () -> ()
    %mul3A_110 = arith.constant 640 : i32
    %mul3A_111 = arith.muli %arg1, %mul3A_110 : i32
    %add3A_112 = arith.constant 0 : i32
    %add3A_113 = arith.addi %mul3A_111, %add3A_112 : i32
    %run_scoped3A_114 = arith.constant 2 : i32
    "tpu.region"() ({
      %run_scoped3A_175 = tpu.sem_alloc : memref<!tpu.dma_semaphore, #tpu.memory_space<semaphore_mem>>
      %dma_start3A_176 = arith.constant 0 : i32
      %dma_start3A_177 = tpu.memref_slice %arg11[%run_scoped3A_114, %add3A_113, %dma_start3A_176] : memref<3x10240x64xbf16, #tpu.memory_space<vmem_shared>> -> memref<1x128x64xbf16, #tpu.memory_space<vmem_shared>>
      %dma_start3A_178 = tpu.memref_squeeze %dma_start3A_177 : memref<1x128x64xbf16, #tpu.memory_space<vmem_shared>> -> memref<128x64xbf16, #tpu.memory_space<vmem_shared>>
      %dma_start3A_179 = arith.constant 0 : i32
      %dma_start3A_180 = tpu.memref_slice %arg11[%run_scoped3A_114, %add3A_113, %dma_start3A_179] : memref<3x10240x64xbf16, #tpu.memory_space<vmem_shared>> -> memref<1x128x64xbf16, #tpu.memory_space<vmem_shared>>
      %dma_start3A_181 = tpu.memref_squeeze %dma_start3A_180 : memref<1x128x64xbf16, #tpu.memory_space<vmem_shared>> -> memref<128x64xbf16, #tpu.memory_space<vmem_shared>>
      tpu.enqueue_dma source(%arg10 : memref<128x64xbf16, #tpu.memory_space<vmem>>) target(%dma_start3A_181 : memref<128x64xbf16, #tpu.memory_space<vmem_shared>>) target_semaphore(%run_scoped3A_175 : memref<!tpu.dma_semaphore, #tpu.memory_space<semaphore_mem>>)
      %dma_wait3A_182 = arith.constant 0 : i32
      %dma_wait3A_183 = tpu.memref_slice %arg11[%run_scoped3A_114, %add3A_113, %dma_wait3A_182] : memref<3x10240x64xbf16, #tpu.memory_space<vmem_shared>> -> memref<1x128x64xbf16, #tpu.memory_space<vmem_shared>>
      %dma_wait3A_184 = tpu.memref_squeeze %dma_wait3A_183 : memref<1x128x64xbf16, #tpu.memory_space<vmem_shared>> -> memref<128x64xbf16, #tpu.memory_space<vmem_shared>>
      %dma_wait3A_185 = arith.constant 0 : i32
      %dma_wait3A_186 = tpu.memref_slice %arg11[%run_scoped3A_114, %add3A_113, %dma_wait3A_185] : memref<3x10240x64xbf16, #tpu.memory_space<vmem_shared>> -> memref<1x128x64xbf16, #tpu.memory_space<vmem_shared>>
      %dma_wait3A_187 = tpu.memref_squeeze %dma_wait3A_186 : memref<1x128x64xbf16, #tpu.memory_space<vmem_shared>> -> memref<128x64xbf16, #tpu.memory_space<vmem_shared>>
      tpu.wait_dma2 semaphore(%run_scoped3A_175 : memref<!tpu.dma_semaphore, #tpu.memory_space<semaphore_mem>>) src(%arg10 : memref<128x64xbf16, #tpu.memory_space<vmem>>) dst(%dma_wait3A_187 : memref<128x64xbf16, #tpu.memory_space<vmem_shared>>)
      tpu.yield
    }) : () -> ()
    %mul3A_115 = arith.constant 640 : i32
    %mul3A_116 = arith.muli %arg1, %mul3A_115 : i32
    %add3A_117 = arith.constant 128 : i32
    %add3A_118 = arith.addi %mul3A_116, %add3A_117 : i32
    %run_scoped3A_119 = arith.constant 2 : i32
    "tpu.region"() ({
      %run_scoped3A_175 = tpu.sem_alloc : memref<!tpu.dma_semaphore, #tpu.memory_space<semaphore_mem>>
      %dma_start3A_176 = arith.constant 0 : i32
      %dma_start3A_177 = tpu.memref_slice %arg11[%run_scoped3A_119, %add3A_118, %dma_start3A_176] : memref<3x10240x64xbf16, #tpu.memory_space<vmem_shared>> -> memref<1x128x64xbf16, #tpu.memory_space<vmem_shared>>
      %dma_start3A_178 = tpu.memref_squeeze %dma_start3A_177 : memref<1x128x64xbf16, #tpu.memory_space<vmem_shared>> -> memref<128x64xbf16, #tpu.memory_space<vmem_shared>>
      %dma_start3A_179 = arith.constant 0 : i32
      %dma_start3A_180 = tpu.memref_slice %arg11[%run_scoped3A_119, %add3A_118, %dma_start3A_179] : memref<3x10240x64xbf16, #tpu.memory_space<vmem_shared>> -> memref<1x128x64xbf16, #tpu.memory_space<vmem_shared>>
      %dma_start3A_181 = tpu.memref_squeeze %dma_start3A_180 : memref<1x128x64xbf16, #tpu.memory_space<vmem_shared>> -> memref<128x64xbf16, #tpu.memory_space<vmem_shared>>
      tpu.enqueue_dma source(%arg10 : memref<128x64xbf16, #tpu.memory_space<vmem>>) target(%dma_start3A_181 : memref<128x64xbf16, #tpu.memory_space<vmem_shared>>) target_semaphore(%run_scoped3A_175 : memref<!tpu.dma_semaphore, #tpu.memory_space<semaphore_mem>>)
      %dma_wait3A_182 = arith.constant 0 : i32
      %dma_wait3A_183 = tpu.memref_slice %arg11[%run_scoped3A_119, %add3A_118, %dma_wait3A_182] : memref<3x10240x64xbf16, #tpu.memory_space<vmem_shared>> -> memref<1x128x64xbf16, #tpu.memory_space<vmem_shared>>
      %dma_wait3A_184 = tpu.memref_squeeze %dma_wait3A_183 : memref<1x128x64xbf16, #tpu.memory_space<vmem_shared>> -> memref<128x64xbf16, #tpu.memory_space<vmem_shared>>
      %dma_wait3A_185 = arith.constant 0 : i32
      %dma_wait3A_186 = tpu.memref_slice %arg11[%run_scoped3A_119, %add3A_118, %dma_wait3A_185] : memref<3x10240x64xbf16, #tpu.memory_space<vmem_shared>> -> memref<1x128x64xbf16, #tpu.memory_space<vmem_shared>>
      %dma_wait3A_187 = tpu.memref_squeeze %dma_wait3A_186 : memref<1x128x64xbf16, #tpu.memory_space<vmem_shared>> -> memref<128x64xbf16, #tpu.memory_space<vmem_shared>>
      tpu.wait_dma2 semaphore(%run_scoped3A_175 : memref<!tpu.dma_semaphore, #tpu.memory_space<semaphore_mem>>) src(%arg10 : memref<128x64xbf16, #tpu.memory_space<vmem>>) dst(%dma_wait3A_187 : memref<128x64xbf16, #tpu.memory_space<vmem_shared>>)
      tpu.yield
    }) : () -> ()
    %mul3A_120 = arith.constant 640 : i32
    %mul3A_121 = arith.muli %arg1, %mul3A_120 : i32
    %add3A_122 = arith.constant 256 : i32
    %add3A_123 = arith.addi %mul3A_121, %add3A_122 : i32
    %run_scoped3A_124 = arith.constant 2 : i32
    "tpu.region"() ({
      %run_scoped3A_175 = tpu.sem_alloc : memref<!tpu.dma_semaphore, #tpu.memory_space<semaphore_mem>>
      %dma_start3A_176 = arith.constant 0 : i32
      %dma_start3A_177 = tpu.memref_slice %arg11[%run_scoped3A_124, %add3A_123, %dma_start3A_176] : memref<3x10240x64xbf16, #tpu.memory_space<vmem_shared>> -> memref<1x128x64xbf16, #tpu.memory_space<vmem_shared>>
      %dma_start3A_178 = tpu.memref_squeeze %dma_start3A_177 : memref<1x128x64xbf16, #tpu.memory_space<vmem_shared>> -> memref<128x64xbf16, #tpu.memory_space<vmem_shared>>
      %dma_start3A_179 = arith.constant 0 : i32
      %dma_start3A_180 = tpu.memref_slice %arg11[%run_scoped3A_124, %add3A_123, %dma_start3A_179] : memref<3x10240x64xbf16, #tpu.memory_space<vmem_shared>> -> memref<1x128x64xbf16, #tpu.memory_space<vmem_shared>>
      %dma_start3A_181 = tpu.memref_squeeze %dma_start3A_180 : memref<1x128x64xbf16, #tpu.memory_space<vmem_shared>> -> memref<128x64xbf16, #tpu.memory_space<vmem_shared>>
      tpu.enqueue_dma source(%arg10 : memref<128x64xbf16, #tpu.memory_space<vmem>>) target(%dma_start3A_181 : memref<128x64xbf16, #tpu.memory_space<vmem_shared>>) target_semaphore(%run_scoped3A_175 : memref<!tpu.dma_semaphore, #tpu.memory_space<semaphore_mem>>)
      %dma_wait3A_182 = arith.constant 0 : i32
      %dma_wait3A_183 = tpu.memref_slice %arg11[%run_scoped3A_124, %add3A_123, %dma_wait3A_182] : memref<3x10240x64xbf16, #tpu.memory_space<vmem_shared>> -> memref<1x128x64xbf16, #tpu.memory_space<vmem_shared>>
      %dma_wait3A_184 = tpu.memref_squeeze %dma_wait3A_183 : memref<1x128x64xbf16, #tpu.memory_space<vmem_shared>> -> memref<128x64xbf16, #tpu.memory_space<vmem_shared>>
      %dma_wait3A_185 = arith.constant 0 : i32
      %dma_wait3A_186 = tpu.memref_slice %arg11[%run_scoped3A_124, %add3A_123, %dma_wait3A_185] : memref<3x10240x64xbf16, #tpu.memory_space<vmem_shared>> -> memref<1x128x64xbf16, #tpu.memory_space<vmem_shared>>
      %dma_wait3A_187 = tpu.memref_squeeze %dma_wait3A_186 : memref<1x128x64xbf16, #tpu.memory_space<vmem_shared>> -> memref<128x64xbf16, #tpu.memory_space<vmem_shared>>
      tpu.wait_dma2 semaphore(%run_scoped3A_175 : memref<!tpu.dma_semaphore, #tpu.memory_space<semaphore_mem>>) src(%arg10 : memref<128x64xbf16, #tpu.memory_space<vmem>>) dst(%dma_wait3A_187 : memref<128x64xbf16, #tpu.memory_space<vmem_shared>>)
      tpu.yield
    }) : () -> ()
    %mul3A_125 = arith.constant 640 : i32
    %mul3A_126 = arith.muli %arg1, %mul3A_125 : i32
    %add3A_127 = arith.constant 384 : i32
    %add3A_128 = arith.addi %mul3A_126, %add3A_127 : i32
    %run_scoped3A_129 = arith.constant 2 : i32
    "tpu.region"() ({
      %run_scoped3A_175 = tpu.sem_alloc : memref<!tpu.dma_semaphore, #tpu.memory_space<semaphore_mem>>
      %dma_start3A_176 = arith.constant 0 : i32
      %dma_start3A_177 = tpu.memref_slice %arg11[%run_scoped3A_129, %add3A_128, %dma_start3A_176] : memref<3x10240x64xbf16, #tpu.memory_space<vmem_shared>> -> memref<1x128x64xbf16, #tpu.memory_space<vmem_shared>>
      %dma_start3A_178 = tpu.memref_squeeze %dma_start3A_177 : memref<1x128x64xbf16, #tpu.memory_space<vmem_shared>> -> memref<128x64xbf16, #tpu.memory_space<vmem_shared>>
      %dma_start3A_179 = arith.constant 0 : i32
      %dma_start3A_180 = tpu.memref_slice %arg11[%run_scoped3A_129, %add3A_128, %dma_start3A_179] : memref<3x10240x64xbf16, #tpu.memory_space<vmem_shared>> -> memref<1x128x64xbf16, #tpu.memory_space<vmem_shared>>
      %dma_start3A_181 = tpu.memref_squeeze %dma_start3A_180 : memref<1x128x64xbf16, #tpu.memory_space<vmem_shared>> -> memref<128x64xbf16, #tpu.memory_space<vmem_shared>>
      tpu.enqueue_dma source(%arg10 : memref<128x64xbf16, #tpu.memory_space<vmem>>) target(%dma_start3A_181 : memref<128x64xbf16, #tpu.memory_space<vmem_shared>>) target_semaphore(%run_scoped3A_175 : memref<!tpu.dma_semaphore, #tpu.memory_space<semaphore_mem>>)
      %dma_wait3A_182 = arith.constant 0 : i32
      %dma_wait3A_183 = tpu.memref_slice %arg11[%run_scoped3A_129, %add3A_128, %dma_wait3A_182] : memref<3x10240x64xbf16, #tpu.memory_space<vmem_shared>> -> memref<1x128x64xbf16, #tpu.memory_space<vmem_shared>>
      %dma_wait3A_184 = tpu.memref_squeeze %dma_wait3A_183 : memref<1x128x64xbf16, #tpu.memory_space<vmem_shared>> -> memref<128x64xbf16, #tpu.memory_space<vmem_shared>>
      %dma_wait3A_185 = arith.constant 0 : i32
      %dma_wait3A_186 = tpu.memref_slice %arg11[%run_scoped3A_129, %add3A_128, %dma_wait3A_185] : memref<3x10240x64xbf16, #tpu.memory_space<vmem_shared>> -> memref<1x128x64xbf16, #tpu.memory_space<vmem_shared>>
      %dma_wait3A_187 = tpu.memref_squeeze %dma_wait3A_186 : memref<1x128x64xbf16, #tpu.memory_space<vmem_shared>> -> memref<128x64xbf16, #tpu.memory_space<vmem_shared>>
      tpu.wait_dma2 semaphore(%run_scoped3A_175 : memref<!tpu.dma_semaphore, #tpu.memory_space<semaphore_mem>>) src(%arg10 : memref<128x64xbf16, #tpu.memory_space<vmem>>) dst(%dma_wait3A_187 : memref<128x64xbf16, #tpu.memory_space<vmem_shared>>)
      tpu.yield
    }) : () -> ()
    %mul3A_130 = arith.constant 640 : i32
    %mul3A_131 = arith.muli %arg1, %mul3A_130 : i32
    %add3A_132 = arith.constant 512 : i32
    %add3A_133 = arith.addi %mul3A_131, %add3A_132 : i32
    %run_scoped3A_134 = arith.constant 2 : i32
    "tpu.region"() ({
      %run_scoped3A_175 = tpu.sem_alloc : memref<!tpu.dma_semaphore, #tpu.memory_space<semaphore_mem>>
      %dma_start3A_176 = arith.constant 0 : i32
      %dma_start3A_177 = tpu.memref_slice %arg11[%run_scoped3A_134, %add3A_133, %dma_start3A_176] : memref<3x10240x64xbf16, #tpu.memory_space<vmem_shared>> -> memref<1x128x64xbf16, #tpu.memory_space<vmem_shared>>
      %dma_start3A_178 = tpu.memref_squeeze %dma_start3A_177 : memref<1x128x64xbf16, #tpu.memory_space<vmem_shared>> -> memref<128x64xbf16, #tpu.memory_space<vmem_shared>>
      %dma_start3A_179 = arith.constant 0 : i32
      %dma_start3A_180 = tpu.memref_slice %arg11[%run_scoped3A_134, %add3A_133, %dma_start3A_179] : memref<3x10240x64xbf16, #tpu.memory_space<vmem_shared>> -> memref<1x128x64xbf16, #tpu.memory_space<vmem_shared>>
      %dma_start3A_181 = tpu.memref_squeeze %dma_start3A_180 : memref<1x128x64xbf16, #tpu.memory_space<vmem_shared>> -> memref<128x64xbf16, #tpu.memory_space<vmem_shared>>
      tpu.enqueue_dma source(%arg10 : memref<128x64xbf16, #tpu.memory_space<vmem>>) target(%dma_start3A_181 : memref<128x64xbf16, #tpu.memory_space<vmem_shared>>) target_semaphore(%run_scoped3A_175 : memref<!tpu.dma_semaphore, #tpu.memory_space<semaphore_mem>>)
      %dma_wait3A_182 = arith.constant 0 : i32
      %dma_wait3A_183 = tpu.memref_slice %arg11[%run_scoped3A_134, %add3A_133, %dma_wait3A_182] : memref<3x10240x64xbf16, #tpu.memory_space<vmem_shared>> -> memref<1x128x64xbf16, #tpu.memory_space<vmem_shared>>
      %dma_wait3A_184 = tpu.memref_squeeze %dma_wait3A_183 : memref<1x128x64xbf16, #tpu.memory_space<vmem_shared>> -> memref<128x64xbf16, #tpu.memory_space<vmem_shared>>
      %dma_wait3A_185 = arith.constant 0 : i32
      %dma_wait3A_186 = tpu.memref_slice %arg11[%run_scoped3A_134, %add3A_133, %dma_wait3A_185] : memref<3x10240x64xbf16, #tpu.memory_space<vmem_shared>> -> memref<1x128x64xbf16, #tpu.memory_space<vmem_shared>>
      %dma_wait3A_187 = tpu.memref_squeeze %dma_wait3A_186 : memref<1x128x64xbf16, #tpu.memory_space<vmem_shared>> -> memref<128x64xbf16, #tpu.memory_space<vmem_shared>>
      tpu.wait_dma2 semaphore(%run_scoped3A_175 : memref<!tpu.dma_semaphore, #tpu.memory_space<semaphore_mem>>) src(%arg10 : memref<128x64xbf16, #tpu.memory_space<vmem>>) dst(%dma_wait3A_187 : memref<128x64xbf16, #tpu.memory_space<vmem_shared>>)
      tpu.yield
    }) : () -> ()
    %barrier3A = arith.constant 0 : index
    tpu.barrier barrier_id(%barrier3A)
    %scan3A = arith.constant 0 : i32
    %scan3A_135 = arith.constant 0 : i32
    %scan3A_136 = arith.constant 32 : i32
    %scan3A_137 = arith.addi %scan3A_135, %scan3A_136 : i32
    %scan3A_138 = arith.constant 1 : i32
    scf.for %scan3A_175 = %scan3A_135 to %scan3A_137 step %scan3A_138  : i32 {
      %mul3A_176 = arith.constant 5 : i32
      %mul3A_177 = arith.muli %scan3A_175, %mul3A_176 : i32
      %add3A_178 = arith.constant 0 : i32
      %add3A_179 = arith.addi %mul3A_177, %add3A_178 : i32
      %add3A_180 = arith.constant 5 : i32
      %add3A_181 = arith.addi %add3A_179, %add3A_180 : i32
      %sub3A = arith.constant 1 : i32
      %sub3A_182 = arith.subi %add3A_181, %sub3A : i32
      %dma_wait3A_183 = arith.constant 0 : i32
      %dma_wait3A_184 = arith.constant 0 : i32
      %dma_wait3A_185 = arith.constant 0 : i32
      %dma_wait3A_186 = tpu.memref_slice %arg9[%dma_wait3A_183, %dma_wait3A_184, %dma_wait3A_185] : memref<5x128x64xbf16, #tpu.memory_space<vmem>> -> memref<1x128x64xbf16, #tpu.memory_space<vmem>>
      %dma_wait3A_187 = tpu.memref_squeeze %dma_wait3A_186 : memref<1x128x64xbf16, #tpu.memory_space<vmem>> -> memref<128x64xbf16, #tpu.memory_space<vmem>>
      %dma_wait3A_188 = arith.constant 0 : i32
      %dma_wait3A_189 = tpu.memref_slice %arg7[%add3A_179, %dma_wait3A_188] : memref<160x128xi32, #tpu.memory_space<vmem>> -> memref<1x128xi32, #tpu.memory_space<vmem>>
      %dma_wait3A_190 = tpu.memref_squeeze %dma_wait3A_189 : memref<1x128xi32, #tpu.memory_space<vmem>> -> memref<128xi32, #tpu.memory_space<vmem>>
      %dma_wait3A_191 = arith.constant 0 : i32
      %dma_wait3A_192 = arith.constant 0 : i32
      %dma_wait3A_193 = tpu.memref_slice %arg2[%arg0, %dma_wait3A_191, %dma_wait3A_192] : memref<2x10000x64xbf16, #tpu.memory_space<hbm>> -> memref<1x10000x64xbf16, #tpu.memory_space<hbm>>
      %dma_wait3A_194 = tpu.memref_squeeze %dma_wait3A_193 : memref<1x10000x64xbf16, #tpu.memory_space<hbm>> -> memref<10000x64xbf16, #tpu.memory_space<hbm>>
      %dma_wait3A_195 = arith.constant 0 : i32
      %dma_wait3A_196 = arith.constant 0 : i32
      %dma_wait3A_197 = tpu.memref_slice %dma_wait3A_194[%dma_wait3A_195, %dma_wait3A_196] : memref<10000x64xbf16, #tpu.memory_space<hbm>> -> memref<10000x64xbf16, #tpu.memory_space<hbm>>
      tpu.wait_indirect_dma semaphore(%arg12 : memref<!tpu.dma_semaphore, #tpu.memory_space<semaphore_mem>>) src(%dma_wait3A_197 : memref<10000x64xbf16, #tpu.memory_space<hbm>>) dst(%dma_wait3A_187 : memref<128x64xbf16, #tpu.memory_space<vmem>>)
      %jit3A = arith.constant 3 : i32
      %eq3A = arith.constant 0 : i32
      %eq3A_198 = arith.cmpi eq, %jit3A, %eq3A : i32
      %jit3A_199 = arith.constant 1 : i32
      %select_n3A = arith.select %eq3A_198, %jit3A_199, %jit3A : i32
      %rem3A = arith.remsi %add3A_179, %select_n3A : i32
      %ne3A = arith.constant 0 : i32
      %ne3A_200 = arith.cmpi ne, %rem3A, %ne3A : i32
      %lt3A = arith.constant 0 : i32
      %lt3A_201 = arith.cmpi slt, %rem3A, %lt3A : i32
      %lt3A_202 = arith.constant 0 : i32
      %lt3A_203 = arith.cmpi slt, %select_n3A, %lt3A_202 : i32
      %ne3A_204 = arith.xori %lt3A_201, %lt3A_203 : i1
      %and3A = arith.andi %ne3A_204, %ne3A_200 : i1
      %add3A_205 = arith.addi %rem3A, %select_n3A : i32
      %select_n3A_206 = arith.select %and3A, %add3A_205, %rem3A : i32
      %dma_start3A_207 = arith.constant 0 : i32
      %dma_start3A_208 = arith.constant 0 : i32
      %dma_start3A_209 = arith.constant 0 : i32
      %dma_start3A_210 = tpu.memref_slice %arg9[%dma_start3A_207, %dma_start3A_208, %dma_start3A_209] : memref<5x128x64xbf16, #tpu.memory_space<vmem>> -> memref<1x128x64xbf16, #tpu.memory_space<vmem>>
      %dma_start3A_211 = tpu.memref_squeeze %dma_start3A_210 : memref<1x128x64xbf16, #tpu.memory_space<vmem>> -> memref<128x64xbf16, #tpu.memory_space<vmem>>
      %dma_start3A_212 = arith.constant 0 : i32
      %dma_start3A_213 = tpu.memref_slice %arg8[%add3A_179, %dma_start3A_212] : memref<160x128xi32, #tpu.memory_space<vmem>> -> memref<1x128xi32, #tpu.memory_space<vmem>>
      %dma_start3A_214 = tpu.memref_squeeze %dma_start3A_213 : memref<1x128xi32, #tpu.memory_space<vmem>> -> memref<128xi32, #tpu.memory_space<vmem>>
      %dma_start3A_215 = arith.constant 0 : i32
      %dma_start3A_216 = arith.constant 0 : i32
      %dma_start3A_217 = tpu.memref_slice %arg11[%select_n3A_206, %dma_start3A_215, %dma_start3A_216] : memref<3x10240x64xbf16, #tpu.memory_space<vmem_shared>> -> memref<1x10240x64xbf16, #tpu.memory_space<vmem_shared>>
      %dma_start3A_218 = tpu.memref_squeeze %dma_start3A_217 : memref<1x10240x64xbf16, #tpu.memory_space<vmem_shared>> -> memref<10240x64xbf16, #tpu.memory_space<vmem_shared>>
      %dma_start3A_219 = arith.constant 0 : i32
      %dma_start3A_220 = arith.constant 0 : i32
      %dma_start3A_221 = tpu.memref_slice %dma_start3A_218[%dma_start3A_219, %dma_start3A_220] : memref<10240x64xbf16, #tpu.memory_space<vmem_shared>> -> memref<10240x64xbf16, #tpu.memory_space<vmem_shared>>
      tpu.enqueue_indirect_dma source(%dma_start3A_211 : memref<128x64xbf16, #tpu.memory_space<vmem>>) target(%dma_start3A_221 : memref<10240x64xbf16, #tpu.memory_space<vmem_shared>>) offsets(%dma_start3A_214 : memref<128xi32, #tpu.memory_space<vmem>>) semaphore(%arg13 : memref<!tpu.dma_semaphore, #tpu.memory_space<semaphore_mem>>) {add = true}
      %gt3A = arith.constant 0 : i32
      %gt3A_222 = arith.cmpi sgt, %add3A_179, %gt3A : i32
      %convert_element_type3A = arith.extui %gt3A_222 : i1 to i32
      %cond3A = arith.constant 0 : i32
      %cond3A_223 = arith.cmpi ne, %convert_element_type3A, %cond3A : i32
      scf.if %cond3A_223 {
        %sub3A_485 = arith.constant 1 : i32
        %sub3A_486 = arith.subi %add3A_179, %sub3A_485 : i32
        %jit3A_487 = arith.constant 3 : i32
        %eq3A_488 = arith.constant 0 : i32
        %eq3A_489 = arith.cmpi eq, %jit3A_487, %eq3A_488 : i32
        %jit3A_490 = arith.constant 1 : i32
        %select_n3A_491 = arith.select %eq3A_489, %jit3A_490, %jit3A_487 : i32
        %rem3A_492 = arith.remsi %sub3A_486, %select_n3A_491 : i32
        %ne3A_493 = arith.constant 0 : i32
        %ne3A_494 = arith.cmpi ne, %rem3A_492, %ne3A_493 : i32
        %lt3A_495 = arith.constant 0 : i32
        %lt3A_496 = arith.cmpi slt, %rem3A_492, %lt3A_495 : i32
        %lt3A_497 = arith.constant 0 : i32
        %lt3A_498 = arith.cmpi slt, %select_n3A_491, %lt3A_497 : i32
        %ne3A_499 = arith.xori %lt3A_496, %lt3A_498 : i1
        %and3A_500 = arith.andi %ne3A_499, %ne3A_494 : i1
        %add3A_501 = arith.addi %rem3A_492, %select_n3A_491 : i32
        %select_n3A_502 = arith.select %and3A_500, %add3A_501, %rem3A_492 : i32
        %sub3A_503 = arith.constant 1 : i32
        %sub3A_504 = arith.subi %add3A_179, %sub3A_503 : i32
        %dma_wait3A_505 = arith.constant 4 : i32
        %dma_wait3A_506 = arith.constant 0 : i32
        %dma_wait3A_507 = arith.constant 0 : i32
        %dma_wait3A_508 = tpu.memref_slice %arg9[%dma_wait3A_505, %dma_wait3A_506, %dma_wait3A_507] : memref<5x128x64xbf16, #tpu.memory_space<vmem>> -> memref<1x128x64xbf16, #tpu.memory_space<vmem>>
        %dma_wait3A_509 = tpu.memref_squeeze %dma_wait3A_508 : memref<1x128x64xbf16, #tpu.memory_space<vmem>> -> memref<128x64xbf16, #tpu.memory_space<vmem>>
        %dma_wait3A_510 = arith.constant 0 : i32
        %dma_wait3A_511 = tpu.memref_slice %arg8[%sub3A_504, %dma_wait3A_510] : memref<160x128xi32, #tpu.memory_space<vmem>> -> memref<1x128xi32, #tpu.memory_space<vmem>>
        %dma_wait3A_512 = tpu.memref_squeeze %dma_wait3A_511 : memref<1x128xi32, #tpu.memory_space<vmem>> -> memref<128xi32, #tpu.memory_space<vmem>>
        %dma_wait3A_513 = arith.constant 0 : i32
        %dma_wait3A_514 = arith.constant 0 : i32
        %dma_wait3A_515 = tpu.memref_slice %arg11[%select_n3A_502, %dma_wait3A_513, %dma_wait3A_514] : memref<3x10240x64xbf16, #tpu.memory_space<vmem_shared>> -> memref<1x10240x64xbf16, #tpu.memory_space<vmem_shared>>
        %dma_wait3A_516 = tpu.memref_squeeze %dma_wait3A_515 : memref<1x10240x64xbf16, #tpu.memory_space<vmem_shared>> -> memref<10240x64xbf16, #tpu.memory_space<vmem_shared>>
        %dma_wait3A_517 = arith.constant 0 : i32
        %dma_wait3A_518 = arith.constant 0 : i32
        %dma_wait3A_519 = tpu.memref_slice %dma_wait3A_516[%dma_wait3A_517, %dma_wait3A_518] : memref<10240x64xbf16, #tpu.memory_space<vmem_shared>> -> memref<10240x64xbf16, #tpu.memory_space<vmem_shared>>
        tpu.wait_indirect_dma semaphore(%arg13 : memref<!tpu.dma_semaphore, #tpu.memory_space<semaphore_mem>>) src(%dma_wait3A_509 : memref<128x64xbf16, #tpu.memory_space<vmem>>) dst(%dma_wait3A_519 : memref<10240x64xbf16, #tpu.memory_space<vmem_shared>>)
      } else {
      }
      %lt3A_224 = arith.constant 160 : i32
      %lt3A_225 = arith.cmpi slt, %sub3A_182, %lt3A_224 : i32
      %convert_element_type3A_226 = arith.extui %lt3A_225 : i1 to i32
      %cond3A_227 = arith.constant 0 : i32
      %cond3A_228 = arith.cmpi ne, %convert_element_type3A_226, %cond3A_227 : i32
      scf.if %cond3A_228 {
        %dma_start3A_485 = arith.constant 4 : i32
        %dma_start3A_486 = arith.constant 0 : i32
        %dma_start3A_487 = arith.constant 0 : i32
        %dma_start3A_488 = tpu.memref_slice %arg9[%dma_start3A_485, %dma_start3A_486, %dma_start3A_487] : memref<5x128x64xbf16, #tpu.memory_space<vmem>> -> memref<1x128x64xbf16, #tpu.memory_space<vmem>>
        %dma_start3A_489 = tpu.memref_squeeze %dma_start3A_488 : memref<1x128x64xbf16, #tpu.memory_space<vmem>> -> memref<128x64xbf16, #tpu.memory_space<vmem>>
        %dma_start3A_490 = arith.constant 0 : i32
        %dma_start3A_491 = tpu.memref_slice %arg7[%sub3A_182, %dma_start3A_490] : memref<160x128xi32, #tpu.memory_space<vmem>> -> memref<1x128xi32, #tpu.memory_space<vmem>>
        %dma_start3A_492 = tpu.memref_squeeze %dma_start3A_491 : memref<1x128xi32, #tpu.memory_space<vmem>> -> memref<128xi32, #tpu.memory_space<vmem>>
        %dma_start3A_493 = arith.constant 0 : i32
        %dma_start3A_494 = arith.constant 0 : i32
        %dma_start3A_495 = tpu.memref_slice %arg2[%arg0, %dma_start3A_493, %dma_start3A_494] : memref<2x10000x64xbf16, #tpu.memory_space<hbm>> -> memref<1x10000x64xbf16, #tpu.memory_space<hbm>>
        %dma_start3A_496 = tpu.memref_squeeze %dma_start3A_495 : memref<1x10000x64xbf16, #tpu.memory_space<hbm>> -> memref<10000x64xbf16, #tpu.memory_space<hbm>>
        %dma_start3A_497 = arith.constant 0 : i32
        %dma_start3A_498 = arith.constant 0 : i32
        %dma_start3A_499 = tpu.memref_slice %dma_start3A_496[%dma_start3A_497, %dma_start3A_498] : memref<10000x64xbf16, #tpu.memory_space<hbm>> -> memref<10000x64xbf16, #tpu.memory_space<hbm>>
        tpu.enqueue_indirect_dma source(%dma_start3A_499 : memref<10000x64xbf16, #tpu.memory_space<hbm>>) target(%dma_start3A_489 : memref<128x64xbf16, #tpu.memory_space<vmem>>) offsets(%dma_start3A_492 : memref<128xi32, #tpu.memory_space<vmem>>) semaphore(%arg12 : memref<!tpu.dma_semaphore, #tpu.memory_space<semaphore_mem>>)
      } else {
      }
      %mul3A_229 = arith.constant 5 : i32
      %mul3A_230 = arith.muli %scan3A_175, %mul3A_229 : i32
      %add3A_231 = arith.constant 1 : i32
      %add3A_232 = arith.addi %mul3A_230, %add3A_231 : i32
      %add3A_233 = arith.constant 5 : i32
      %add3A_234 = arith.addi %add3A_232, %add3A_233 : i32
      %sub3A_235 = arith.constant 1 : i32
      %sub3A_236 = arith.subi %add3A_234, %sub3A_235 : i32
      %dma_wait3A_237 = arith.constant 1 : i32
      %dma_wait3A_238 = arith.constant 0 : i32
      %dma_wait3A_239 = arith.constant 0 : i32
      %dma_wait3A_240 = tpu.memref_slice %arg9[%dma_wait3A_237, %dma_wait3A_238, %dma_wait3A_239] : memref<5x128x64xbf16, #tpu.memory_space<vmem>> -> memref<1x128x64xbf16, #tpu.memory_space<vmem>>
      %dma_wait3A_241 = tpu.memref_squeeze %dma_wait3A_240 : memref<1x128x64xbf16, #tpu.memory_space<vmem>> -> memref<128x64xbf16, #tpu.memory_space<vmem>>
      %dma_wait3A_242 = arith.constant 0 : i32
      %dma_wait3A_243 = tpu.memref_slice %arg7[%add3A_232, %dma_wait3A_242] : memref<160x128xi32, #tpu.memory_space<vmem>> -> memref<1x128xi32, #tpu.memory_space<vmem>>
      %dma_wait3A_244 = tpu.memref_squeeze %dma_wait3A_243 : memref<1x128xi32, #tpu.memory_space<vmem>> -> memref<128xi32, #tpu.memory_space<vmem>>
      %dma_wait3A_245 = arith.constant 0 : i32
      %dma_wait3A_246 = arith.constant 0 : i32
      %dma_wait3A_247 = tpu.memref_slice %arg2[%arg0, %dma_wait3A_245, %dma_wait3A_246] : memref<2x10000x64xbf16, #tpu.memory_space<hbm>> -> memref<1x10000x64xbf16, #tpu.memory_space<hbm>>
      %dma_wait3A_248 = tpu.memref_squeeze %dma_wait3A_247 : memref<1x10000x64xbf16, #tpu.memory_space<hbm>> -> memref<10000x64xbf16, #tpu.memory_space<hbm>>
      %dma_wait3A_249 = arith.constant 0 : i32
      %dma_wait3A_250 = arith.constant 0 : i32
      %dma_wait3A_251 = tpu.memref_slice %dma_wait3A_248[%dma_wait3A_249, %dma_wait3A_250] : memref<10000x64xbf16, #tpu.memory_space<hbm>> -> memref<10000x64xbf16, #tpu.memory_space<hbm>>
      tpu.wait_indirect_dma semaphore(%arg12 : memref<!tpu.dma_semaphore, #tpu.memory_space<semaphore_mem>>) src(%dma_wait3A_251 : memref<10000x64xbf16, #tpu.memory_space<hbm>>) dst(%dma_wait3A_241 : memref<128x64xbf16, #tpu.memory_space<vmem>>)
      %jit3A_252 = arith.constant 3 : i32
      %eq3A_253 = arith.constant 0 : i32
      %eq3A_254 = arith.cmpi eq, %jit3A_252, %eq3A_253 : i32
      %jit3A_255 = arith.constant 1 : i32
      %select_n3A_256 = arith.select %eq3A_254, %jit3A_255, %jit3A_252 : i32
      %rem3A_257 = arith.remsi %add3A_232, %select_n3A_256 : i32
      %ne3A_258 = arith.constant 0 : i32
      %ne3A_259 = arith.cmpi ne, %rem3A_257, %ne3A_258 : i32
      %lt3A_260 = arith.constant 0 : i32
      %lt3A_261 = arith.cmpi slt, %rem3A_257, %lt3A_260 : i32
      %lt3A_262 = arith.constant 0 : i32
      %lt3A_263 = arith.cmpi slt, %select_n3A_256, %lt3A_262 : i32
      %ne3A_264 = arith.xori %lt3A_261, %lt3A_263 : i1
      %and3A_265 = arith.andi %ne3A_264, %ne3A_259 : i1
      %add3A_266 = arith.addi %rem3A_257, %select_n3A_256 : i32
      %select_n3A_267 = arith.select %and3A_265, %add3A_266, %rem3A_257 : i32
      %dma_start3A_268 = arith.constant 1 : i32
      %dma_start3A_269 = arith.constant 0 : i32
      %dma_start3A_270 = arith.constant 0 : i32
      %dma_start3A_271 = tpu.memref_slice %arg9[%dma_start3A_268, %dma_start3A_269, %dma_start3A_270] : memref<5x128x64xbf16, #tpu.memory_space<vmem>> -> memref<1x128x64xbf16, #tpu.memory_space<vmem>>
      %dma_start3A_272 = tpu.memref_squeeze %dma_start3A_271 : memref<1x128x64xbf16, #tpu.memory_space<vmem>> -> memref<128x64xbf16, #tpu.memory_space<vmem>>
      %dma_start3A_273 = arith.constant 0 : i32
      %dma_start3A_274 = tpu.memref_slice %arg8[%add3A_232, %dma_start3A_273] : memref<160x128xi32, #tpu.memory_space<vmem>> -> memref<1x128xi32, #tpu.memory_space<vmem>>
      %dma_start3A_275 = tpu.memref_squeeze %dma_start3A_274 : memref<1x128xi32, #tpu.memory_space<vmem>> -> memref<128xi32, #tpu.memory_space<vmem>>
      %dma_start3A_276 = arith.constant 0 : i32
      %dma_start3A_277 = arith.constant 0 : i32
      %dma_start3A_278 = tpu.memref_slice %arg11[%select_n3A_267, %dma_start3A_276, %dma_start3A_277] : memref<3x10240x64xbf16, #tpu.memory_space<vmem_shared>> -> memref<1x10240x64xbf16, #tpu.memory_space<vmem_shared>>
      %dma_start3A_279 = tpu.memref_squeeze %dma_start3A_278 : memref<1x10240x64xbf16, #tpu.memory_space<vmem_shared>> -> memref<10240x64xbf16, #tpu.memory_space<vmem_shared>>
      %dma_start3A_280 = arith.constant 0 : i32
      %dma_start3A_281 = arith.constant 0 : i32
      %dma_start3A_282 = tpu.memref_slice %dma_start3A_279[%dma_start3A_280, %dma_start3A_281] : memref<10240x64xbf16, #tpu.memory_space<vmem_shared>> -> memref<10240x64xbf16, #tpu.memory_space<vmem_shared>>
      tpu.enqueue_indirect_dma source(%dma_start3A_272 : memref<128x64xbf16, #tpu.memory_space<vmem>>) target(%dma_start3A_282 : memref<10240x64xbf16, #tpu.memory_space<vmem_shared>>) offsets(%dma_start3A_275 : memref<128xi32, #tpu.memory_space<vmem>>) semaphore(%arg13 : memref<!tpu.dma_semaphore, #tpu.memory_space<semaphore_mem>>) {add = true}
      %gt3A_283 = arith.constant 0 : i32
      %gt3A_284 = arith.cmpi sgt, %add3A_232, %gt3A_283 : i32
      %convert_element_type3A_285 = arith.extui %gt3A_284 : i1 to i32
      %cond3A_286 = arith.constant 0 : i32
      %cond3A_287 = arith.cmpi ne, %convert_element_type3A_285, %cond3A_286 : i32
      scf.if %cond3A_287 {
        %sub3A_485 = arith.constant 1 : i32
        %sub3A_486 = arith.subi %add3A_232, %sub3A_485 : i32
        %jit3A_487 = arith.constant 3 : i32
        %eq3A_488 = arith.constant 0 : i32
        %eq3A_489 = arith.cmpi eq, %jit3A_487, %eq3A_488 : i32
        %jit3A_490 = arith.constant 1 : i32
        %select_n3A_491 = arith.select %eq3A_489, %jit3A_490, %jit3A_487 : i32
        %rem3A_492 = arith.remsi %sub3A_486, %select_n3A_491 : i32
        %ne3A_493 = arith.constant 0 : i32
        %ne3A_494 = arith.cmpi ne, %rem3A_492, %ne3A_493 : i32
        %lt3A_495 = arith.constant 0 : i32
        %lt3A_496 = arith.cmpi slt, %rem3A_492, %lt3A_495 : i32
        %lt3A_497 = arith.constant 0 : i32
        %lt3A_498 = arith.cmpi slt, %select_n3A_491, %lt3A_497 : i32
        %ne3A_499 = arith.xori %lt3A_496, %lt3A_498 : i1
        %and3A_500 = arith.andi %ne3A_499, %ne3A_494 : i1
        %add3A_501 = arith.addi %rem3A_492, %select_n3A_491 : i32
        %select_n3A_502 = arith.select %and3A_500, %add3A_501, %rem3A_492 : i32
        %sub3A_503 = arith.constant 1 : i32
        %sub3A_504 = arith.subi %add3A_232, %sub3A_503 : i32
        %dma_wait3A_505 = arith.constant 0 : i32
        %dma_wait3A_506 = arith.constant 0 : i32
        %dma_wait3A_507 = arith.constant 0 : i32
        %dma_wait3A_508 = tpu.memref_slice %arg9[%dma_wait3A_505, %dma_wait3A_506, %dma_wait3A_507] : memref<5x128x64xbf16, #tpu.memory_space<vmem>> -> memref<1x128x64xbf16, #tpu.memory_space<vmem>>
        %dma_wait3A_509 = tpu.memref_squeeze %dma_wait3A_508 : memref<1x128x64xbf16, #tpu.memory_space<vmem>> -> memref<128x64xbf16, #tpu.memory_space<vmem>>
        %dma_wait3A_510 = arith.constant 0 : i32
        %dma_wait3A_511 = tpu.memref_slice %arg8[%sub3A_504, %dma_wait3A_510] : memref<160x128xi32, #tpu.memory_space<vmem>> -> memref<1x128xi32, #tpu.memory_space<vmem>>
        %dma_wait3A_512 = tpu.memref_squeeze %dma_wait3A_511 : memref<1x128xi32, #tpu.memory_space<vmem>> -> memref<128xi32, #tpu.memory_space<vmem>>
        %dma_wait3A_513 = arith.constant 0 : i32
        %dma_wait3A_514 = arith.constant 0 : i32
        %dma_wait3A_515 = tpu.memref_slice %arg11[%select_n3A_502, %dma_wait3A_513, %dma_wait3A_514] : memref<3x10240x64xbf16, #tpu.memory_space<vmem_shared>> -> memref<1x10240x64xbf16, #tpu.memory_space<vmem_shared>>
        %dma_wait3A_516 = tpu.memref_squeeze %dma_wait3A_515 : memref<1x10240x64xbf16, #tpu.memory_space<vmem_shared>> -> memref<10240x64xbf16, #tpu.memory_space<vmem_shared>>
        %dma_wait3A_517 = arith.constant 0 : i32
        %dma_wait3A_518 = arith.constant 0 : i32
        %dma_wait3A_519 = tpu.memref_slice %dma_wait3A_516[%dma_wait3A_517, %dma_wait3A_518] : memref<10240x64xbf16, #tpu.memory_space<vmem_shared>> -> memref<10240x64xbf16, #tpu.memory_space<vmem_shared>>
        tpu.wait_indirect_dma semaphore(%arg13 : memref<!tpu.dma_semaphore, #tpu.memory_space<semaphore_mem>>) src(%dma_wait3A_509 : memref<128x64xbf16, #tpu.memory_space<vmem>>) dst(%dma_wait3A_519 : memref<10240x64xbf16, #tpu.memory_space<vmem_shared>>)
      } else {
      }
      %lt3A_288 = arith.constant 160 : i32
      %lt3A_289 = arith.cmpi slt, %sub3A_236, %lt3A_288 : i32
      %convert_element_type3A_290 = arith.extui %lt3A_289 : i1 to i32
      %cond3A_291 = arith.constant 0 : i32
      %cond3A_292 = arith.cmpi ne, %convert_element_type3A_290, %cond3A_291 : i32
      scf.if %cond3A_292 {
        %dma_start3A_485 = arith.constant 0 : i32
        %dma_start3A_486 = arith.constant 0 : i32
        %dma_start3A_487 = arith.constant 0 : i32
        %dma_start3A_488 = tpu.memref_slice %arg9[%dma_start3A_485, %dma_start3A_486, %dma_start3A_487] : memref<5x128x64xbf16, #tpu.memory_space<vmem>> -> memref<1x128x64xbf16, #tpu.memory_space<vmem>>
        %dma_start3A_489 = tpu.memref_squeeze %dma_start3A_488 : memref<1x128x64xbf16, #tpu.memory_space<vmem>> -> memref<128x64xbf16, #tpu.memory_space<vmem>>
        %dma_start3A_490 = arith.constant 0 : i32
        %dma_start3A_491 = tpu.memref_slice %arg7[%sub3A_236, %dma_start3A_490] : memref<160x128xi32, #tpu.memory_space<vmem>> -> memref<1x128xi32, #tpu.memory_space<vmem>>
        %dma_start3A_492 = tpu.memref_squeeze %dma_start3A_491 : memref<1x128xi32, #tpu.memory_space<vmem>> -> memref<128xi32, #tpu.memory_space<vmem>>
        %dma_start3A_493 = arith.constant 0 : i32
        %dma_start3A_494 = arith.constant 0 : i32
        %dma_start3A_495 = tpu.memref_slice %arg2[%arg0, %dma_start3A_493, %dma_start3A_494] : memref<2x10000x64xbf16, #tpu.memory_space<hbm>> -> memref<1x10000x64xbf16, #tpu.memory_space<hbm>>
        %dma_start3A_496 = tpu.memref_squeeze %dma_start3A_495 : memref<1x10000x64xbf16, #tpu.memory_space<hbm>> -> memref<10000x64xbf16, #tpu.memory_space<hbm>>
        %dma_start3A_497 = arith.constant 0 : i32
        %dma_start3A_498 = arith.constant 0 : i32
        %dma_start3A_499 = tpu.memref_slice %dma_start3A_496[%dma_start3A_497, %dma_start3A_498] : memref<10000x64xbf16, #tpu.memory_space<hbm>> -> memref<10000x64xbf16, #tpu.memory_space<hbm>>
        tpu.enqueue_indirect_dma source(%dma_start3A_499 : memref<10000x64xbf16, #tpu.memory_space<hbm>>) target(%dma_start3A_489 : memref<128x64xbf16, #tpu.memory_space<vmem>>) offsets(%dma_start3A_492 : memref<128xi32, #tpu.memory_space<vmem>>) semaphore(%arg12 : memref<!tpu.dma_semaphore, #tpu.memory_space<semaphore_mem>>)
      } else {
      }
      %mul3A_293 = arith.constant 5 : i32
      %mul3A_294 = arith.muli %scan3A_175, %mul3A_293 : i32
      %add3A_295 = arith.constant 2 : i32
      %add3A_296 = arith.addi %mul3A_294, %add3A_295 : i32
      %add3A_297 = arith.constant 5 : i32
      %add3A_298 = arith.addi %add3A_296, %add3A_297 : i32
      %sub3A_299 = arith.constant 1 : i32
      %sub3A_300 = arith.subi %add3A_298, %sub3A_299 : i32
      %dma_wait3A_301 = arith.constant 2 : i32
      %dma_wait3A_302 = arith.constant 0 : i32
      %dma_wait3A_303 = arith.constant 0 : i32
      %dma_wait3A_304 = tpu.memref_slice %arg9[%dma_wait3A_301, %dma_wait3A_302, %dma_wait3A_303] : memref<5x128x64xbf16, #tpu.memory_space<vmem>> -> memref<1x128x64xbf16, #tpu.memory_space<vmem>>
      %dma_wait3A_305 = tpu.memref_squeeze %dma_wait3A_304 : memref<1x128x64xbf16, #tpu.memory_space<vmem>> -> memref<128x64xbf16, #tpu.memory_space<vmem>>
      %dma_wait3A_306 = arith.constant 0 : i32
      %dma_wait3A_307 = tpu.memref_slice %arg7[%add3A_296, %dma_wait3A_306] : memref<160x128xi32, #tpu.memory_space<vmem>> -> memref<1x128xi32, #tpu.memory_space<vmem>>
      %dma_wait3A_308 = tpu.memref_squeeze %dma_wait3A_307 : memref<1x128xi32, #tpu.memory_space<vmem>> -> memref<128xi32, #tpu.memory_space<vmem>>
      %dma_wait3A_309 = arith.constant 0 : i32
      %dma_wait3A_310 = arith.constant 0 : i32
      %dma_wait3A_311 = tpu.memref_slice %arg2[%arg0, %dma_wait3A_309, %dma_wait3A_310] : memref<2x10000x64xbf16, #tpu.memory_space<hbm>> -> memref<1x10000x64xbf16, #tpu.memory_space<hbm>>
      %dma_wait3A_312 = tpu.memref_squeeze %dma_wait3A_311 : memref<1x10000x64xbf16, #tpu.memory_space<hbm>> -> memref<10000x64xbf16, #tpu.memory_space<hbm>>
      %dma_wait3A_313 = arith.constant 0 : i32
      %dma_wait3A_314 = arith.constant 0 : i32
      %dma_wait3A_315 = tpu.memref_slice %dma_wait3A_312[%dma_wait3A_313, %dma_wait3A_314] : memref<10000x64xbf16, #tpu.memory_space<hbm>> -> memref<10000x64xbf16, #tpu.memory_space<hbm>>
      tpu.wait_indirect_dma semaphore(%arg12 : memref<!tpu.dma_semaphore, #tpu.memory_space<semaphore_mem>>) src(%dma_wait3A_315 : memref<10000x64xbf16, #tpu.memory_space<hbm>>) dst(%dma_wait3A_305 : memref<128x64xbf16, #tpu.memory_space<vmem>>)
      %jit3A_316 = arith.constant 3 : i32
      %eq3A_317 = arith.constant 0 : i32
      %eq3A_318 = arith.cmpi eq, %jit3A_316, %eq3A_317 : i32
      %jit3A_319 = arith.constant 1 : i32
      %select_n3A_320 = arith.select %eq3A_318, %jit3A_319, %jit3A_316 : i32
      %rem3A_321 = arith.remsi %add3A_296, %select_n3A_320 : i32
      %ne3A_322 = arith.constant 0 : i32
      %ne3A_323 = arith.cmpi ne, %rem3A_321, %ne3A_322 : i32
      %lt3A_324 = arith.constant 0 : i32
      %lt3A_325 = arith.cmpi slt, %rem3A_321, %lt3A_324 : i32
      %lt3A_326 = arith.constant 0 : i32
      %lt3A_327 = arith.cmpi slt, %select_n3A_320, %lt3A_326 : i32
      %ne3A_328 = arith.xori %lt3A_325, %lt3A_327 : i1
      %and3A_329 = arith.andi %ne3A_328, %ne3A_323 : i1
      %add3A_330 = arith.addi %rem3A_321, %select_n3A_320 : i32
      %select_n3A_331 = arith.select %and3A_329, %add3A_330, %rem3A_321 : i32
      %dma_start3A_332 = arith.constant 2 : i32
      %dma_start3A_333 = arith.constant 0 : i32
      %dma_start3A_334 = arith.constant 0 : i32
      %dma_start3A_335 = tpu.memref_slice %arg9[%dma_start3A_332, %dma_start3A_333, %dma_start3A_334] : memref<5x128x64xbf16, #tpu.memory_space<vmem>> -> memref<1x128x64xbf16, #tpu.memory_space<vmem>>
      %dma_start3A_336 = tpu.memref_squeeze %dma_start3A_335 : memref<1x128x64xbf16, #tpu.memory_space<vmem>> -> memref<128x64xbf16, #tpu.memory_space<vmem>>
      %dma_start3A_337 = arith.constant 0 : i32
      %dma_start3A_338 = tpu.memref_slice %arg8[%add3A_296, %dma_start3A_337] : memref<160x128xi32, #tpu.memory_space<vmem>> -> memref<1x128xi32, #tpu.memory_space<vmem>>
      %dma_start3A_339 = tpu.memref_squeeze %dma_start3A_338 : memref<1x128xi32, #tpu.memory_space<vmem>> -> memref<128xi32, #tpu.memory_space<vmem>>
      %dma_start3A_340 = arith.constant 0 : i32
      %dma_start3A_341 = arith.constant 0 : i32
      %dma_start3A_342 = tpu.memref_slice %arg11[%select_n3A_331, %dma_start3A_340, %dma_start3A_341] : memref<3x10240x64xbf16, #tpu.memory_space<vmem_shared>> -> memref<1x10240x64xbf16, #tpu.memory_space<vmem_shared>>
      %dma_start3A_343 = tpu.memref_squeeze %dma_start3A_342 : memref<1x10240x64xbf16, #tpu.memory_space<vmem_shared>> -> memref<10240x64xbf16, #tpu.memory_space<vmem_shared>>
      %dma_start3A_344 = arith.constant 0 : i32
      %dma_start3A_345 = arith.constant 0 : i32
      %dma_start3A_346 = tpu.memref_slice %dma_start3A_343[%dma_start3A_344, %dma_start3A_345] : memref<10240x64xbf16, #tpu.memory_space<vmem_shared>> -> memref<10240x64xbf16, #tpu.memory_space<vmem_shared>>
      tpu.enqueue_indirect_dma source(%dma_start3A_336 : memref<128x64xbf16, #tpu.memory_space<vmem>>) target(%dma_start3A_346 : memref<10240x64xbf16, #tpu.memory_space<vmem_shared>>) offsets(%dma_start3A_339 : memref<128xi32, #tpu.memory_space<vmem>>) semaphore(%arg13 : memref<!tpu.dma_semaphore, #tpu.memory_space<semaphore_mem>>) {add = true}
      %gt3A_347 = arith.constant 0 : i32
      %gt3A_348 = arith.cmpi sgt, %add3A_296, %gt3A_347 : i32
      %convert_element_type3A_349 = arith.extui %gt3A_348 : i1 to i32
      %cond3A_350 = arith.constant 0 : i32
      %cond3A_351 = arith.cmpi ne, %convert_element_type3A_349, %cond3A_350 : i32
      scf.if %cond3A_351 {
        %sub3A_485 = arith.constant 1 : i32
        %sub3A_486 = arith.subi %add3A_296, %sub3A_485 : i32
        %jit3A_487 = arith.constant 3 : i32
        %eq3A_488 = arith.constant 0 : i32
        %eq3A_489 = arith.cmpi eq, %jit3A_487, %eq3A_488 : i32
        %jit3A_490 = arith.constant 1 : i32
        %select_n3A_491 = arith.select %eq3A_489, %jit3A_490, %jit3A_487 : i32
        %rem3A_492 = arith.remsi %sub3A_486, %select_n3A_491 : i32
        %ne3A_493 = arith.constant 0 : i32
        %ne3A_494 = arith.cmpi ne, %rem3A_492, %ne3A_493 : i32
        %lt3A_495 = arith.constant 0 : i32
        %lt3A_496 = arith.cmpi slt, %rem3A_492, %lt3A_495 : i32
        %lt3A_497 = arith.constant 0 : i32
        %lt3A_498 = arith.cmpi slt, %select_n3A_491, %lt3A_497 : i32
        %ne3A_499 = arith.xori %lt3A_496, %lt3A_498 : i1
        %and3A_500 = arith.andi %ne3A_499, %ne3A_494 : i1
        %add3A_501 = arith.addi %rem3A_492, %select_n3A_491 : i32
        %select_n3A_502 = arith.select %and3A_500, %add3A_501, %rem3A_492 : i32
        %sub3A_503 = arith.constant 1 : i32
        %sub3A_504 = arith.subi %add3A_296, %sub3A_503 : i32
        %dma_wait3A_505 = arith.constant 1 : i32
        %dma_wait3A_506 = arith.constant 0 : i32
        %dma_wait3A_507 = arith.constant 0 : i32
        %dma_wait3A_508 = tpu.memref_slice %arg9[%dma_wait3A_505, %dma_wait3A_506, %dma_wait3A_507] : memref<5x128x64xbf16, #tpu.memory_space<vmem>> -> memref<1x128x64xbf16, #tpu.memory_space<vmem>>
        %dma_wait3A_509 = tpu.memref_squeeze %dma_wait3A_508 : memref<1x128x64xbf16, #tpu.memory_space<vmem>> -> memref<128x64xbf16, #tpu.memory_space<vmem>>
        %dma_wait3A_510 = arith.constant 0 : i32
        %dma_wait3A_511 = tpu.memref_slice %arg8[%sub3A_504, %dma_wait3A_510] : memref<160x128xi32, #tpu.memory_space<vmem>> -> memref<1x128xi32, #tpu.memory_space<vmem>>
        %dma_wait3A_512 = tpu.memref_squeeze %dma_wait3A_511 : memref<1x128xi32, #tpu.memory_space<vmem>> -> memref<128xi32, #tpu.memory_space<vmem>>
        %dma_wait3A_513 = arith.constant 0 : i32
        %dma_wait3A_514 = arith.constant 0 : i32
        %dma_wait3A_515 = tpu.memref_slice %arg11[%select_n3A_502, %dma_wait3A_513, %dma_wait3A_514] : memref<3x10240x64xbf16, #tpu.memory_space<vmem_shared>> -> memref<1x10240x64xbf16, #tpu.memory_space<vmem_shared>>
        %dma_wait3A_516 = tpu.memref_squeeze %dma_wait3A_515 : memref<1x10240x64xbf16, #tpu.memory_space<vmem_shared>> -> memref<10240x64xbf16, #tpu.memory_space<vmem_shared>>
        %dma_wait3A_517 = arith.constant 0 : i32
        %dma_wait3A_518 = arith.constant 0 : i32
        %dma_wait3A_519 = tpu.memref_slice %dma_wait3A_516[%dma_wait3A_517, %dma_wait3A_518] : memref<10240x64xbf16, #tpu.memory_space<vmem_shared>> -> memref<10240x64xbf16, #tpu.memory_space<vmem_shared>>
        tpu.wait_indirect_dma semaphore(%arg13 : memref<!tpu.dma_semaphore, #tpu.memory_space<semaphore_mem>>) src(%dma_wait3A_509 : memref<128x64xbf16, #tpu.memory_space<vmem>>) dst(%dma_wait3A_519 : memref<10240x64xbf16, #tpu.memory_space<vmem_shared>>)
      } else {
      }
      %lt3A_352 = arith.constant 160 : i32
      %lt3A_353 = arith.cmpi slt, %sub3A_300, %lt3A_352 : i32
      %convert_element_type3A_354 = arith.extui %lt3A_353 : i1 to i32
      %cond3A_355 = arith.constant 0 : i32
      %cond3A_356 = arith.cmpi ne, %convert_element_type3A_354, %cond3A_355 : i32
      scf.if %cond3A_356 {
        %dma_start3A_485 = arith.constant 1 : i32
        %dma_start3A_486 = arith.constant 0 : i32
        %dma_start3A_487 = arith.constant 0 : i32
        %dma_start3A_488 = tpu.memref_slice %arg9[%dma_start3A_485, %dma_start3A_486, %dma_start3A_487] : memref<5x128x64xbf16, #tpu.memory_space<vmem>> -> memref<1x128x64xbf16, #tpu.memory_space<vmem>>
        %dma_start3A_489 = tpu.memref_squeeze %dma_start3A_488 : memref<1x128x64xbf16, #tpu.memory_space<vmem>> -> memref<128x64xbf16, #tpu.memory_space<vmem>>
        %dma_start3A_490 = arith.constant 0 : i32
        %dma_start3A_491 = tpu.memref_slice %arg7[%sub3A_300, %dma_start3A_490] : memref<160x128xi32, #tpu.memory_space<vmem>> -> memref<1x128xi32, #tpu.memory_space<vmem>>
        %dma_start3A_492 = tpu.memref_squeeze %dma_start3A_491 : memref<1x128xi32, #tpu.memory_space<vmem>> -> memref<128xi32, #tpu.memory_space<vmem>>
        %dma_start3A_493 = arith.constant 0 : i32
        %dma_start3A_494 = arith.constant 0 : i32
        %dma_start3A_495 = tpu.memref_slice %arg2[%arg0, %dma_start3A_493, %dma_start3A_494] : memref<2x10000x64xbf16, #tpu.memory_space<hbm>> -> memref<1x10000x64xbf16, #tpu.memory_space<hbm>>
        %dma_start3A_496 = tpu.memref_squeeze %dma_start3A_495 : memref<1x10000x64xbf16, #tpu.memory_space<hbm>> -> memref<10000x64xbf16, #tpu.memory_space<hbm>>
        %dma_start3A_497 = arith.constant 0 : i32
        %dma_start3A_498 = arith.constant 0 : i32
        %dma_start3A_499 = tpu.memref_slice %dma_start3A_496[%dma_start3A_497, %dma_start3A_498] : memref<10000x64xbf16, #tpu.memory_space<hbm>> -> memref<10000x64xbf16, #tpu.memory_space<hbm>>
        tpu.enqueue_indirect_dma source(%dma_start3A_499 : memref<10000x64xbf16, #tpu.memory_space<hbm>>) target(%dma_start3A_489 : memref<128x64xbf16, #tpu.memory_space<vmem>>) offsets(%dma_start3A_492 : memref<128xi32, #tpu.memory_space<vmem>>) semaphore(%arg12 : memref<!tpu.dma_semaphore, #tpu.memory_space<semaphore_mem>>)
      } else {
      }
      %mul3A_357 = arith.constant 5 : i32
      %mul3A_358 = arith.muli %scan3A_175, %mul3A_357 : i32
      %add3A_359 = arith.constant 3 : i32
      %add3A_360 = arith.addi %mul3A_358, %add3A_359 : i32
      %add3A_361 = arith.constant 5 : i32
      %add3A_362 = arith.addi %add3A_360, %add3A_361 : i32
      %sub3A_363 = arith.constant 1 : i32
      %sub3A_364 = arith.subi %add3A_362, %sub3A_363 : i32
      %dma_wait3A_365 = arith.constant 3 : i32
      %dma_wait3A_366 = arith.constant 0 : i32
      %dma_wait3A_367 = arith.constant 0 : i32
      %dma_wait3A_368 = tpu.memref_slice %arg9[%dma_wait3A_365, %dma_wait3A_366, %dma_wait3A_367] : memref<5x128x64xbf16, #tpu.memory_space<vmem>> -> memref<1x128x64xbf16, #tpu.memory_space<vmem>>
      %dma_wait3A_369 = tpu.memref_squeeze %dma_wait3A_368 : memref<1x128x64xbf16, #tpu.memory_space<vmem>> -> memref<128x64xbf16, #tpu.memory_space<vmem>>
      %dma_wait3A_370 = arith.constant 0 : i32
      %dma_wait3A_371 = tpu.memref_slice %arg7[%add3A_360, %dma_wait3A_370] : memref<160x128xi32, #tpu.memory_space<vmem>> -> memref<1x128xi32, #tpu.memory_space<vmem>>
      %dma_wait3A_372 = tpu.memref_squeeze %dma_wait3A_371 : memref<1x128xi32, #tpu.memory_space<vmem>> -> memref<128xi32, #tpu.memory_space<vmem>>
      %dma_wait3A_373 = arith.constant 0 : i32
      %dma_wait3A_374 = arith.constant 0 : i32
      %dma_wait3A_375 = tpu.memref_slice %arg2[%arg0, %dma_wait3A_373, %dma_wait3A_374] : memref<2x10000x64xbf16, #tpu.memory_space<hbm>> -> memref<1x10000x64xbf16, #tpu.memory_space<hbm>>
      %dma_wait3A_376 = tpu.memref_squeeze %dma_wait3A_375 : memref<1x10000x64xbf16, #tpu.memory_space<hbm>> -> memref<10000x64xbf16, #tpu.memory_space<hbm>>
      %dma_wait3A_377 = arith.constant 0 : i32
      %dma_wait3A_378 = arith.constant 0 : i32
      %dma_wait3A_379 = tpu.memref_slice %dma_wait3A_376[%dma_wait3A_377, %dma_wait3A_378] : memref<10000x64xbf16, #tpu.memory_space<hbm>> -> memref<10000x64xbf16, #tpu.memory_space<hbm>>
      tpu.wait_indirect_dma semaphore(%arg12 : memref<!tpu.dma_semaphore, #tpu.memory_space<semaphore_mem>>) src(%dma_wait3A_379 : memref<10000x64xbf16, #tpu.memory_space<hbm>>) dst(%dma_wait3A_369 : memref<128x64xbf16, #tpu.memory_space<vmem>>)
      %jit3A_380 = arith.constant 3 : i32
      %eq3A_381 = arith.constant 0 : i32
      %eq3A_382 = arith.cmpi eq, %jit3A_380, %eq3A_381 : i32
      %jit3A_383 = arith.constant 1 : i32
      %select_n3A_384 = arith.select %eq3A_382, %jit3A_383, %jit3A_380 : i32
      %rem3A_385 = arith.remsi %add3A_360, %select_n3A_384 : i32
      %ne3A_386 = arith.constant 0 : i32
      %ne3A_387 = arith.cmpi ne, %rem3A_385, %ne3A_386 : i32
      %lt3A_388 = arith.constant 0 : i32
      %lt3A_389 = arith.cmpi slt, %rem3A_385, %lt3A_388 : i32
      %lt3A_390 = arith.constant 0 : i32
      %lt3A_391 = arith.cmpi slt, %select_n3A_384, %lt3A_390 : i32
      %ne3A_392 = arith.xori %lt3A_389, %lt3A_391 : i1
      %and3A_393 = arith.andi %ne3A_392, %ne3A_387 : i1
      %add3A_394 = arith.addi %rem3A_385, %select_n3A_384 : i32
      %select_n3A_395 = arith.select %and3A_393, %add3A_394, %rem3A_385 : i32
      %dma_start3A_396 = arith.constant 3 : i32
      %dma_start3A_397 = arith.constant 0 : i32
      %dma_start3A_398 = arith.constant 0 : i32
      %dma_start3A_399 = tpu.memref_slice %arg9[%dma_start3A_396, %dma_start3A_397, %dma_start3A_398] : memref<5x128x64xbf16, #tpu.memory_space<vmem>> -> memref<1x128x64xbf16, #tpu.memory_space<vmem>>
      %dma_start3A_400 = tpu.memref_squeeze %dma_start3A_399 : memref<1x128x64xbf16, #tpu.memory_space<vmem>> -> memref<128x64xbf16, #tpu.memory_space<vmem>>
      %dma_start3A_401 = arith.constant 0 : i32
      %dma_start3A_402 = tpu.memref_slice %arg8[%add3A_360, %dma_start3A_401] : memref<160x128xi32, #tpu.memory_space<vmem>> -> memref<1x128xi32, #tpu.memory_space<vmem>>
      %dma_start3A_403 = tpu.memref_squeeze %dma_start3A_402 : memref<1x128xi32, #tpu.memory_space<vmem>> -> memref<128xi32, #tpu.memory_space<vmem>>
      %dma_start3A_404 = arith.constant 0 : i32
      %dma_start3A_405 = arith.constant 0 : i32
      %dma_start3A_406 = tpu.memref_slice %arg11[%select_n3A_395, %dma_start3A_404, %dma_start3A_405] : memref<3x10240x64xbf16, #tpu.memory_space<vmem_shared>> -> memref<1x10240x64xbf16, #tpu.memory_space<vmem_shared>>
      %dma_start3A_407 = tpu.memref_squeeze %dma_start3A_406 : memref<1x10240x64xbf16, #tpu.memory_space<vmem_shared>> -> memref<10240x64xbf16, #tpu.memory_space<vmem_shared>>
      %dma_start3A_408 = arith.constant 0 : i32
      %dma_start3A_409 = arith.constant 0 : i32
      %dma_start3A_410 = tpu.memref_slice %dma_start3A_407[%dma_start3A_408, %dma_start3A_409] : memref<10240x64xbf16, #tpu.memory_space<vmem_shared>> -> memref<10240x64xbf16, #tpu.memory_space<vmem_shared>>
      tpu.enqueue_indirect_dma source(%dma_start3A_400 : memref<128x64xbf16, #tpu.memory_space<vmem>>) target(%dma_start3A_410 : memref<10240x64xbf16, #tpu.memory_space<vmem_shared>>) offsets(%dma_start3A_403 : memref<128xi32, #tpu.memory_space<vmem>>) semaphore(%arg13 : memref<!tpu.dma_semaphore, #tpu.memory_space<semaphore_mem>>) {add = true}
      %gt3A_411 = arith.constant 0 : i32
      %gt3A_412 = arith.cmpi sgt, %add3A_360, %gt3A_411 : i32
      %convert_element_type3A_413 = arith.extui %gt3A_412 : i1 to i32
      %cond3A_414 = arith.constant 0 : i32
      %cond3A_415 = arith.cmpi ne, %convert_element_type3A_413, %cond3A_414 : i32
      scf.if %cond3A_415 {
        %sub3A_485 = arith.constant 1 : i32
        %sub3A_486 = arith.subi %add3A_360, %sub3A_485 : i32
        %jit3A_487 = arith.constant 3 : i32
        %eq3A_488 = arith.constant 0 : i32
        %eq3A_489 = arith.cmpi eq, %jit3A_487, %eq3A_488 : i32
        %jit3A_490 = arith.constant 1 : i32
        %select_n3A_491 = arith.select %eq3A_489, %jit3A_490, %jit3A_487 : i32
        %rem3A_492 = arith.remsi %sub3A_486, %select_n3A_491 : i32
        %ne3A_493 = arith.constant 0 : i32
        %ne3A_494 = arith.cmpi ne, %rem3A_492, %ne3A_493 : i32
        %lt3A_495 = arith.constant 0 : i32
        %lt3A_496 = arith.cmpi slt, %rem3A_492, %lt3A_495 : i32
        %lt3A_497 = arith.constant 0 : i32
        %lt3A_498 = arith.cmpi slt, %select_n3A_491, %lt3A_497 : i32
        %ne3A_499 = arith.xori %lt3A_496, %lt3A_498 : i1
        %and3A_500 = arith.andi %ne3A_499, %ne3A_494 : i1
        %add3A_501 = arith.addi %rem3A_492, %select_n3A_491 : i32
        %select_n3A_502 = arith.select %and3A_500, %add3A_501, %rem3A_492 : i32
        %sub3A_503 = arith.constant 1 : i32
        %sub3A_504 = arith.subi %add3A_360, %sub3A_503 : i32
        %dma_wait3A_505 = arith.constant 2 : i32
        %dma_wait3A_506 = arith.constant 0 : i32
        %dma_wait3A_507 = arith.constant 0 : i32
        %dma_wait3A_508 = tpu.memref_slice %arg9[%dma_wait3A_505, %dma_wait3A_506, %dma_wait3A_507] : memref<5x128x64xbf16, #tpu.memory_space<vmem>> -> memref<1x128x64xbf16, #tpu.memory_space<vmem>>
        %dma_wait3A_509 = tpu.memref_squeeze %dma_wait3A_508 : memref<1x128x64xbf16, #tpu.memory_space<vmem>> -> memref<128x64xbf16, #tpu.memory_space<vmem>>
        %dma_wait3A_510 = arith.constant 0 : i32
        %dma_wait3A_511 = tpu.memref_slice %arg8[%sub3A_504, %dma_wait3A_510] : memref<160x128xi32, #tpu.memory_space<vmem>> -> memref<1x128xi32, #tpu.memory_space<vmem>>
        %dma_wait3A_512 = tpu.memref_squeeze %dma_wait3A_511 : memref<1x128xi32, #tpu.memory_space<vmem>> -> memref<128xi32, #tpu.memory_space<vmem>>
        %dma_wait3A_513 = arith.constant 0 : i32
        %dma_wait3A_514 = arith.constant 0 : i32
        %dma_wait3A_515 = tpu.memref_slice %arg11[%select_n3A_502, %dma_wait3A_513, %dma_wait3A_514] : memref<3x10240x64xbf16, #tpu.memory_space<vmem_shared>> -> memref<1x10240x64xbf16, #tpu.memory_space<vmem_shared>>
        %dma_wait3A_516 = tpu.memref_squeeze %dma_wait3A_515 : memref<1x10240x64xbf16, #tpu.memory_space<vmem_shared>> -> memref<10240x64xbf16, #tpu.memory_space<vmem_shared>>
        %dma_wait3A_517 = arith.constant 0 : i32
        %dma_wait3A_518 = arith.constant 0 : i32
        %dma_wait3A_519 = tpu.memref_slice %dma_wait3A_516[%dma_wait3A_517, %dma_wait3A_518] : memref<10240x64xbf16, #tpu.memory_space<vmem_shared>> -> memref<10240x64xbf16, #tpu.memory_space<vmem_shared>>
        tpu.wait_indirect_dma semaphore(%arg13 : memref<!tpu.dma_semaphore, #tpu.memory_space<semaphore_mem>>) src(%dma_wait3A_509 : memref<128x64xbf16, #tpu.memory_space<vmem>>) dst(%dma_wait3A_519 : memref<10240x64xbf16, #tpu.memory_space<vmem_shared>>)
      } else {
      }
      %lt3A_416 = arith.constant 160 : i32
      %lt3A_417 = arith.cmpi slt, %sub3A_364, %lt3A_416 : i32
      %convert_element_type3A_418 = arith.extui %lt3A_417 : i1 to i32
      %cond3A_419 = arith.constant 0 : i32
      %cond3A_420 = arith.cmpi ne, %convert_element_type3A_418, %cond3A_419 : i32
      scf.if %cond3A_420 {
        %dma_start3A_485 = arith.constant 2 : i32
        %dma_start3A_486 = arith.constant 0 : i32
        %dma_start3A_487 = arith.constant 0 : i32
        %dma_start3A_488 = tpu.memref_slice %arg9[%dma_start3A_485, %dma_start3A_486, %dma_start3A_487] : memref<5x128x64xbf16, #tpu.memory_space<vmem>> -> memref<1x128x64xbf16, #tpu.memory_space<vmem>>
        %dma_start3A_489 = tpu.memref_squeeze %dma_start3A_488 : memref<1x128x64xbf16, #tpu.memory_space<vmem>> -> memref<128x64xbf16, #tpu.memory_space<vmem>>
        %dma_start3A_490 = arith.constant 0 : i32
        %dma_start3A_491 = tpu.memref_slice %arg7[%sub3A_364, %dma_start3A_490] : memref<160x128xi32, #tpu.memory_space<vmem>> -> memref<1x128xi32, #tpu.memory_space<vmem>>
        %dma_start3A_492 = tpu.memref_squeeze %dma_start3A_491 : memref<1x128xi32, #tpu.memory_space<vmem>> -> memref<128xi32, #tpu.memory_space<vmem>>
        %dma_start3A_493 = arith.constant 0 : i32
        %dma_start3A_494 = arith.constant 0 : i32
        %dma_start3A_495 = tpu.memref_slice %arg2[%arg0, %dma_start3A_493, %dma_start3A_494] : memref<2x10000x64xbf16, #tpu.memory_space<hbm>> -> memref<1x10000x64xbf16, #tpu.memory_space<hbm>>
        %dma_start3A_496 = tpu.memref_squeeze %dma_start3A_495 : memref<1x10000x64xbf16, #tpu.memory_space<hbm>> -> memref<10000x64xbf16, #tpu.memory_space<hbm>>
        %dma_start3A_497 = arith.constant 0 : i32
        %dma_start3A_498 = arith.constant 0 : i32
        %dma_start3A_499 = tpu.memref_slice %dma_start3A_496[%dma_start3A_497, %dma_start3A_498] : memref<10000x64xbf16, #tpu.memory_space<hbm>> -> memref<10000x64xbf16, #tpu.memory_space<hbm>>
        tpu.enqueue_indirect_dma source(%dma_start3A_499 : memref<10000x64xbf16, #tpu.memory_space<hbm>>) target(%dma_start3A_489 : memref<128x64xbf16, #tpu.memory_space<vmem>>) offsets(%dma_start3A_492 : memref<128xi32, #tpu.memory_space<vmem>>) semaphore(%arg12 : memref<!tpu.dma_semaphore, #tpu.memory_space<semaphore_mem>>)
      } else {
      }
      %mul3A_421 = arith.constant 5 : i32
      %mul3A_422 = arith.muli %scan3A_175, %mul3A_421 : i32
      %add3A_423 = arith.constant 4 : i32
      %add3A_424 = arith.addi %mul3A_422, %add3A_423 : i32
      %add3A_425 = arith.constant 5 : i32
      %add3A_426 = arith.addi %add3A_424, %add3A_425 : i32
      %sub3A_427 = arith.constant 1 : i32
      %sub3A_428 = arith.subi %add3A_426, %sub3A_427 : i32
      %dma_wait3A_429 = arith.constant 4 : i32
      %dma_wait3A_430 = arith.constant 0 : i32
      %dma_wait3A_431 = arith.constant 0 : i32
      %dma_wait3A_432 = tpu.memref_slice %arg9[%dma_wait3A_429, %dma_wait3A_430, %dma_wait3A_431] : memref<5x128x64xbf16, #tpu.memory_space<vmem>> -> memref<1x128x64xbf16, #tpu.memory_space<vmem>>
      %dma_wait3A_433 = tpu.memref_squeeze %dma_wait3A_432 : memref<1x128x64xbf16, #tpu.memory_space<vmem>> -> memref<128x64xbf16, #tpu.memory_space<vmem>>
      %dma_wait3A_434 = arith.constant 0 : i32
      %dma_wait3A_435 = tpu.memref_slice %arg7[%add3A_424, %dma_wait3A_434] : memref<160x128xi32, #tpu.memory_space<vmem>> -> memref<1x128xi32, #tpu.memory_space<vmem>>
      %dma_wait3A_436 = tpu.memref_squeeze %dma_wait3A_435 : memref<1x128xi32, #tpu.memory_space<vmem>> -> memref<128xi32, #tpu.memory_space<vmem>>
      %dma_wait3A_437 = arith.constant 0 : i32
      %dma_wait3A_438 = arith.constant 0 : i32
      %dma_wait3A_439 = tpu.memref_slice %arg2[%arg0, %dma_wait3A_437, %dma_wait3A_438] : memref<2x10000x64xbf16, #tpu.memory_space<hbm>> -> memref<1x10000x64xbf16, #tpu.memory_space<hbm>>
      %dma_wait3A_440 = tpu.memref_squeeze %dma_wait3A_439 : memref<1x10000x64xbf16, #tpu.memory_space<hbm>> -> memref<10000x64xbf16, #tpu.memory_space<hbm>>
      %dma_wait3A_441 = arith.constant 0 : i32
      %dma_wait3A_442 = arith.constant 0 : i32
      %dma_wait3A_443 = tpu.memref_slice %dma_wait3A_440[%dma_wait3A_441, %dma_wait3A_442] : memref<10000x64xbf16, #tpu.memory_space<hbm>> -> memref<10000x64xbf16, #tpu.memory_space<hbm>>
      tpu.wait_indirect_dma semaphore(%arg12 : memref<!tpu.dma_semaphore, #tpu.memory_space<semaphore_mem>>) src(%dma_wait3A_443 : memref<10000x64xbf16, #tpu.memory_space<hbm>>) dst(%dma_wait3A_433 : memref<128x64xbf16, #tpu.memory_space<vmem>>)
      %jit3A_444 = arith.constant 3 : i32
      %eq3A_445 = arith.constant 0 : i32
      %eq3A_446 = arith.cmpi eq, %jit3A_444, %eq3A_445 : i32
      %jit3A_447 = arith.constant 1 : i32
      %select_n3A_448 = arith.select %eq3A_446, %jit3A_447, %jit3A_444 : i32
      %rem3A_449 = arith.remsi %add3A_424, %select_n3A_448 : i32
      %ne3A_450 = arith.constant 0 : i32
      %ne3A_451 = arith.cmpi ne, %rem3A_449, %ne3A_450 : i32
      %lt3A_452 = arith.constant 0 : i32
      %lt3A_453 = arith.cmpi slt, %rem3A_449, %lt3A_452 : i32
      %lt3A_454 = arith.constant 0 : i32
      %lt3A_455 = arith.cmpi slt, %select_n3A_448, %lt3A_454 : i32
      %ne3A_456 = arith.xori %lt3A_453, %lt3A_455 : i1
      %and3A_457 = arith.andi %ne3A_456, %ne3A_451 : i1
      %add3A_458 = arith.addi %rem3A_449, %select_n3A_448 : i32
      %select_n3A_459 = arith.select %and3A_457, %add3A_458, %rem3A_449 : i32
      %dma_start3A_460 = arith.constant 4 : i32
      %dma_start3A_461 = arith.constant 0 : i32
      %dma_start3A_462 = arith.constant 0 : i32
      %dma_start3A_463 = tpu.memref_slice %arg9[%dma_start3A_460, %dma_start3A_461, %dma_start3A_462] : memref<5x128x64xbf16, #tpu.memory_space<vmem>> -> memref<1x128x64xbf16, #tpu.memory_space<vmem>>
      %dma_start3A_464 = tpu.memref_squeeze %dma_start3A_463 : memref<1x128x64xbf16, #tpu.memory_space<vmem>> -> memref<128x64xbf16, #tpu.memory_space<vmem>>
      %dma_start3A_465 = arith.constant 0 : i32
      %dma_start3A_466 = tpu.memref_slice %arg8[%add3A_424, %dma_start3A_465] : memref<160x128xi32, #tpu.memory_space<vmem>> -> memref<1x128xi32, #tpu.memory_space<vmem>>
      %dma_start3A_467 = tpu.memref_squeeze %dma_start3A_466 : memref<1x128xi32, #tpu.memory_space<vmem>> -> memref<128xi32, #tpu.memory_space<vmem>>
      %dma_start3A_468 = arith.constant 0 : i32
      %dma_start3A_469 = arith.constant 0 : i32
      %dma_start3A_470 = tpu.memref_slice %arg11[%select_n3A_459, %dma_start3A_468, %dma_start3A_469] : memref<3x10240x64xbf16, #tpu.memory_space<vmem_shared>> -> memref<1x10240x64xbf16, #tpu.memory_space<vmem_shared>>
      %dma_start3A_471 = tpu.memref_squeeze %dma_start3A_470 : memref<1x10240x64xbf16, #tpu.memory_space<vmem_shared>> -> memref<10240x64xbf16, #tpu.memory_space<vmem_shared>>
      %dma_start3A_472 = arith.constant 0 : i32
      %dma_start3A_473 = arith.constant 0 : i32
      %dma_start3A_474 = tpu.memref_slice %dma_start3A_471[%dma_start3A_472, %dma_start3A_473] : memref<10240x64xbf16, #tpu.memory_space<vmem_shared>> -> memref<10240x64xbf16, #tpu.memory_space<vmem_shared>>
      tpu.enqueue_indirect_dma source(%dma_start3A_464 : memref<128x64xbf16, #tpu.memory_space<vmem>>) target(%dma_start3A_474 : memref<10240x64xbf16, #tpu.memory_space<vmem_shared>>) offsets(%dma_start3A_467 : memref<128xi32, #tpu.memory_space<vmem>>) semaphore(%arg13 : memref<!tpu.dma_semaphore, #tpu.memory_space<semaphore_mem>>) {add = true}
      %gt3A_475 = arith.constant 0 : i32
      %gt3A_476 = arith.cmpi sgt, %add3A_424, %gt3A_475 : i32
      %convert_element_type3A_477 = arith.extui %gt3A_476 : i1 to i32
      %cond3A_478 = arith.constant 0 : i32
      %cond3A_479 = arith.cmpi ne, %convert_element_type3A_477, %cond3A_478 : i32
      scf.if %cond3A_479 {
        %sub3A_485 = arith.constant 1 : i32
        %sub3A_486 = arith.subi %add3A_424, %sub3A_485 : i32
        %jit3A_487 = arith.constant 3 : i32
        %eq3A_488 = arith.constant 0 : i32
        %eq3A_489 = arith.cmpi eq, %jit3A_487, %eq3A_488 : i32
        %jit3A_490 = arith.constant 1 : i32
        %select_n3A_491 = arith.select %eq3A_489, %jit3A_490, %jit3A_487 : i32
        %rem3A_492 = arith.remsi %sub3A_486, %select_n3A_491 : i32
        %ne3A_493 = arith.constant 0 : i32
        %ne3A_494 = arith.cmpi ne, %rem3A_492, %ne3A_493 : i32
        %lt3A_495 = arith.constant 0 : i32
        %lt3A_496 = arith.cmpi slt, %rem3A_492, %lt3A_495 : i32
        %lt3A_497 = arith.constant 0 : i32
        %lt3A_498 = arith.cmpi slt, %select_n3A_491, %lt3A_497 : i32
        %ne3A_499 = arith.xori %lt3A_496, %lt3A_498 : i1
        %and3A_500 = arith.andi %ne3A_499, %ne3A_494 : i1
        %add3A_501 = arith.addi %rem3A_492, %select_n3A_491 : i32
        %select_n3A_502 = arith.select %and3A_500, %add3A_501, %rem3A_492 : i32
        %sub3A_503 = arith.constant 1 : i32
        %sub3A_504 = arith.subi %add3A_424, %sub3A_503 : i32
        %dma_wait3A_505 = arith.constant 3 : i32
        %dma_wait3A_506 = arith.constant 0 : i32
        %dma_wait3A_507 = arith.constant 0 : i32
        %dma_wait3A_508 = tpu.memref_slice %arg9[%dma_wait3A_505, %dma_wait3A_506, %dma_wait3A_507] : memref<5x128x64xbf16, #tpu.memory_space<vmem>> -> memref<1x128x64xbf16, #tpu.memory_space<vmem>>
        %dma_wait3A_509 = tpu.memref_squeeze %dma_wait3A_508 : memref<1x128x64xbf16, #tpu.memory_space<vmem>> -> memref<128x64xbf16, #tpu.memory_space<vmem>>
        %dma_wait3A_510 = arith.constant 0 : i32
        %dma_wait3A_511 = tpu.memref_slice %arg8[%sub3A_504, %dma_wait3A_510] : memref<160x128xi32, #tpu.memory_space<vmem>> -> memref<1x128xi32, #tpu.memory_space<vmem>>
        %dma_wait3A_512 = tpu.memref_squeeze %dma_wait3A_511 : memref<1x128xi32, #tpu.memory_space<vmem>> -> memref<128xi32, #tpu.memory_space<vmem>>
        %dma_wait3A_513 = arith.constant 0 : i32
        %dma_wait3A_514 = arith.constant 0 : i32
        %dma_wait3A_515 = tpu.memref_slice %arg11[%select_n3A_502, %dma_wait3A_513, %dma_wait3A_514] : memref<3x10240x64xbf16, #tpu.memory_space<vmem_shared>> -> memref<1x10240x64xbf16, #tpu.memory_space<vmem_shared>>
        %dma_wait3A_516 = tpu.memref_squeeze %dma_wait3A_515 : memref<1x10240x64xbf16, #tpu.memory_space<vmem_shared>> -> memref<10240x64xbf16, #tpu.memory_space<vmem_shared>>
        %dma_wait3A_517 = arith.constant 0 : i32
        %dma_wait3A_518 = arith.constant 0 : i32
        %dma_wait3A_519 = tpu.memref_slice %dma_wait3A_516[%dma_wait3A_517, %dma_wait3A_518] : memref<10240x64xbf16, #tpu.memory_space<vmem_shared>> -> memref<10240x64xbf16, #tpu.memory_space<vmem_shared>>
        tpu.wait_indirect_dma semaphore(%arg13 : memref<!tpu.dma_semaphore, #tpu.memory_space<semaphore_mem>>) src(%dma_wait3A_509 : memref<128x64xbf16, #tpu.memory_space<vmem>>) dst(%dma_wait3A_519 : memref<10240x64xbf16, #tpu.memory_space<vmem_shared>>)
      } else {
      }
      %lt3A_480 = arith.constant 160 : i32
      %lt3A_481 = arith.cmpi slt, %sub3A_428, %lt3A_480 : i32
      %convert_element_type3A_482 = arith.extui %lt3A_481 : i1 to i32
      %cond3A_483 = arith.constant 0 : i32
      %cond3A_484 = arith.cmpi ne, %convert_element_type3A_482, %cond3A_483 : i32
      scf.if %cond3A_484 {
        %dma_start3A_485 = arith.constant 3 : i32
        %dma_start3A_486 = arith.constant 0 : i32
        %dma_start3A_487 = arith.constant 0 : i32
        %dma_start3A_488 = tpu.memref_slice %arg9[%dma_start3A_485, %dma_start3A_486, %dma_start3A_487] : memref<5x128x64xbf16, #tpu.memory_space<vmem>> -> memref<1x128x64xbf16, #tpu.memory_space<vmem>>
        %dma_start3A_489 = tpu.memref_squeeze %dma_start3A_488 : memref<1x128x64xbf16, #tpu.memory_space<vmem>> -> memref<128x64xbf16, #tpu.memory_space<vmem>>
        %dma_start3A_490 = arith.constant 0 : i32
        %dma_start3A_491 = tpu.memref_slice %arg7[%sub3A_428, %dma_start3A_490] : memref<160x128xi32, #tpu.memory_space<vmem>> -> memref<1x128xi32, #tpu.memory_space<vmem>>
        %dma_start3A_492 = tpu.memref_squeeze %dma_start3A_491 : memref<1x128xi32, #tpu.memory_space<vmem>> -> memref<128xi32, #tpu.memory_space<vmem>>
        %dma_start3A_493 = arith.constant 0 : i32
        %dma_start3A_494 = arith.constant 0 : i32
        %dma_start3A_495 = tpu.memref_slice %arg2[%arg0, %dma_start3A_493, %dma_start3A_494] : memref<2x10000x64xbf16, #tpu.memory_space<hbm>> -> memref<1x10000x64xbf16, #tpu.memory_space<hbm>>
        %dma_start3A_496 = tpu.memref_squeeze %dma_start3A_495 : memref<1x10000x64xbf16, #tpu.memory_space<hbm>> -> memref<10000x64xbf16, #tpu.memory_space<hbm>>
        %dma_start3A_497 = arith.constant 0 : i32
        %dma_start3A_498 = arith.constant 0 : i32
        %dma_start3A_499 = tpu.memref_slice %dma_start3A_496[%dma_start3A_497, %dma_start3A_498] : memref<10000x64xbf16, #tpu.memory_space<hbm>> -> memref<10000x64xbf16, #tpu.memory_space<hbm>>
        tpu.enqueue_indirect_dma source(%dma_start3A_499 : memref<10000x64xbf16, #tpu.memory_space<hbm>>) target(%dma_start3A_489 : memref<128x64xbf16, #tpu.memory_space<vmem>>) offsets(%dma_start3A_492 : memref<128xi32, #tpu.memory_space<vmem>>) semaphore(%arg12 : memref<!tpu.dma_semaphore, #tpu.memory_space<semaphore_mem>>)
      } else {
      }
    }
    %scan3A_139 = arith.constant 32 : i32
    %dma_wait3A = arith.constant 4 : i32
    %dma_wait3A_140 = arith.constant 0 : i32
    %dma_wait3A_141 = arith.constant 159 : i32
    %dma_wait3A_142 = arith.constant 0 : i32
    %dma_wait3A_143 = arith.constant 0 : i32
    %dma_wait3A_144 = tpu.memref_slice %arg9[%dma_wait3A, %dma_wait3A_142, %dma_wait3A_143] : memref<5x128x64xbf16, #tpu.memory_space<vmem>> -> memref<1x128x64xbf16, #tpu.memory_space<vmem>>
    %dma_wait3A_145 = tpu.memref_squeeze %dma_wait3A_144 : memref<1x128x64xbf16, #tpu.memory_space<vmem>> -> memref<128x64xbf16, #tpu.memory_space<vmem>>
    %dma_wait3A_146 = arith.constant 0 : i32
    %dma_wait3A_147 = tpu.memref_slice %arg8[%dma_wait3A_141, %dma_wait3A_146] : memref<160x128xi32, #tpu.memory_space<vmem>> -> memref<1x128xi32, #tpu.memory_space<vmem>>
    %dma_wait3A_148 = tpu.memref_squeeze %dma_wait3A_147 : memref<1x128xi32, #tpu.memory_space<vmem>> -> memref<128xi32, #tpu.memory_space<vmem>>
    %dma_wait3A_149 = arith.constant 0 : i32
    %dma_wait3A_150 = arith.constant 0 : i32
    %dma_wait3A_151 = tpu.memref_slice %arg11[%dma_wait3A_140, %dma_wait3A_149, %dma_wait3A_150] : memref<3x10240x64xbf16, #tpu.memory_space<vmem_shared>> -> memref<1x10240x64xbf16, #tpu.memory_space<vmem_shared>>
    %dma_wait3A_152 = tpu.memref_squeeze %dma_wait3A_151 : memref<1x10240x64xbf16, #tpu.memory_space<vmem_shared>> -> memref<10240x64xbf16, #tpu.memory_space<vmem_shared>>
    %dma_wait3A_153 = arith.constant 0 : i32
    %dma_wait3A_154 = arith.constant 0 : i32
    %dma_wait3A_155 = tpu.memref_slice %dma_wait3A_152[%dma_wait3A_153, %dma_wait3A_154] : memref<10240x64xbf16, #tpu.memory_space<vmem_shared>> -> memref<10240x64xbf16, #tpu.memory_space<vmem_shared>>
    tpu.wait_indirect_dma semaphore(%arg13 : memref<!tpu.dma_semaphore, #tpu.memory_space<semaphore_mem>>) src(%dma_wait3A_145 : memref<128x64xbf16, #tpu.memory_space<vmem>>) dst(%dma_wait3A_155 : memref<10240x64xbf16, #tpu.memory_space<vmem_shared>>)
    %barrier3A_156 = arith.constant 0 : index
    tpu.barrier barrier_id(%barrier3A_156)
    %mul3A_157 = arith.constant 640 : i32
    %mul3A_158 = arith.muli %arg1, %mul3A_157 : i32
    %mul3A_159 = arith.constant 640 : i32
    %mul3A_160 = arith.muli %arg1, %mul3A_159 : i32
    %run_scoped3A_161 = arith.constant 0 : i32
    %run_scoped3A_162 = arith.constant 0 : i32
    "tpu.region"() ({
      %run_scoped3A_175 = tpu.sem_alloc : memref<!tpu.dma_semaphore, #tpu.memory_space<semaphore_mem>>
      %dma_start3A_176 = arith.constant 0 : i32
      %dma_start3A_177 = tpu.memref_slice %arg6[%arg0, %run_scoped3A_162, %mul3A_160, %dma_start3A_176] : memref<2x3x10240x64xbf16, #tpu.memory_space<hbm>> -> memref<1x1x640x64xbf16, #tpu.memory_space<hbm>>
      %dma_start3A_178 = tpu.memref_squeeze %dma_start3A_177 : memref<1x1x640x64xbf16, #tpu.memory_space<hbm>> -> memref<640x64xbf16, #tpu.memory_space<hbm>>
      %dma_start3A_179 = arith.constant 0 : i32
      %dma_start3A_180 = tpu.memref_slice %arg11[%run_scoped3A_161, %mul3A_158, %dma_start3A_179] : memref<3x10240x64xbf16, #tpu.memory_space<vmem_shared>> -> memref<1x640x64xbf16, #tpu.memory_space<vmem_shared>>
      %dma_start3A_181 = tpu.memref_squeeze %dma_start3A_180 : memref<1x640x64xbf16, #tpu.memory_space<vmem_shared>> -> memref<640x64xbf16, #tpu.memory_space<vmem_shared>>
      tpu.enqueue_dma source(%dma_start3A_181 : memref<640x64xbf16, #tpu.memory_space<vmem_shared>>) target(%dma_start3A_178 : memref<640x64xbf16, #tpu.memory_space<hbm>>) target_semaphore(%run_scoped3A_175 : memref<!tpu.dma_semaphore, #tpu.memory_space<semaphore_mem>>)
      %dma_wait3A_182 = arith.constant 0 : i32
      %dma_wait3A_183 = tpu.memref_slice %arg6[%arg0, %run_scoped3A_162, %mul3A_160, %dma_wait3A_182] : memref<2x3x10240x64xbf16, #tpu.memory_space<hbm>> -> memref<1x1x640x64xbf16, #tpu.memory_space<hbm>>
      %dma_wait3A_184 = tpu.memref_squeeze %dma_wait3A_183 : memref<1x1x640x64xbf16, #tpu.memory_space<hbm>> -> memref<640x64xbf16, #tpu.memory_space<hbm>>
      %dma_wait3A_185 = arith.constant 0 : i32
      %dma_wait3A_186 = tpu.memref_slice %arg11[%run_scoped3A_161, %mul3A_158, %dma_wait3A_185] : memref<3x10240x64xbf16, #tpu.memory_space<vmem_shared>> -> memref<1x640x64xbf16, #tpu.memory_space<vmem_shared>>
      %dma_wait3A_187 = tpu.memref_squeeze %dma_wait3A_186 : memref<1x640x64xbf16, #tpu.memory_space<vmem_shared>> -> memref<640x64xbf16, #tpu.memory_space<vmem_shared>>
      tpu.wait_dma2 semaphore(%run_scoped3A_175 : memref<!tpu.dma_semaphore, #tpu.memory_space<semaphore_mem>>) src(%dma_wait3A_187 : memref<640x64xbf16, #tpu.memory_space<vmem_shared>>) dst(%dma_wait3A_184 : memref<640x64xbf16, #tpu.memory_space<hbm>>)
      tpu.yield
    }) : () -> ()
    %mul3A_163 = arith.constant 640 : i32
    %mul3A_164 = arith.muli %arg1, %mul3A_163 : i32
    %mul3A_165 = arith.constant 640 : i32
    %mul3A_166 = arith.muli %arg1, %mul3A_165 : i32
    %run_scoped3A_167 = arith.constant 1 : i32
    %run_scoped3A_168 = arith.constant 1 : i32
    "tpu.region"() ({
      %run_scoped3A_175 = tpu.sem_alloc : memref<!tpu.dma_semaphore, #tpu.memory_space<semaphore_mem>>
      %dma_start3A_176 = arith.constant 0 : i32
      %dma_start3A_177 = tpu.memref_slice %arg6[%arg0, %run_scoped3A_168, %mul3A_166, %dma_start3A_176] : memref<2x3x10240x64xbf16, #tpu.memory_space<hbm>> -> memref<1x1x640x64xbf16, #tpu.memory_space<hbm>>
      %dma_start3A_178 = tpu.memref_squeeze %dma_start3A_177 : memref<1x1x640x64xbf16, #tpu.memory_space<hbm>> -> memref<640x64xbf16, #tpu.memory_space<hbm>>
      %dma_start3A_179 = arith.constant 0 : i32
      %dma_start3A_180 = tpu.memref_slice %arg11[%run_scoped3A_167, %mul3A_164, %dma_start3A_179] : memref<3x10240x64xbf16, #tpu.memory_space<vmem_shared>> -> memref<1x640x64xbf16, #tpu.memory_space<vmem_shared>>
      %dma_start3A_181 = tpu.memref_squeeze %dma_start3A_180 : memref<1x640x64xbf16, #tpu.memory_space<vmem_shared>> -> memref<640x64xbf16, #tpu.memory_space<vmem_shared>>
      tpu.enqueue_dma source(%dma_start3A_181 : memref<640x64xbf16, #tpu.memory_space<vmem_shared>>) target(%dma_start3A_178 : memref<640x64xbf16, #tpu.memory_space<hbm>>) target_semaphore(%run_scoped3A_175 : memref<!tpu.dma_semaphore, #tpu.memory_space<semaphore_mem>>)
      %dma_wait3A_182 = arith.constant 0 : i32
      %dma_wait3A_183 = tpu.memref_slice %arg6[%arg0, %run_scoped3A_168, %mul3A_166, %dma_wait3A_182] : memref<2x3x10240x64xbf16, #tpu.memory_space<hbm>> -> memref<1x1x640x64xbf16, #tpu.memory_space<hbm>>
      %dma_wait3A_184 = tpu.memref_squeeze %dma_wait3A_183 : memref<1x1x640x64xbf16, #tpu.memory_space<hbm>> -> memref<640x64xbf16, #tpu.memory_space<hbm>>
      %dma_wait3A_185 = arith.constant 0 : i32
      %dma_wait3A_186 = tpu.memref_slice %arg11[%run_scoped3A_167, %mul3A_164, %dma_wait3A_185] : memref<3x10240x64xbf16, #tpu.memory_space<vmem_shared>> -> memref<1x640x64xbf16, #tpu.memory_space<vmem_shared>>
      %dma_wait3A_187 = tpu.memref_squeeze %dma_wait3A_186 : memref<1x640x64xbf16, #tpu.memory_space<vmem_shared>> -> memref<640x64xbf16, #tpu.memory_space<vmem_shared>>
      tpu.wait_dma2 semaphore(%run_scoped3A_175 : memref<!tpu.dma_semaphore, #tpu.memory_space<semaphore_mem>>) src(%dma_wait3A_187 : memref<640x64xbf16, #tpu.memory_space<vmem_shared>>) dst(%dma_wait3A_184 : memref<640x64xbf16, #tpu.memory_space<hbm>>)
      tpu.yield
    }) : () -> ()
    %mul3A_169 = arith.constant 640 : i32
    %mul3A_170 = arith.muli %arg1, %mul3A_169 : i32
    %mul3A_171 = arith.constant 640 : i32
    %mul3A_172 = arith.muli %arg1, %mul3A_171 : i32
    %run_scoped3A_173 = arith.constant 2 : i32
    %run_scoped3A_174 = arith.constant 2 : i32
    "tpu.region"() ({
      %run_scoped3A_175 = tpu.sem_alloc : memref<!tpu.dma_semaphore, #tpu.memory_space<semaphore_mem>>
      %dma_start3A_176 = arith.constant 0 : i32
      %dma_start3A_177 = tpu.memref_slice %arg6[%arg0, %run_scoped3A_174, %mul3A_172, %dma_start3A_176] : memref<2x3x10240x64xbf16, #tpu.memory_space<hbm>> -> memref<1x1x640x64xbf16, #tpu.memory_space<hbm>>
      %dma_start3A_178 = tpu.memref_squeeze %dma_start3A_177 : memref<1x1x640x64xbf16, #tpu.memory_space<hbm>> -> memref<640x64xbf16, #tpu.memory_space<hbm>>
      %dma_start3A_179 = arith.constant 0 : i32
      %dma_start3A_180 = tpu.memref_slice %arg11[%run_scoped3A_173, %mul3A_170, %dma_start3A_179] : memref<3x10240x64xbf16, #tpu.memory_space<vmem_shared>> -> memref<1x640x64xbf16, #tpu.memory_space<vmem_shared>>
      %dma_start3A_181 = tpu.memref_squeeze %dma_start3A_180 : memref<1x640x64xbf16, #tpu.memory_space<vmem_shared>> -> memref<640x64xbf16, #tpu.memory_space<vmem_shared>>
      tpu.enqueue_dma source(%dma_start3A_181 : memref<640x64xbf16, #tpu.memory_space<vmem_shared>>) target(%dma_start3A_178 : memref<640x64xbf16, #tpu.memory_space<hbm>>) target_semaphore(%run_scoped3A_175 : memref<!tpu.dma_semaphore, #tpu.memory_space<semaphore_mem>>)
      %dma_wait3A_182 = arith.constant 0 : i32
      %dma_wait3A_183 = tpu.memref_slice %arg6[%arg0, %run_scoped3A_174, %mul3A_172, %dma_wait3A_182] : memref<2x3x10240x64xbf16, #tpu.memory_space<hbm>> -> memref<1x1x640x64xbf16, #tpu.memory_space<hbm>>
      %dma_wait3A_184 = tpu.memref_squeeze %dma_wait3A_183 : memref<1x1x640x64xbf16, #tpu.memory_space<hbm>> -> memref<640x64xbf16, #tpu.memory_space<hbm>>
      %dma_wait3A_185 = arith.constant 0 : i32
      %dma_wait3A_186 = tpu.memref_slice %arg11[%run_scoped3A_173, %mul3A_170, %dma_wait3A_185] : memref<3x10240x64xbf16, #tpu.memory_space<vmem_shared>> -> memref<1x640x64xbf16, #tpu.memory_space<vmem_shared>>
      %dma_wait3A_187 = tpu.memref_squeeze %dma_wait3A_186 : memref<1x640x64xbf16, #tpu.memory_space<vmem_shared>> -> memref<640x64xbf16, #tpu.memory_space<vmem_shared>>
      tpu.wait_dma2 semaphore(%run_scoped3A_175 : memref<!tpu.dma_semaphore, #tpu.memory_space<semaphore_mem>>) src(%dma_wait3A_187 : memref<640x64xbf16, #tpu.memory_space<vmem_shared>>) dst(%dma_wait3A_184 : memref<640x64xbf16, #tpu.memory_space<hbm>>)
      tpu.yield
    }) : () -> ()
    return
  }
}

#map = affine_map<(d0, d1) -> (0, 0, 0)>
#map1 = affine_map<(d0, d1) -> (0, 0)>
module attributes {stable_mosaic.version = 14 : i64} {
  func.func @_deg_sc(%arg0: i32, %arg1: i32, %arg2: memref<16x160x128xi32, #tpu.memory_space<hbm>>, %arg3: memref<128x16xf32, #tpu.memory_space<hbm>>, %arg4: memref<640x16xf32, #tpu.memory_space<hbm>>, %arg5: memref<2x10240x16xf32, #tpu.memory_space<hbm>>, %arg6: memref<80x128xi32, #tpu.memory_space<vmem>>, %arg7: memref<128x16xf32, #tpu.memory_space<vmem>>, %arg8: memref<640x16xf32, #tpu.memory_space<vmem>>, %arg9: memref<10240x16xf32, #tpu.memory_space<vmem_shared>>) attributes {dimension_semantics = [#tpu.dimension_semantics<core_parallel>, #tpu.dimension_semantics<subcore_parallel>], iteration_bounds = array<i64: 2, 16>, scalar_prefetch = 0 : i64, scratch_operands = 4 : i64, tpu.core_type = #tpu.core_type<sc_vector_subcore>, window_params = [{transform_indices = #map}, {transform_indices = #map1}, {transform_indices = #map1}, {transform_indices = #map}]} {
    "tpu.region"() ({
      %run_scoped3A = tpu.sem_alloc : memref<!tpu.dma_semaphore, #tpu.memory_space<semaphore_mem>>
      tpu.enqueue_dma source(%arg4 : memref<640x16xf32, #tpu.memory_space<hbm>>) target(%arg8 : memref<640x16xf32, #tpu.memory_space<vmem>>) target_semaphore(%run_scoped3A : memref<!tpu.dma_semaphore, #tpu.memory_space<semaphore_mem>>)
      tpu.wait_dma2 semaphore(%run_scoped3A : memref<!tpu.dma_semaphore, #tpu.memory_space<semaphore_mem>>) src(%arg4 : memref<640x16xf32, #tpu.memory_space<hbm>>) dst(%arg8 : memref<640x16xf32, #tpu.memory_space<vmem>>)
      tpu.yield
    }) : () -> ()
    %mul3A = arith.constant 640 : i32
    %mul3A_0 = arith.muli %arg1, %mul3A : i32
    "tpu.region"() ({
      %run_scoped3A = tpu.sem_alloc : memref<!tpu.dma_semaphore, #tpu.memory_space<semaphore_mem>>
      %dma_start3A = arith.constant 0 : i32
      %dma_start3A_13 = tpu.memref_slice %arg9[%mul3A_0, %dma_start3A] : memref<10240x16xf32, #tpu.memory_space<vmem_shared>> -> memref<640x16xf32, #tpu.memory_space<vmem_shared>>
      %dma_start3A_14 = arith.constant 0 : i32
      %dma_start3A_15 = tpu.memref_slice %arg9[%mul3A_0, %dma_start3A_14] : memref<10240x16xf32, #tpu.memory_space<vmem_shared>> -> memref<640x16xf32, #tpu.memory_space<vmem_shared>>
      tpu.enqueue_dma source(%arg8 : memref<640x16xf32, #tpu.memory_space<vmem>>) target(%dma_start3A_15 : memref<640x16xf32, #tpu.memory_space<vmem_shared>>) target_semaphore(%run_scoped3A : memref<!tpu.dma_semaphore, #tpu.memory_space<semaphore_mem>>)
      %dma_wait3A = arith.constant 0 : i32
      %dma_wait3A_16 = tpu.memref_slice %arg9[%mul3A_0, %dma_wait3A] : memref<10240x16xf32, #tpu.memory_space<vmem_shared>> -> memref<640x16xf32, #tpu.memory_space<vmem_shared>>
      %dma_wait3A_17 = arith.constant 0 : i32
      %dma_wait3A_18 = tpu.memref_slice %arg9[%mul3A_0, %dma_wait3A_17] : memref<10240x16xf32, #tpu.memory_space<vmem_shared>> -> memref<640x16xf32, #tpu.memory_space<vmem_shared>>
      tpu.wait_dma2 semaphore(%run_scoped3A : memref<!tpu.dma_semaphore, #tpu.memory_space<semaphore_mem>>) src(%arg8 : memref<640x16xf32, #tpu.memory_space<vmem>>) dst(%dma_wait3A_18 : memref<640x16xf32, #tpu.memory_space<vmem_shared>>)
      tpu.yield
    }) : () -> ()
    "tpu.region"() ({
      %run_scoped3A = tpu.sem_alloc : memref<!tpu.dma_semaphore, #tpu.memory_space<semaphore_mem>>
      tpu.enqueue_dma source(%arg3 : memref<128x16xf32, #tpu.memory_space<hbm>>) target(%arg7 : memref<128x16xf32, #tpu.memory_space<vmem>>) target_semaphore(%run_scoped3A : memref<!tpu.dma_semaphore, #tpu.memory_space<semaphore_mem>>)
      tpu.wait_dma2 semaphore(%run_scoped3A : memref<!tpu.dma_semaphore, #tpu.memory_space<semaphore_mem>>) src(%arg3 : memref<128x16xf32, #tpu.memory_space<hbm>>) dst(%arg7 : memref<128x16xf32, #tpu.memory_space<vmem>>)
      tpu.yield
    }) : () -> ()
    %mul3A_1 = arith.constant 80 : i32
    %mul3A_2 = arith.muli %arg0, %mul3A_1 : i32
    "tpu.region"() ({
      %run_scoped3A = tpu.sem_alloc : memref<!tpu.dma_semaphore, #tpu.memory_space<semaphore_mem>>
      %dma_start3A = arith.constant 0 : i32
      %dma_start3A_13 = tpu.memref_slice %arg2[%arg1, %mul3A_2, %dma_start3A] : memref<16x160x128xi32, #tpu.memory_space<hbm>> -> memref<1x80x128xi32, #tpu.memory_space<hbm>>
      %dma_start3A_14 = tpu.memref_squeeze %dma_start3A_13 : memref<1x80x128xi32, #tpu.memory_space<hbm>> -> memref<80x128xi32, #tpu.memory_space<hbm>>
      %dma_start3A_15 = arith.constant 0 : i32
      %dma_start3A_16 = tpu.memref_slice %arg2[%arg1, %mul3A_2, %dma_start3A_15] : memref<16x160x128xi32, #tpu.memory_space<hbm>> -> memref<1x80x128xi32, #tpu.memory_space<hbm>>
      %dma_start3A_17 = tpu.memref_squeeze %dma_start3A_16 : memref<1x80x128xi32, #tpu.memory_space<hbm>> -> memref<80x128xi32, #tpu.memory_space<hbm>>
      tpu.enqueue_dma source(%dma_start3A_17 : memref<80x128xi32, #tpu.memory_space<hbm>>) target(%arg6 : memref<80x128xi32, #tpu.memory_space<vmem>>) target_semaphore(%run_scoped3A : memref<!tpu.dma_semaphore, #tpu.memory_space<semaphore_mem>>)
      %dma_wait3A = arith.constant 0 : i32
      %dma_wait3A_18 = tpu.memref_slice %arg2[%arg1, %mul3A_2, %dma_wait3A] : memref<16x160x128xi32, #tpu.memory_space<hbm>> -> memref<1x80x128xi32, #tpu.memory_space<hbm>>
      %dma_wait3A_19 = tpu.memref_squeeze %dma_wait3A_18 : memref<1x80x128xi32, #tpu.memory_space<hbm>> -> memref<80x128xi32, #tpu.memory_space<hbm>>
      %dma_wait3A_20 = arith.constant 0 : i32
      %dma_wait3A_21 = tpu.memref_slice %arg2[%arg1, %mul3A_2, %dma_wait3A_20] : memref<16x160x128xi32, #tpu.memory_space<hbm>> -> memref<1x80x128xi32, #tpu.memory_space<hbm>>
      %dma_wait3A_22 = tpu.memref_squeeze %dma_wait3A_21 : memref<1x80x128xi32, #tpu.memory_space<hbm>> -> memref<80x128xi32, #tpu.memory_space<hbm>>
      tpu.wait_dma2 semaphore(%run_scoped3A : memref<!tpu.dma_semaphore, #tpu.memory_space<semaphore_mem>>) src(%dma_wait3A_22 : memref<80x128xi32, #tpu.memory_space<hbm>>) dst(%arg6 : memref<80x128xi32, #tpu.memory_space<vmem>>)
      tpu.yield
    }) : () -> ()
    %barrier3A = arith.constant 0 : index
    tpu.barrier barrier_id(%barrier3A)
    %scan3A = arith.constant 0 : i32
    %scan3A_3 = arith.constant 0 : i32
    %scan3A_4 = arith.constant 80 : i32
    %scan3A_5 = arith.addi %scan3A_3, %scan3A_4 : i32
    %scan3A_6 = arith.constant 1 : i32
    scf.for %scan3A_13 = %scan3A_3 to %scan3A_5 step %scan3A_6  : i32 {
      "tpu.region"() ({
        %run_scoped3A = tpu.sem_alloc : memref<!tpu.dma_semaphore, #tpu.memory_space<semaphore_mem>>
        %dma_start3A = arith.constant 0 : i32
        %dma_start3A_14 = tpu.memref_slice %arg6[%scan3A_13, %dma_start3A] : memref<80x128xi32, #tpu.memory_space<vmem>> -> memref<1x128xi32, #tpu.memory_space<vmem>>
        %dma_start3A_15 = tpu.memref_squeeze %dma_start3A_14 : memref<1x128xi32, #tpu.memory_space<vmem>> -> memref<128xi32, #tpu.memory_space<vmem>>
        %dma_start3A_16 = arith.constant 0 : i32
        %dma_start3A_17 = arith.constant 0 : i32
        %dma_start3A_18 = tpu.memref_slice %arg9[%dma_start3A_16, %dma_start3A_17] : memref<10240x16xf32, #tpu.memory_space<vmem_shared>> -> memref<10240x16xf32, #tpu.memory_space<vmem_shared>>
        tpu.enqueue_indirect_dma source(%arg7 : memref<128x16xf32, #tpu.memory_space<vmem>>) target(%dma_start3A_18 : memref<10240x16xf32, #tpu.memory_space<vmem_shared>>) offsets(%dma_start3A_15 : memref<128xi32, #tpu.memory_space<vmem>>) semaphore(%run_scoped3A : memref<!tpu.dma_semaphore, #tpu.memory_space<semaphore_mem>>) {add = true}
        %dma_wait3A = arith.constant 0 : i32
        %dma_wait3A_19 = tpu.memref_slice %arg6[%scan3A_13, %dma_wait3A] : memref<80x128xi32, #tpu.memory_space<vmem>> -> memref<1x128xi32, #tpu.memory_space<vmem>>
        %dma_wait3A_20 = tpu.memref_squeeze %dma_wait3A_19 : memref<1x128xi32, #tpu.memory_space<vmem>> -> memref<128xi32, #tpu.memory_space<vmem>>
        %dma_wait3A_21 = arith.constant 0 : i32
        %dma_wait3A_22 = arith.constant 0 : i32
        %dma_wait3A_23 = tpu.memref_slice %arg9[%dma_wait3A_21, %dma_wait3A_22] : memref<10240x16xf32, #tpu.memory_space<vmem_shared>> -> memref<10240x16xf32, #tpu.memory_space<vmem_shared>>
        tpu.wait_indirect_dma semaphore(%run_scoped3A : memref<!tpu.dma_semaphore, #tpu.memory_space<semaphore_mem>>) src(%arg7 : memref<128x16xf32, #tpu.memory_space<vmem>>) dst(%dma_wait3A_23 : memref<10240x16xf32, #tpu.memory_space<vmem_shared>>)
        tpu.yield
      }) : () -> ()
    }
    %scan3A_7 = arith.constant 80 : i32
    %barrier3A_8 = arith.constant 0 : index
    tpu.barrier barrier_id(%barrier3A_8)
    %mul3A_9 = arith.constant 640 : i32
    %mul3A_10 = arith.muli %arg1, %mul3A_9 : i32
    %mul3A_11 = arith.constant 640 : i32
    %mul3A_12 = arith.muli %arg1, %mul3A_11 : i32
    "tpu.region"() ({
      %run_scoped3A = tpu.sem_alloc : memref<!tpu.dma_semaphore, #tpu.memory_space<semaphore_mem>>
      %dma_start3A = arith.constant 0 : i32
      %dma_start3A_13 = tpu.memref_slice %arg5[%arg0, %mul3A_12, %dma_start3A] : memref<2x10240x16xf32, #tpu.memory_space<hbm>> -> memref<1x640x16xf32, #tpu.memory_space<hbm>>
      %dma_start3A_14 = tpu.memref_squeeze %dma_start3A_13 : memref<1x640x16xf32, #tpu.memory_space<hbm>> -> memref<640x16xf32, #tpu.memory_space<hbm>>
      %dma_start3A_15 = arith.constant 0 : i32
      %dma_start3A_16 = tpu.memref_slice %arg9[%mul3A_10, %dma_start3A_15] : memref<10240x16xf32, #tpu.memory_space<vmem_shared>> -> memref<640x16xf32, #tpu.memory_space<vmem_shared>>
      tpu.enqueue_dma source(%dma_start3A_16 : memref<640x16xf32, #tpu.memory_space<vmem_shared>>) target(%dma_start3A_14 : memref<640x16xf32, #tpu.memory_space<hbm>>) target_semaphore(%run_scoped3A : memref<!tpu.dma_semaphore, #tpu.memory_space<semaphore_mem>>)
      %dma_wait3A = arith.constant 0 : i32
      %dma_wait3A_17 = tpu.memref_slice %arg5[%arg0, %mul3A_12, %dma_wait3A] : memref<2x10240x16xf32, #tpu.memory_space<hbm>> -> memref<1x640x16xf32, #tpu.memory_space<hbm>>
      %dma_wait3A_18 = tpu.memref_squeeze %dma_wait3A_17 : memref<1x640x16xf32, #tpu.memory_space<hbm>> -> memref<640x16xf32, #tpu.memory_space<hbm>>
      %dma_wait3A_19 = arith.constant 0 : i32
      %dma_wait3A_20 = tpu.memref_slice %arg9[%mul3A_10, %dma_wait3A_19] : memref<10240x16xf32, #tpu.memory_space<vmem_shared>> -> memref<640x16xf32, #tpu.memory_space<vmem_shared>>
      tpu.wait_dma2 semaphore(%run_scoped3A : memref<!tpu.dma_semaphore, #tpu.memory_space<semaphore_mem>>) src(%dma_wait3A_20 : memref<640x16xf32, #tpu.memory_space<vmem_shared>>) dst(%dma_wait3A_18 : memref<640x16xf32, #tpu.memory_space<hbm>>)
      tpu.yield
    }) : () -> ()
    return
  }
}

#map = affine_map<(d0, d1) -> (0, 0, 0)>
#map1 = affine_map<(d0, d1) -> (0, 0)>
#map2 = affine_map<(d0, d1) -> (0, 0, 0, 0)>
module attributes {stable_mosaic.version = 14 : i64} {
  func.func @_agg_sc(%arg0: i32, %arg1: i32, %arg2: memref<2x10000x64xbf16, #tpu.memory_space<hbm>>, %arg3: memref<16x160x128xi32, #tpu.memory_space<hbm>>, %arg4: memref<16x160x128xi32, #tpu.memory_space<hbm>>, %arg5: memref<128x64xbf16, #tpu.memory_space<hbm>>, %arg6: memref<2x1x10240x64xbf16, #tpu.memory_space<hbm>>, %arg7: memref<160x128xi32, #tpu.memory_space<vmem>>, %arg8: memref<160x128xi32, #tpu.memory_space<vmem>>, %arg9: memref<5x128x64xbf16, #tpu.memory_space<vmem>>, %arg10: memref<128x64xbf16, #tpu.memory_space<vmem>>, %arg11: memref<1x10240x64xbf16, #tpu.memory_space<vmem_shared>>, %arg12: memref<!tpu.dma_semaphore, #tpu.memory_space<semaphore_mem>>, %arg13: memref<!tpu.dma_semaphore, #tpu.memory_space<semaphore_mem>>) attributes {dimension_semantics = [#tpu.dimension_semantics<core_parallel>, #tpu.dimension_semantics<subcore_parallel>], iteration_bounds = array<i64: 2, 16>, scalar_prefetch = 0 : i64, scratch_operands = 7 : i64, tpu.core_type = #tpu.core_type<sc_vector_subcore>, window_params = [{transform_indices = #map}, {transform_indices = #map}, {transform_indices = #map}, {transform_indices = #map1}, {transform_indices = #map2}]} {
    "tpu.region"() ({
      %run_scoped3A_113 = tpu.sem_alloc : memref<!tpu.dma_semaphore, #tpu.memory_space<semaphore_mem>>
      %dma_start3A_114 = arith.constant 0 : i32
      %dma_start3A_115 = arith.constant 0 : i32
      %dma_start3A_116 = tpu.memref_slice %arg3[%arg1, %dma_start3A_114, %dma_start3A_115] : memref<16x160x128xi32, #tpu.memory_space<hbm>> -> memref<1x160x128xi32, #tpu.memory_space<hbm>>
      %dma_start3A_117 = tpu.memref_squeeze %dma_start3A_116 : memref<1x160x128xi32, #tpu.memory_space<hbm>> -> memref<160x128xi32, #tpu.memory_space<hbm>>
      %dma_start3A_118 = arith.constant 0 : i32
      %dma_start3A_119 = arith.constant 0 : i32
      %dma_start3A_120 = tpu.memref_slice %arg3[%arg1, %dma_start3A_118, %dma_start3A_119] : memref<16x160x128xi32, #tpu.memory_space<hbm>> -> memref<1x160x128xi32, #tpu.memory_space<hbm>>
      %dma_start3A_121 = tpu.memref_squeeze %dma_start3A_120 : memref<1x160x128xi32, #tpu.memory_space<hbm>> -> memref<160x128xi32, #tpu.memory_space<hbm>>
      tpu.enqueue_dma source(%dma_start3A_121 : memref<160x128xi32, #tpu.memory_space<hbm>>) target(%arg7 : memref<160x128xi32, #tpu.memory_space<vmem>>) target_semaphore(%run_scoped3A_113 : memref<!tpu.dma_semaphore, #tpu.memory_space<semaphore_mem>>)
      %dma_wait3A_122 = arith.constant 0 : i32
      %dma_wait3A_123 = arith.constant 0 : i32
      %dma_wait3A_124 = tpu.memref_slice %arg3[%arg1, %dma_wait3A_122, %dma_wait3A_123] : memref<16x160x128xi32, #tpu.memory_space<hbm>> -> memref<1x160x128xi32, #tpu.memory_space<hbm>>
      %dma_wait3A_125 = tpu.memref_squeeze %dma_wait3A_124 : memref<1x160x128xi32, #tpu.memory_space<hbm>> -> memref<160x128xi32, #tpu.memory_space<hbm>>
      %dma_wait3A_126 = arith.constant 0 : i32
      %dma_wait3A_127 = arith.constant 0 : i32
      %dma_wait3A_128 = tpu.memref_slice %arg3[%arg1, %dma_wait3A_126, %dma_wait3A_127] : memref<16x160x128xi32, #tpu.memory_space<hbm>> -> memref<1x160x128xi32, #tpu.memory_space<hbm>>
      %dma_wait3A_129 = tpu.memref_squeeze %dma_wait3A_128 : memref<1x160x128xi32, #tpu.memory_space<hbm>> -> memref<160x128xi32, #tpu.memory_space<hbm>>
      tpu.wait_dma2 semaphore(%run_scoped3A_113 : memref<!tpu.dma_semaphore, #tpu.memory_space<semaphore_mem>>) src(%dma_wait3A_129 : memref<160x128xi32, #tpu.memory_space<hbm>>) dst(%arg7 : memref<160x128xi32, #tpu.memory_space<vmem>>)
      tpu.yield
    }) : () -> ()
    "tpu.region"() ({
      %run_scoped3A_113 = tpu.sem_alloc : memref<!tpu.dma_semaphore, #tpu.memory_space<semaphore_mem>>
      %dma_start3A_114 = arith.constant 0 : i32
      %dma_start3A_115 = arith.constant 0 : i32
      %dma_start3A_116 = tpu.memref_slice %arg4[%arg1, %dma_start3A_114, %dma_start3A_115] : memref<16x160x128xi32, #tpu.memory_space<hbm>> -> memref<1x160x128xi32, #tpu.memory_space<hbm>>
      %dma_start3A_117 = tpu.memref_squeeze %dma_start3A_116 : memref<1x160x128xi32, #tpu.memory_space<hbm>> -> memref<160x128xi32, #tpu.memory_space<hbm>>
      %dma_start3A_118 = arith.constant 0 : i32
      %dma_start3A_119 = arith.constant 0 : i32
      %dma_start3A_120 = tpu.memref_slice %arg4[%arg1, %dma_start3A_118, %dma_start3A_119] : memref<16x160x128xi32, #tpu.memory_space<hbm>> -> memref<1x160x128xi32, #tpu.memory_space<hbm>>
      %dma_start3A_121 = tpu.memref_squeeze %dma_start3A_120 : memref<1x160x128xi32, #tpu.memory_space<hbm>> -> memref<160x128xi32, #tpu.memory_space<hbm>>
      tpu.enqueue_dma source(%dma_start3A_121 : memref<160x128xi32, #tpu.memory_space<hbm>>) target(%arg8 : memref<160x128xi32, #tpu.memory_space<vmem>>) target_semaphore(%run_scoped3A_113 : memref<!tpu.dma_semaphore, #tpu.memory_space<semaphore_mem>>)
      %dma_wait3A_122 = arith.constant 0 : i32
      %dma_wait3A_123 = arith.constant 0 : i32
      %dma_wait3A_124 = tpu.memref_slice %arg4[%arg1, %dma_wait3A_122, %dma_wait3A_123] : memref<16x160x128xi32, #tpu.memory_space<hbm>> -> memref<1x160x128xi32, #tpu.memory_space<hbm>>
      %dma_wait3A_125 = tpu.memref_squeeze %dma_wait3A_124 : memref<1x160x128xi32, #tpu.memory_space<hbm>> -> memref<160x128xi32, #tpu.memory_space<hbm>>
      %dma_wait3A_126 = arith.constant 0 : i32
      %dma_wait3A_127 = arith.constant 0 : i32
      %dma_wait3A_128 = tpu.memref_slice %arg4[%arg1, %dma_wait3A_126, %dma_wait3A_127] : memref<16x160x128xi32, #tpu.memory_space<hbm>> -> memref<1x160x128xi32, #tpu.memory_space<hbm>>
      %dma_wait3A_129 = tpu.memref_squeeze %dma_wait3A_128 : memref<1x160x128xi32, #tpu.memory_space<hbm>> -> memref<160x128xi32, #tpu.memory_space<hbm>>
      tpu.wait_dma2 semaphore(%run_scoped3A_113 : memref<!tpu.dma_semaphore, #tpu.memory_space<semaphore_mem>>) src(%dma_wait3A_129 : memref<160x128xi32, #tpu.memory_space<hbm>>) dst(%arg8 : memref<160x128xi32, #tpu.memory_space<vmem>>)
      tpu.yield
    }) : () -> ()
    %dma_start3A = arith.constant 0 : i32
    %dma_start3A_0 = arith.constant 0 : i32
    %dma_start3A_1 = arith.constant 0 : i32
    %dma_start3A_2 = arith.constant 0 : i32
    %dma_start3A_3 = tpu.memref_slice %arg9[%dma_start3A_0, %dma_start3A_1, %dma_start3A_2] : memref<5x128x64xbf16, #tpu.memory_space<vmem>> -> memref<1x128x64xbf16, #tpu.memory_space<vmem>>
    %dma_start3A_4 = tpu.memref_squeeze %dma_start3A_3 : memref<1x128x64xbf16, #tpu.memory_space<vmem>> -> memref<128x64xbf16, #tpu.memory_space<vmem>>
    %dma_start3A_5 = arith.constant 0 : i32
    %dma_start3A_6 = tpu.memref_slice %arg7[%dma_start3A, %dma_start3A_5] : memref<160x128xi32, #tpu.memory_space<vmem>> -> memref<1x128xi32, #tpu.memory_space<vmem>>
    %dma_start3A_7 = tpu.memref_squeeze %dma_start3A_6 : memref<1x128xi32, #tpu.memory_space<vmem>> -> memref<128xi32, #tpu.memory_space<vmem>>
    %dma_start3A_8 = arith.constant 0 : i32
    %dma_start3A_9 = arith.constant 0 : i32
    %dma_start3A_10 = tpu.memref_slice %arg2[%arg0, %dma_start3A_8, %dma_start3A_9] : memref<2x10000x64xbf16, #tpu.memory_space<hbm>> -> memref<1x10000x64xbf16, #tpu.memory_space<hbm>>
    %dma_start3A_11 = tpu.memref_squeeze %dma_start3A_10 : memref<1x10000x64xbf16, #tpu.memory_space<hbm>> -> memref<10000x64xbf16, #tpu.memory_space<hbm>>
    %dma_start3A_12 = arith.constant 0 : i32
    %dma_start3A_13 = arith.constant 0 : i32
    %dma_start3A_14 = tpu.memref_slice %dma_start3A_11[%dma_start3A_12, %dma_start3A_13] : memref<10000x64xbf16, #tpu.memory_space<hbm>> -> memref<10000x64xbf16, #tpu.memory_space<hbm>>
    tpu.enqueue_indirect_dma source(%dma_start3A_14 : memref<10000x64xbf16, #tpu.memory_space<hbm>>) target(%dma_start3A_4 : memref<128x64xbf16, #tpu.memory_space<vmem>>) offsets(%dma_start3A_7 : memref<128xi32, #tpu.memory_space<vmem>>) semaphore(%arg12 : memref<!tpu.dma_semaphore, #tpu.memory_space<semaphore_mem>>)
    %dma_start3A_15 = arith.constant 1 : i32
    %dma_start3A_16 = arith.constant 1 : i32
    %dma_start3A_17 = arith.constant 0 : i32
    %dma_start3A_18 = arith.constant 0 : i32
    %dma_start3A_19 = tpu.memref_slice %arg9[%dma_start3A_16, %dma_start3A_17, %dma_start3A_18] : memref<5x128x64xbf16, #tpu.memory_space<vmem>> -> memref<1x128x64xbf16, #tpu.memory_space<vmem>>
    %dma_start3A_20 = tpu.memref_squeeze %dma_start3A_19 : memref<1x128x64xbf16, #tpu.memory_space<vmem>> -> memref<128x64xbf16, #tpu.memory_space<vmem>>
    %dma_start3A_21 = arith.constant 0 : i32
    %dma_start3A_22 = tpu.memref_slice %arg7[%dma_start3A_15, %dma_start3A_21] : memref<160x128xi32, #tpu.memory_space<vmem>> -> memref<1x128xi32, #tpu.memory_space<vmem>>
    %dma_start3A_23 = tpu.memref_squeeze %dma_start3A_22 : memref<1x128xi32, #tpu.memory_space<vmem>> -> memref<128xi32, #tpu.memory_space<vmem>>
    %dma_start3A_24 = arith.constant 0 : i32
    %dma_start3A_25 = arith.constant 0 : i32
    %dma_start3A_26 = tpu.memref_slice %arg2[%arg0, %dma_start3A_24, %dma_start3A_25] : memref<2x10000x64xbf16, #tpu.memory_space<hbm>> -> memref<1x10000x64xbf16, #tpu.memory_space<hbm>>
    %dma_start3A_27 = tpu.memref_squeeze %dma_start3A_26 : memref<1x10000x64xbf16, #tpu.memory_space<hbm>> -> memref<10000x64xbf16, #tpu.memory_space<hbm>>
    %dma_start3A_28 = arith.constant 0 : i32
    %dma_start3A_29 = arith.constant 0 : i32
    %dma_start3A_30 = tpu.memref_slice %dma_start3A_27[%dma_start3A_28, %dma_start3A_29] : memref<10000x64xbf16, #tpu.memory_space<hbm>> -> memref<10000x64xbf16, #tpu.memory_space<hbm>>
    tpu.enqueue_indirect_dma source(%dma_start3A_30 : memref<10000x64xbf16, #tpu.memory_space<hbm>>) target(%dma_start3A_20 : memref<128x64xbf16, #tpu.memory_space<vmem>>) offsets(%dma_start3A_23 : memref<128xi32, #tpu.memory_space<vmem>>) semaphore(%arg12 : memref<!tpu.dma_semaphore, #tpu.memory_space<semaphore_mem>>)
    %dma_start3A_31 = arith.constant 2 : i32
    %dma_start3A_32 = arith.constant 2 : i32
    %dma_start3A_33 = arith.constant 0 : i32
    %dma_start3A_34 = arith.constant 0 : i32
    %dma_start3A_35 = tpu.memref_slice %arg9[%dma_start3A_32, %dma_start3A_33, %dma_start3A_34] : memref<5x128x64xbf16, #tpu.memory_space<vmem>> -> memref<1x128x64xbf16, #tpu.memory_space<vmem>>
    %dma_start3A_36 = tpu.memref_squeeze %dma_start3A_35 : memref<1x128x64xbf16, #tpu.memory_space<vmem>> -> memref<128x64xbf16, #tpu.memory_space<vmem>>
    %dma_start3A_37 = arith.constant 0 : i32
    %dma_start3A_38 = tpu.memref_slice %arg7[%dma_start3A_31, %dma_start3A_37] : memref<160x128xi32, #tpu.memory_space<vmem>> -> memref<1x128xi32, #tpu.memory_space<vmem>>
    %dma_start3A_39 = tpu.memref_squeeze %dma_start3A_38 : memref<1x128xi32, #tpu.memory_space<vmem>> -> memref<128xi32, #tpu.memory_space<vmem>>
    %dma_start3A_40 = arith.constant 0 : i32
    %dma_start3A_41 = arith.constant 0 : i32
    %dma_start3A_42 = tpu.memref_slice %arg2[%arg0, %dma_start3A_40, %dma_start3A_41] : memref<2x10000x64xbf16, #tpu.memory_space<hbm>> -> memref<1x10000x64xbf16, #tpu.memory_space<hbm>>
    %dma_start3A_43 = tpu.memref_squeeze %dma_start3A_42 : memref<1x10000x64xbf16, #tpu.memory_space<hbm>> -> memref<10000x64xbf16, #tpu.memory_space<hbm>>
    %dma_start3A_44 = arith.constant 0 : i32
    %dma_start3A_45 = arith.constant 0 : i32
    %dma_start3A_46 = tpu.memref_slice %dma_start3A_43[%dma_start3A_44, %dma_start3A_45] : memref<10000x64xbf16, #tpu.memory_space<hbm>> -> memref<10000x64xbf16, #tpu.memory_space<hbm>>
    tpu.enqueue_indirect_dma source(%dma_start3A_46 : memref<10000x64xbf16, #tpu.memory_space<hbm>>) target(%dma_start3A_36 : memref<128x64xbf16, #tpu.memory_space<vmem>>) offsets(%dma_start3A_39 : memref<128xi32, #tpu.memory_space<vmem>>) semaphore(%arg12 : memref<!tpu.dma_semaphore, #tpu.memory_space<semaphore_mem>>)
    %dma_start3A_47 = arith.constant 3 : i32
    %dma_start3A_48 = arith.constant 3 : i32
    %dma_start3A_49 = arith.constant 0 : i32
    %dma_start3A_50 = arith.constant 0 : i32
    %dma_start3A_51 = tpu.memref_slice %arg9[%dma_start3A_48, %dma_start3A_49, %dma_start3A_50] : memref<5x128x64xbf16, #tpu.memory_space<vmem>> -> memref<1x128x64xbf16, #tpu.memory_space<vmem>>
    %dma_start3A_52 = tpu.memref_squeeze %dma_start3A_51 : memref<1x128x64xbf16, #tpu.memory_space<vmem>> -> memref<128x64xbf16, #tpu.memory_space<vmem>>
    %dma_start3A_53 = arith.constant 0 : i32
    %dma_start3A_54 = tpu.memref_slice %arg7[%dma_start3A_47, %dma_start3A_53] : memref<160x128xi32, #tpu.memory_space<vmem>> -> memref<1x128xi32, #tpu.memory_space<vmem>>
    %dma_start3A_55 = tpu.memref_squeeze %dma_start3A_54 : memref<1x128xi32, #tpu.memory_space<vmem>> -> memref<128xi32, #tpu.memory_space<vmem>>
    %dma_start3A_56 = arith.constant 0 : i32
    %dma_start3A_57 = arith.constant 0 : i32
    %dma_start3A_58 = tpu.memref_slice %arg2[%arg0, %dma_start3A_56, %dma_start3A_57] : memref<2x10000x64xbf16, #tpu.memory_space<hbm>> -> memref<1x10000x64xbf16, #tpu.memory_space<hbm>>
    %dma_start3A_59 = tpu.memref_squeeze %dma_start3A_58 : memref<1x10000x64xbf16, #tpu.memory_space<hbm>> -> memref<10000x64xbf16, #tpu.memory_space<hbm>>
    %dma_start3A_60 = arith.constant 0 : i32
    %dma_start3A_61 = arith.constant 0 : i32
    %dma_start3A_62 = tpu.memref_slice %dma_start3A_59[%dma_start3A_60, %dma_start3A_61] : memref<10000x64xbf16, #tpu.memory_space<hbm>> -> memref<10000x64xbf16, #tpu.memory_space<hbm>>
    tpu.enqueue_indirect_dma source(%dma_start3A_62 : memref<10000x64xbf16, #tpu.memory_space<hbm>>) target(%dma_start3A_52 : memref<128x64xbf16, #tpu.memory_space<vmem>>) offsets(%dma_start3A_55 : memref<128xi32, #tpu.memory_space<vmem>>) semaphore(%arg12 : memref<!tpu.dma_semaphore, #tpu.memory_space<semaphore_mem>>)
    "tpu.region"() ({
      %run_scoped3A_113 = tpu.sem_alloc : memref<!tpu.dma_semaphore, #tpu.memory_space<semaphore_mem>>
      tpu.enqueue_dma source(%arg5 : memref<128x64xbf16, #tpu.memory_space<hbm>>) target(%arg10 : memref<128x64xbf16, #tpu.memory_space<vmem>>) target_semaphore(%run_scoped3A_113 : memref<!tpu.dma_semaphore, #tpu.memory_space<semaphore_mem>>)
      tpu.wait_dma2 semaphore(%run_scoped3A_113 : memref<!tpu.dma_semaphore, #tpu.memory_space<semaphore_mem>>) src(%arg5 : memref<128x64xbf16, #tpu.memory_space<hbm>>) dst(%arg10 : memref<128x64xbf16, #tpu.memory_space<vmem>>)
      tpu.yield
    }) : () -> ()
    %mul3A = arith.constant 640 : i32
    %mul3A_63 = arith.muli %arg1, %mul3A : i32
    %add3A = arith.constant 0 : i32
    %add3A_64 = arith.addi %mul3A_63, %add3A : i32
    %run_scoped3A = arith.constant 0 : i32
    "tpu.region"() ({
      %run_scoped3A_113 = tpu.sem_alloc : memref<!tpu.dma_semaphore, #tpu.memory_space<semaphore_mem>>
      %dma_start3A_114 = arith.constant 0 : i32
      %dma_start3A_115 = tpu.memref_slice %arg11[%run_scoped3A, %add3A_64, %dma_start3A_114] : memref<1x10240x64xbf16, #tpu.memory_space<vmem_shared>> -> memref<1x128x64xbf16, #tpu.memory_space<vmem_shared>>
      %dma_start3A_116 = tpu.memref_squeeze %dma_start3A_115 : memref<1x128x64xbf16, #tpu.memory_space<vmem_shared>> -> memref<128x64xbf16, #tpu.memory_space<vmem_shared>>
      %dma_start3A_117 = arith.constant 0 : i32
      %dma_start3A_118 = tpu.memref_slice %arg11[%run_scoped3A, %add3A_64, %dma_start3A_117] : memref<1x10240x64xbf16, #tpu.memory_space<vmem_shared>> -> memref<1x128x64xbf16, #tpu.memory_space<vmem_shared>>
      %dma_start3A_119 = tpu.memref_squeeze %dma_start3A_118 : memref<1x128x64xbf16, #tpu.memory_space<vmem_shared>> -> memref<128x64xbf16, #tpu.memory_space<vmem_shared>>
      tpu.enqueue_dma source(%arg10 : memref<128x64xbf16, #tpu.memory_space<vmem>>) target(%dma_start3A_119 : memref<128x64xbf16, #tpu.memory_space<vmem_shared>>) target_semaphore(%run_scoped3A_113 : memref<!tpu.dma_semaphore, #tpu.memory_space<semaphore_mem>>)
      %dma_wait3A_120 = arith.constant 0 : i32
      %dma_wait3A_121 = tpu.memref_slice %arg11[%run_scoped3A, %add3A_64, %dma_wait3A_120] : memref<1x10240x64xbf16, #tpu.memory_space<vmem_shared>> -> memref<1x128x64xbf16, #tpu.memory_space<vmem_shared>>
      %dma_wait3A_122 = tpu.memref_squeeze %dma_wait3A_121 : memref<1x128x64xbf16, #tpu.memory_space<vmem_shared>> -> memref<128x64xbf16, #tpu.memory_space<vmem_shared>>
      %dma_wait3A_123 = arith.constant 0 : i32
      %dma_wait3A_124 = tpu.memref_slice %arg11[%run_scoped3A, %add3A_64, %dma_wait3A_123] : memref<1x10240x64xbf16, #tpu.memory_space<vmem_shared>> -> memref<1x128x64xbf16, #tpu.memory_space<vmem_shared>>
      %dma_wait3A_125 = tpu.memref_squeeze %dma_wait3A_124 : memref<1x128x64xbf16, #tpu.memory_space<vmem_shared>> -> memref<128x64xbf16, #tpu.memory_space<vmem_shared>>
      tpu.wait_dma2 semaphore(%run_scoped3A_113 : memref<!tpu.dma_semaphore, #tpu.memory_space<semaphore_mem>>) src(%arg10 : memref<128x64xbf16, #tpu.memory_space<vmem>>) dst(%dma_wait3A_125 : memref<128x64xbf16, #tpu.memory_space<vmem_shared>>)
      tpu.yield
    }) : () -> ()
    %mul3A_65 = arith.constant 640 : i32
    %mul3A_66 = arith.muli %arg1, %mul3A_65 : i32
    %add3A_67 = arith.constant 128 : i32
    %add3A_68 = arith.addi %mul3A_66, %add3A_67 : i32
    %run_scoped3A_69 = arith.constant 0 : i32
    "tpu.region"() ({
      %run_scoped3A_113 = tpu.sem_alloc : memref<!tpu.dma_semaphore, #tpu.memory_space<semaphore_mem>>
      %dma_start3A_114 = arith.constant 0 : i32
      %dma_start3A_115 = tpu.memref_slice %arg11[%run_scoped3A_69, %add3A_68, %dma_start3A_114] : memref<1x10240x64xbf16, #tpu.memory_space<vmem_shared>> -> memref<1x128x64xbf16, #tpu.memory_space<vmem_shared>>
      %dma_start3A_116 = tpu.memref_squeeze %dma_start3A_115 : memref<1x128x64xbf16, #tpu.memory_space<vmem_shared>> -> memref<128x64xbf16, #tpu.memory_space<vmem_shared>>
      %dma_start3A_117 = arith.constant 0 : i32
      %dma_start3A_118 = tpu.memref_slice %arg11[%run_scoped3A_69, %add3A_68, %dma_start3A_117] : memref<1x10240x64xbf16, #tpu.memory_space<vmem_shared>> -> memref<1x128x64xbf16, #tpu.memory_space<vmem_shared>>
      %dma_start3A_119 = tpu.memref_squeeze %dma_start3A_118 : memref<1x128x64xbf16, #tpu.memory_space<vmem_shared>> -> memref<128x64xbf16, #tpu.memory_space<vmem_shared>>
      tpu.enqueue_dma source(%arg10 : memref<128x64xbf16, #tpu.memory_space<vmem>>) target(%dma_start3A_119 : memref<128x64xbf16, #tpu.memory_space<vmem_shared>>) target_semaphore(%run_scoped3A_113 : memref<!tpu.dma_semaphore, #tpu.memory_space<semaphore_mem>>)
      %dma_wait3A_120 = arith.constant 0 : i32
      %dma_wait3A_121 = tpu.memref_slice %arg11[%run_scoped3A_69, %add3A_68, %dma_wait3A_120] : memref<1x10240x64xbf16, #tpu.memory_space<vmem_shared>> -> memref<1x128x64xbf16, #tpu.memory_space<vmem_shared>>
      %dma_wait3A_122 = tpu.memref_squeeze %dma_wait3A_121 : memref<1x128x64xbf16, #tpu.memory_space<vmem_shared>> -> memref<128x64xbf16, #tpu.memory_space<vmem_shared>>
      %dma_wait3A_123 = arith.constant 0 : i32
      %dma_wait3A_124 = tpu.memref_slice %arg11[%run_scoped3A_69, %add3A_68, %dma_wait3A_123] : memref<1x10240x64xbf16, #tpu.memory_space<vmem_shared>> -> memref<1x128x64xbf16, #tpu.memory_space<vmem_shared>>
      %dma_wait3A_125 = tpu.memref_squeeze %dma_wait3A_124 : memref<1x128x64xbf16, #tpu.memory_space<vmem_shared>> -> memref<128x64xbf16, #tpu.memory_space<vmem_shared>>
      tpu.wait_dma2 semaphore(%run_scoped3A_113 : memref<!tpu.dma_semaphore, #tpu.memory_space<semaphore_mem>>) src(%arg10 : memref<128x64xbf16, #tpu.memory_space<vmem>>) dst(%dma_wait3A_125 : memref<128x64xbf16, #tpu.memory_space<vmem_shared>>)
      tpu.yield
    }) : () -> ()
    %mul3A_70 = arith.constant 640 : i32
    %mul3A_71 = arith.muli %arg1, %mul3A_70 : i32
    %add3A_72 = arith.constant 256 : i32
    %add3A_73 = arith.addi %mul3A_71, %add3A_72 : i32
    %run_scoped3A_74 = arith.constant 0 : i32
    "tpu.region"() ({
      %run_scoped3A_113 = tpu.sem_alloc : memref<!tpu.dma_semaphore, #tpu.memory_space<semaphore_mem>>
      %dma_start3A_114 = arith.constant 0 : i32
      %dma_start3A_115 = tpu.memref_slice %arg11[%run_scoped3A_74, %add3A_73, %dma_start3A_114] : memref<1x10240x64xbf16, #tpu.memory_space<vmem_shared>> -> memref<1x128x64xbf16, #tpu.memory_space<vmem_shared>>
      %dma_start3A_116 = tpu.memref_squeeze %dma_start3A_115 : memref<1x128x64xbf16, #tpu.memory_space<vmem_shared>> -> memref<128x64xbf16, #tpu.memory_space<vmem_shared>>
      %dma_start3A_117 = arith.constant 0 : i32
      %dma_start3A_118 = tpu.memref_slice %arg11[%run_scoped3A_74, %add3A_73, %dma_start3A_117] : memref<1x10240x64xbf16, #tpu.memory_space<vmem_shared>> -> memref<1x128x64xbf16, #tpu.memory_space<vmem_shared>>
      %dma_start3A_119 = tpu.memref_squeeze %dma_start3A_118 : memref<1x128x64xbf16, #tpu.memory_space<vmem_shared>> -> memref<128x64xbf16, #tpu.memory_space<vmem_shared>>
      tpu.enqueue_dma source(%arg10 : memref<128x64xbf16, #tpu.memory_space<vmem>>) target(%dma_start3A_119 : memref<128x64xbf16, #tpu.memory_space<vmem_shared>>) target_semaphore(%run_scoped3A_113 : memref<!tpu.dma_semaphore, #tpu.memory_space<semaphore_mem>>)
      %dma_wait3A_120 = arith.constant 0 : i32
      %dma_wait3A_121 = tpu.memref_slice %arg11[%run_scoped3A_74, %add3A_73, %dma_wait3A_120] : memref<1x10240x64xbf16, #tpu.memory_space<vmem_shared>> -> memref<1x128x64xbf16, #tpu.memory_space<vmem_shared>>
      %dma_wait3A_122 = tpu.memref_squeeze %dma_wait3A_121 : memref<1x128x64xbf16, #tpu.memory_space<vmem_shared>> -> memref<128x64xbf16, #tpu.memory_space<vmem_shared>>
      %dma_wait3A_123 = arith.constant 0 : i32
      %dma_wait3A_124 = tpu.memref_slice %arg11[%run_scoped3A_74, %add3A_73, %dma_wait3A_123] : memref<1x10240x64xbf16, #tpu.memory_space<vmem_shared>> -> memref<1x128x64xbf16, #tpu.memory_space<vmem_shared>>
      %dma_wait3A_125 = tpu.memref_squeeze %dma_wait3A_124 : memref<1x128x64xbf16, #tpu.memory_space<vmem_shared>> -> memref<128x64xbf16, #tpu.memory_space<vmem_shared>>
      tpu.wait_dma2 semaphore(%run_scoped3A_113 : memref<!tpu.dma_semaphore, #tpu.memory_space<semaphore_mem>>) src(%arg10 : memref<128x64xbf16, #tpu.memory_space<vmem>>) dst(%dma_wait3A_125 : memref<128x64xbf16, #tpu.memory_space<vmem_shared>>)
      tpu.yield
    }) : () -> ()
    %mul3A_75 = arith.constant 640 : i32
    %mul3A_76 = arith.muli %arg1, %mul3A_75 : i32
    %add3A_77 = arith.constant 384 : i32
    %add3A_78 = arith.addi %mul3A_76, %add3A_77 : i32
    %run_scoped3A_79 = arith.constant 0 : i32
    "tpu.region"() ({
      %run_scoped3A_113 = tpu.sem_alloc : memref<!tpu.dma_semaphore, #tpu.memory_space<semaphore_mem>>
      %dma_start3A_114 = arith.constant 0 : i32
      %dma_start3A_115 = tpu.memref_slice %arg11[%run_scoped3A_79, %add3A_78, %dma_start3A_114] : memref<1x10240x64xbf16, #tpu.memory_space<vmem_shared>> -> memref<1x128x64xbf16, #tpu.memory_space<vmem_shared>>
      %dma_start3A_116 = tpu.memref_squeeze %dma_start3A_115 : memref<1x128x64xbf16, #tpu.memory_space<vmem_shared>> -> memref<128x64xbf16, #tpu.memory_space<vmem_shared>>
      %dma_start3A_117 = arith.constant 0 : i32
      %dma_start3A_118 = tpu.memref_slice %arg11[%run_scoped3A_79, %add3A_78, %dma_start3A_117] : memref<1x10240x64xbf16, #tpu.memory_space<vmem_shared>> -> memref<1x128x64xbf16, #tpu.memory_space<vmem_shared>>
      %dma_start3A_119 = tpu.memref_squeeze %dma_start3A_118 : memref<1x128x64xbf16, #tpu.memory_space<vmem_shared>> -> memref<128x64xbf16, #tpu.memory_space<vmem_shared>>
      tpu.enqueue_dma source(%arg10 : memref<128x64xbf16, #tpu.memory_space<vmem>>) target(%dma_start3A_119 : memref<128x64xbf16, #tpu.memory_space<vmem_shared>>) target_semaphore(%run_scoped3A_113 : memref<!tpu.dma_semaphore, #tpu.memory_space<semaphore_mem>>)
      %dma_wait3A_120 = arith.constant 0 : i32
      %dma_wait3A_121 = tpu.memref_slice %arg11[%run_scoped3A_79, %add3A_78, %dma_wait3A_120] : memref<1x10240x64xbf16, #tpu.memory_space<vmem_shared>> -> memref<1x128x64xbf16, #tpu.memory_space<vmem_shared>>
      %dma_wait3A_122 = tpu.memref_squeeze %dma_wait3A_121 : memref<1x128x64xbf16, #tpu.memory_space<vmem_shared>> -> memref<128x64xbf16, #tpu.memory_space<vmem_shared>>
      %dma_wait3A_123 = arith.constant 0 : i32
      %dma_wait3A_124 = tpu.memref_slice %arg11[%run_scoped3A_79, %add3A_78, %dma_wait3A_123] : memref<1x10240x64xbf16, #tpu.memory_space<vmem_shared>> -> memref<1x128x64xbf16, #tpu.memory_space<vmem_shared>>
      %dma_wait3A_125 = tpu.memref_squeeze %dma_wait3A_124 : memref<1x128x64xbf16, #tpu.memory_space<vmem_shared>> -> memref<128x64xbf16, #tpu.memory_space<vmem_shared>>
      tpu.wait_dma2 semaphore(%run_scoped3A_113 : memref<!tpu.dma_semaphore, #tpu.memory_space<semaphore_mem>>) src(%arg10 : memref<128x64xbf16, #tpu.memory_space<vmem>>) dst(%dma_wait3A_125 : memref<128x64xbf16, #tpu.memory_space<vmem_shared>>)
      tpu.yield
    }) : () -> ()
    %mul3A_80 = arith.constant 640 : i32
    %mul3A_81 = arith.muli %arg1, %mul3A_80 : i32
    %add3A_82 = arith.constant 512 : i32
    %add3A_83 = arith.addi %mul3A_81, %add3A_82 : i32
    %run_scoped3A_84 = arith.constant 0 : i32
    "tpu.region"() ({
      %run_scoped3A_113 = tpu.sem_alloc : memref<!tpu.dma_semaphore, #tpu.memory_space<semaphore_mem>>
      %dma_start3A_114 = arith.constant 0 : i32
      %dma_start3A_115 = tpu.memref_slice %arg11[%run_scoped3A_84, %add3A_83, %dma_start3A_114] : memref<1x10240x64xbf16, #tpu.memory_space<vmem_shared>> -> memref<1x128x64xbf16, #tpu.memory_space<vmem_shared>>
      %dma_start3A_116 = tpu.memref_squeeze %dma_start3A_115 : memref<1x128x64xbf16, #tpu.memory_space<vmem_shared>> -> memref<128x64xbf16, #tpu.memory_space<vmem_shared>>
      %dma_start3A_117 = arith.constant 0 : i32
      %dma_start3A_118 = tpu.memref_slice %arg11[%run_scoped3A_84, %add3A_83, %dma_start3A_117] : memref<1x10240x64xbf16, #tpu.memory_space<vmem_shared>> -> memref<1x128x64xbf16, #tpu.memory_space<vmem_shared>>
      %dma_start3A_119 = tpu.memref_squeeze %dma_start3A_118 : memref<1x128x64xbf16, #tpu.memory_space<vmem_shared>> -> memref<128x64xbf16, #tpu.memory_space<vmem_shared>>
      tpu.enqueue_dma source(%arg10 : memref<128x64xbf16, #tpu.memory_space<vmem>>) target(%dma_start3A_119 : memref<128x64xbf16, #tpu.memory_space<vmem_shared>>) target_semaphore(%run_scoped3A_113 : memref<!tpu.dma_semaphore, #tpu.memory_space<semaphore_mem>>)
      %dma_wait3A_120 = arith.constant 0 : i32
      %dma_wait3A_121 = tpu.memref_slice %arg11[%run_scoped3A_84, %add3A_83, %dma_wait3A_120] : memref<1x10240x64xbf16, #tpu.memory_space<vmem_shared>> -> memref<1x128x64xbf16, #tpu.memory_space<vmem_shared>>
      %dma_wait3A_122 = tpu.memref_squeeze %dma_wait3A_121 : memref<1x128x64xbf16, #tpu.memory_space<vmem_shared>> -> memref<128x64xbf16, #tpu.memory_space<vmem_shared>>
      %dma_wait3A_123 = arith.constant 0 : i32
      %dma_wait3A_124 = tpu.memref_slice %arg11[%run_scoped3A_84, %add3A_83, %dma_wait3A_123] : memref<1x10240x64xbf16, #tpu.memory_space<vmem_shared>> -> memref<1x128x64xbf16, #tpu.memory_space<vmem_shared>>
      %dma_wait3A_125 = tpu.memref_squeeze %dma_wait3A_124 : memref<1x128x64xbf16, #tpu.memory_space<vmem_shared>> -> memref<128x64xbf16, #tpu.memory_space<vmem_shared>>
      tpu.wait_dma2 semaphore(%run_scoped3A_113 : memref<!tpu.dma_semaphore, #tpu.memory_space<semaphore_mem>>) src(%arg10 : memref<128x64xbf16, #tpu.memory_space<vmem>>) dst(%dma_wait3A_125 : memref<128x64xbf16, #tpu.memory_space<vmem_shared>>)
      tpu.yield
    }) : () -> ()
    %barrier3A = arith.constant 0 : index
    tpu.barrier barrier_id(%barrier3A)
    %scan3A = arith.constant 0 : i32
    %scan3A_85 = arith.constant 0 : i32
    %scan3A_86 = arith.constant 32 : i32
    %scan3A_87 = arith.addi %scan3A_85, %scan3A_86 : i32
    %scan3A_88 = arith.constant 1 : i32
    scf.for %scan3A_113 = %scan3A_85 to %scan3A_87 step %scan3A_88  : i32 {
      %mul3A_114 = arith.constant 5 : i32
      %mul3A_115 = arith.muli %scan3A_113, %mul3A_114 : i32
      %add3A_116 = arith.constant 0 : i32
      %add3A_117 = arith.addi %mul3A_115, %add3A_116 : i32
      %add3A_118 = arith.constant 5 : i32
      %add3A_119 = arith.addi %add3A_117, %add3A_118 : i32
      %sub3A = arith.constant 1 : i32
      %sub3A_120 = arith.subi %add3A_119, %sub3A : i32
      %dma_wait3A_121 = arith.constant 0 : i32
      %dma_wait3A_122 = arith.constant 0 : i32
      %dma_wait3A_123 = arith.constant 0 : i32
      %dma_wait3A_124 = tpu.memref_slice %arg9[%dma_wait3A_121, %dma_wait3A_122, %dma_wait3A_123] : memref<5x128x64xbf16, #tpu.memory_space<vmem>> -> memref<1x128x64xbf16, #tpu.memory_space<vmem>>
      %dma_wait3A_125 = tpu.memref_squeeze %dma_wait3A_124 : memref<1x128x64xbf16, #tpu.memory_space<vmem>> -> memref<128x64xbf16, #tpu.memory_space<vmem>>
      %dma_wait3A_126 = arith.constant 0 : i32
      %dma_wait3A_127 = tpu.memref_slice %arg7[%add3A_117, %dma_wait3A_126] : memref<160x128xi32, #tpu.memory_space<vmem>> -> memref<1x128xi32, #tpu.memory_space<vmem>>
      %dma_wait3A_128 = tpu.memref_squeeze %dma_wait3A_127 : memref<1x128xi32, #tpu.memory_space<vmem>> -> memref<128xi32, #tpu.memory_space<vmem>>
      %dma_wait3A_129 = arith.constant 0 : i32
      %dma_wait3A_130 = arith.constant 0 : i32
      %dma_wait3A_131 = tpu.memref_slice %arg2[%arg0, %dma_wait3A_129, %dma_wait3A_130] : memref<2x10000x64xbf16, #tpu.memory_space<hbm>> -> memref<1x10000x64xbf16, #tpu.memory_space<hbm>>
      %dma_wait3A_132 = tpu.memref_squeeze %dma_wait3A_131 : memref<1x10000x64xbf16, #tpu.memory_space<hbm>> -> memref<10000x64xbf16, #tpu.memory_space<hbm>>
      %dma_wait3A_133 = arith.constant 0 : i32
      %dma_wait3A_134 = arith.constant 0 : i32
      %dma_wait3A_135 = tpu.memref_slice %dma_wait3A_132[%dma_wait3A_133, %dma_wait3A_134] : memref<10000x64xbf16, #tpu.memory_space<hbm>> -> memref<10000x64xbf16, #tpu.memory_space<hbm>>
      tpu.wait_indirect_dma semaphore(%arg12 : memref<!tpu.dma_semaphore, #tpu.memory_space<semaphore_mem>>) src(%dma_wait3A_135 : memref<10000x64xbf16, #tpu.memory_space<hbm>>) dst(%dma_wait3A_125 : memref<128x64xbf16, #tpu.memory_space<vmem>>)
      %jit3A = arith.constant 1 : i32
      %eq3A = arith.constant 0 : i32
      %eq3A_136 = arith.cmpi eq, %jit3A, %eq3A : i32
      %jit3A_137 = arith.constant 1 : i32
      %select_n3A = arith.select %eq3A_136, %jit3A_137, %jit3A : i32
      %rem3A = arith.remsi %add3A_117, %select_n3A : i32
      %ne3A = arith.constant 0 : i32
      %ne3A_138 = arith.cmpi ne, %rem3A, %ne3A : i32
      %lt3A = arith.constant 0 : i32
      %lt3A_139 = arith.cmpi slt, %rem3A, %lt3A : i32
      %lt3A_140 = arith.constant 0 : i32
      %lt3A_141 = arith.cmpi slt, %select_n3A, %lt3A_140 : i32
      %ne3A_142 = arith.xori %lt3A_139, %lt3A_141 : i1
      %and3A = arith.andi %ne3A_142, %ne3A_138 : i1
      %add3A_143 = arith.addi %rem3A, %select_n3A : i32
      %select_n3A_144 = arith.select %and3A, %add3A_143, %rem3A : i32
      %dma_start3A_145 = arith.constant 0 : i32
      %dma_start3A_146 = arith.constant 0 : i32
      %dma_start3A_147 = arith.constant 0 : i32
      %dma_start3A_148 = tpu.memref_slice %arg9[%dma_start3A_145, %dma_start3A_146, %dma_start3A_147] : memref<5x128x64xbf16, #tpu.memory_space<vmem>> -> memref<1x128x64xbf16, #tpu.memory_space<vmem>>
      %dma_start3A_149 = tpu.memref_squeeze %dma_start3A_148 : memref<1x128x64xbf16, #tpu.memory_space<vmem>> -> memref<128x64xbf16, #tpu.memory_space<vmem>>
      %dma_start3A_150 = arith.constant 0 : i32
      %dma_start3A_151 = tpu.memref_slice %arg8[%add3A_117, %dma_start3A_150] : memref<160x128xi32, #tpu.memory_space<vmem>> -> memref<1x128xi32, #tpu.memory_space<vmem>>
      %dma_start3A_152 = tpu.memref_squeeze %dma_start3A_151 : memref<1x128xi32, #tpu.memory_space<vmem>> -> memref<128xi32, #tpu.memory_space<vmem>>
      %dma_start3A_153 = arith.constant 0 : i32
      %dma_start3A_154 = arith.constant 0 : i32
      %dma_start3A_155 = tpu.memref_slice %arg11[%select_n3A_144, %dma_start3A_153, %dma_start3A_154] : memref<1x10240x64xbf16, #tpu.memory_space<vmem_shared>> -> memref<1x10240x64xbf16, #tpu.memory_space<vmem_shared>>
      %dma_start3A_156 = tpu.memref_squeeze %dma_start3A_155 : memref<1x10240x64xbf16, #tpu.memory_space<vmem_shared>> -> memref<10240x64xbf16, #tpu.memory_space<vmem_shared>>
      %dma_start3A_157 = arith.constant 0 : i32
      %dma_start3A_158 = arith.constant 0 : i32
      %dma_start3A_159 = tpu.memref_slice %dma_start3A_156[%dma_start3A_157, %dma_start3A_158] : memref<10240x64xbf16, #tpu.memory_space<vmem_shared>> -> memref<10240x64xbf16, #tpu.memory_space<vmem_shared>>
      tpu.enqueue_indirect_dma source(%dma_start3A_149 : memref<128x64xbf16, #tpu.memory_space<vmem>>) target(%dma_start3A_159 : memref<10240x64xbf16, #tpu.memory_space<vmem_shared>>) offsets(%dma_start3A_152 : memref<128xi32, #tpu.memory_space<vmem>>) semaphore(%arg13 : memref<!tpu.dma_semaphore, #tpu.memory_space<semaphore_mem>>) {add = true}
      %gt3A = arith.constant 0 : i32
      %gt3A_160 = arith.cmpi sgt, %add3A_117, %gt3A : i32
      %convert_element_type3A = arith.extui %gt3A_160 : i1 to i32
      %cond3A = arith.constant 0 : i32
      %cond3A_161 = arith.cmpi ne, %convert_element_type3A, %cond3A : i32
      scf.if %cond3A_161 {
        %sub3A_423 = arith.constant 1 : i32
        %sub3A_424 = arith.subi %add3A_117, %sub3A_423 : i32
        %jit3A_425 = arith.constant 1 : i32
        %eq3A_426 = arith.constant 0 : i32
        %eq3A_427 = arith.cmpi eq, %jit3A_425, %eq3A_426 : i32
        %jit3A_428 = arith.constant 1 : i32
        %select_n3A_429 = arith.select %eq3A_427, %jit3A_428, %jit3A_425 : i32
        %rem3A_430 = arith.remsi %sub3A_424, %select_n3A_429 : i32
        %ne3A_431 = arith.constant 0 : i32
        %ne3A_432 = arith.cmpi ne, %rem3A_430, %ne3A_431 : i32
        %lt3A_433 = arith.constant 0 : i32
        %lt3A_434 = arith.cmpi slt, %rem3A_430, %lt3A_433 : i32
        %lt3A_435 = arith.constant 0 : i32
        %lt3A_436 = arith.cmpi slt, %select_n3A_429, %lt3A_435 : i32
        %ne3A_437 = arith.xori %lt3A_434, %lt3A_436 : i1
        %and3A_438 = arith.andi %ne3A_437, %ne3A_432 : i1
        %add3A_439 = arith.addi %rem3A_430, %select_n3A_429 : i32
        %select_n3A_440 = arith.select %and3A_438, %add3A_439, %rem3A_430 : i32
        %sub3A_441 = arith.constant 1 : i32
        %sub3A_442 = arith.subi %add3A_117, %sub3A_441 : i32
        %dma_wait3A_443 = arith.constant 4 : i32
        %dma_wait3A_444 = arith.constant 0 : i32
        %dma_wait3A_445 = arith.constant 0 : i32
        %dma_wait3A_446 = tpu.memref_slice %arg9[%dma_wait3A_443, %dma_wait3A_444, %dma_wait3A_445] : memref<5x128x64xbf16, #tpu.memory_space<vmem>> -> memref<1x128x64xbf16, #tpu.memory_space<vmem>>
        %dma_wait3A_447 = tpu.memref_squeeze %dma_wait3A_446 : memref<1x128x64xbf16, #tpu.memory_space<vmem>> -> memref<128x64xbf16, #tpu.memory_space<vmem>>
        %dma_wait3A_448 = arith.constant 0 : i32
        %dma_wait3A_449 = tpu.memref_slice %arg8[%sub3A_442, %dma_wait3A_448] : memref<160x128xi32, #tpu.memory_space<vmem>> -> memref<1x128xi32, #tpu.memory_space<vmem>>
        %dma_wait3A_450 = tpu.memref_squeeze %dma_wait3A_449 : memref<1x128xi32, #tpu.memory_space<vmem>> -> memref<128xi32, #tpu.memory_space<vmem>>
        %dma_wait3A_451 = arith.constant 0 : i32
        %dma_wait3A_452 = arith.constant 0 : i32
        %dma_wait3A_453 = tpu.memref_slice %arg11[%select_n3A_440, %dma_wait3A_451, %dma_wait3A_452] : memref<1x10240x64xbf16, #tpu.memory_space<vmem_shared>> -> memref<1x10240x64xbf16, #tpu.memory_space<vmem_shared>>
        %dma_wait3A_454 = tpu.memref_squeeze %dma_wait3A_453 : memref<1x10240x64xbf16, #tpu.memory_space<vmem_shared>> -> memref<10240x64xbf16, #tpu.memory_space<vmem_shared>>
        %dma_wait3A_455 = arith.constant 0 : i32
        %dma_wait3A_456 = arith.constant 0 : i32
        %dma_wait3A_457 = tpu.memref_slice %dma_wait3A_454[%dma_wait3A_455, %dma_wait3A_456] : memref<10240x64xbf16, #tpu.memory_space<vmem_shared>> -> memref<10240x64xbf16, #tpu.memory_space<vmem_shared>>
        tpu.wait_indirect_dma semaphore(%arg13 : memref<!tpu.dma_semaphore, #tpu.memory_space<semaphore_mem>>) src(%dma_wait3A_447 : memref<128x64xbf16, #tpu.memory_space<vmem>>) dst(%dma_wait3A_457 : memref<10240x64xbf16, #tpu.memory_space<vmem_shared>>)
      } else {
      }
      %lt3A_162 = arith.constant 160 : i32
      %lt3A_163 = arith.cmpi slt, %sub3A_120, %lt3A_162 : i32
      %convert_element_type3A_164 = arith.extui %lt3A_163 : i1 to i32
      %cond3A_165 = arith.constant 0 : i32
      %cond3A_166 = arith.cmpi ne, %convert_element_type3A_164, %cond3A_165 : i32
      scf.if %cond3A_166 {
        %dma_start3A_423 = arith.constant 4 : i32
        %dma_start3A_424 = arith.constant 0 : i32
        %dma_start3A_425 = arith.constant 0 : i32
        %dma_start3A_426 = tpu.memref_slice %arg9[%dma_start3A_423, %dma_start3A_424, %dma_start3A_425] : memref<5x128x64xbf16, #tpu.memory_space<vmem>> -> memref<1x128x64xbf16, #tpu.memory_space<vmem>>
        %dma_start3A_427 = tpu.memref_squeeze %dma_start3A_426 : memref<1x128x64xbf16, #tpu.memory_space<vmem>> -> memref<128x64xbf16, #tpu.memory_space<vmem>>
        %dma_start3A_428 = arith.constant 0 : i32
        %dma_start3A_429 = tpu.memref_slice %arg7[%sub3A_120, %dma_start3A_428] : memref<160x128xi32, #tpu.memory_space<vmem>> -> memref<1x128xi32, #tpu.memory_space<vmem>>
        %dma_start3A_430 = tpu.memref_squeeze %dma_start3A_429 : memref<1x128xi32, #tpu.memory_space<vmem>> -> memref<128xi32, #tpu.memory_space<vmem>>
        %dma_start3A_431 = arith.constant 0 : i32
        %dma_start3A_432 = arith.constant 0 : i32
        %dma_start3A_433 = tpu.memref_slice %arg2[%arg0, %dma_start3A_431, %dma_start3A_432] : memref<2x10000x64xbf16, #tpu.memory_space<hbm>> -> memref<1x10000x64xbf16, #tpu.memory_space<hbm>>
        %dma_start3A_434 = tpu.memref_squeeze %dma_start3A_433 : memref<1x10000x64xbf16, #tpu.memory_space<hbm>> -> memref<10000x64xbf16, #tpu.memory_space<hbm>>
        %dma_start3A_435 = arith.constant 0 : i32
        %dma_start3A_436 = arith.constant 0 : i32
        %dma_start3A_437 = tpu.memref_slice %dma_start3A_434[%dma_start3A_435, %dma_start3A_436] : memref<10000x64xbf16, #tpu.memory_space<hbm>> -> memref<10000x64xbf16, #tpu.memory_space<hbm>>
        tpu.enqueue_indirect_dma source(%dma_start3A_437 : memref<10000x64xbf16, #tpu.memory_space<hbm>>) target(%dma_start3A_427 : memref<128x64xbf16, #tpu.memory_space<vmem>>) offsets(%dma_start3A_430 : memref<128xi32, #tpu.memory_space<vmem>>) semaphore(%arg12 : memref<!tpu.dma_semaphore, #tpu.memory_space<semaphore_mem>>)
      } else {
      }
      %mul3A_167 = arith.constant 5 : i32
      %mul3A_168 = arith.muli %scan3A_113, %mul3A_167 : i32
      %add3A_169 = arith.constant 1 : i32
      %add3A_170 = arith.addi %mul3A_168, %add3A_169 : i32
      %add3A_171 = arith.constant 5 : i32
      %add3A_172 = arith.addi %add3A_170, %add3A_171 : i32
      %sub3A_173 = arith.constant 1 : i32
      %sub3A_174 = arith.subi %add3A_172, %sub3A_173 : i32
      %dma_wait3A_175 = arith.constant 1 : i32
      %dma_wait3A_176 = arith.constant 0 : i32
      %dma_wait3A_177 = arith.constant 0 : i32
      %dma_wait3A_178 = tpu.memref_slice %arg9[%dma_wait3A_175, %dma_wait3A_176, %dma_wait3A_177] : memref<5x128x64xbf16, #tpu.memory_space<vmem>> -> memref<1x128x64xbf16, #tpu.memory_space<vmem>>
      %dma_wait3A_179 = tpu.memref_squeeze %dma_wait3A_178 : memref<1x128x64xbf16, #tpu.memory_space<vmem>> -> memref<128x64xbf16, #tpu.memory_space<vmem>>
      %dma_wait3A_180 = arith.constant 0 : i32
      %dma_wait3A_181 = tpu.memref_slice %arg7[%add3A_170, %dma_wait3A_180] : memref<160x128xi32, #tpu.memory_space<vmem>> -> memref<1x128xi32, #tpu.memory_space<vmem>>
      %dma_wait3A_182 = tpu.memref_squeeze %dma_wait3A_181 : memref<1x128xi32, #tpu.memory_space<vmem>> -> memref<128xi32, #tpu.memory_space<vmem>>
      %dma_wait3A_183 = arith.constant 0 : i32
      %dma_wait3A_184 = arith.constant 0 : i32
      %dma_wait3A_185 = tpu.memref_slice %arg2[%arg0, %dma_wait3A_183, %dma_wait3A_184] : memref<2x10000x64xbf16, #tpu.memory_space<hbm>> -> memref<1x10000x64xbf16, #tpu.memory_space<hbm>>
      %dma_wait3A_186 = tpu.memref_squeeze %dma_wait3A_185 : memref<1x10000x64xbf16, #tpu.memory_space<hbm>> -> memref<10000x64xbf16, #tpu.memory_space<hbm>>
      %dma_wait3A_187 = arith.constant 0 : i32
      %dma_wait3A_188 = arith.constant 0 : i32
      %dma_wait3A_189 = tpu.memref_slice %dma_wait3A_186[%dma_wait3A_187, %dma_wait3A_188] : memref<10000x64xbf16, #tpu.memory_space<hbm>> -> memref<10000x64xbf16, #tpu.memory_space<hbm>>
      tpu.wait_indirect_dma semaphore(%arg12 : memref<!tpu.dma_semaphore, #tpu.memory_space<semaphore_mem>>) src(%dma_wait3A_189 : memref<10000x64xbf16, #tpu.memory_space<hbm>>) dst(%dma_wait3A_179 : memref<128x64xbf16, #tpu.memory_space<vmem>>)
      %jit3A_190 = arith.constant 1 : i32
      %eq3A_191 = arith.constant 0 : i32
      %eq3A_192 = arith.cmpi eq, %jit3A_190, %eq3A_191 : i32
      %jit3A_193 = arith.constant 1 : i32
      %select_n3A_194 = arith.select %eq3A_192, %jit3A_193, %jit3A_190 : i32
      %rem3A_195 = arith.remsi %add3A_170, %select_n3A_194 : i32
      %ne3A_196 = arith.constant 0 : i32
      %ne3A_197 = arith.cmpi ne, %rem3A_195, %ne3A_196 : i32
      %lt3A_198 = arith.constant 0 : i32
      %lt3A_199 = arith.cmpi slt, %rem3A_195, %lt3A_198 : i32
      %lt3A_200 = arith.constant 0 : i32
      %lt3A_201 = arith.cmpi slt, %select_n3A_194, %lt3A_200 : i32
      %ne3A_202 = arith.xori %lt3A_199, %lt3A_201 : i1
      %and3A_203 = arith.andi %ne3A_202, %ne3A_197 : i1
      %add3A_204 = arith.addi %rem3A_195, %select_n3A_194 : i32
      %select_n3A_205 = arith.select %and3A_203, %add3A_204, %rem3A_195 : i32
      %dma_start3A_206 = arith.constant 1 : i32
      %dma_start3A_207 = arith.constant 0 : i32
      %dma_start3A_208 = arith.constant 0 : i32
      %dma_start3A_209 = tpu.memref_slice %arg9[%dma_start3A_206, %dma_start3A_207, %dma_start3A_208] : memref<5x128x64xbf16, #tpu.memory_space<vmem>> -> memref<1x128x64xbf16, #tpu.memory_space<vmem>>
      %dma_start3A_210 = tpu.memref_squeeze %dma_start3A_209 : memref<1x128x64xbf16, #tpu.memory_space<vmem>> -> memref<128x64xbf16, #tpu.memory_space<vmem>>
      %dma_start3A_211 = arith.constant 0 : i32
      %dma_start3A_212 = tpu.memref_slice %arg8[%add3A_170, %dma_start3A_211] : memref<160x128xi32, #tpu.memory_space<vmem>> -> memref<1x128xi32, #tpu.memory_space<vmem>>
      %dma_start3A_213 = tpu.memref_squeeze %dma_start3A_212 : memref<1x128xi32, #tpu.memory_space<vmem>> -> memref<128xi32, #tpu.memory_space<vmem>>
      %dma_start3A_214 = arith.constant 0 : i32
      %dma_start3A_215 = arith.constant 0 : i32
      %dma_start3A_216 = tpu.memref_slice %arg11[%select_n3A_205, %dma_start3A_214, %dma_start3A_215] : memref<1x10240x64xbf16, #tpu.memory_space<vmem_shared>> -> memref<1x10240x64xbf16, #tpu.memory_space<vmem_shared>>
      %dma_start3A_217 = tpu.memref_squeeze %dma_start3A_216 : memref<1x10240x64xbf16, #tpu.memory_space<vmem_shared>> -> memref<10240x64xbf16, #tpu.memory_space<vmem_shared>>
      %dma_start3A_218 = arith.constant 0 : i32
      %dma_start3A_219 = arith.constant 0 : i32
      %dma_start3A_220 = tpu.memref_slice %dma_start3A_217[%dma_start3A_218, %dma_start3A_219] : memref<10240x64xbf16, #tpu.memory_space<vmem_shared>> -> memref<10240x64xbf16, #tpu.memory_space<vmem_shared>>
      tpu.enqueue_indirect_dma source(%dma_start3A_210 : memref<128x64xbf16, #tpu.memory_space<vmem>>) target(%dma_start3A_220 : memref<10240x64xbf16, #tpu.memory_space<vmem_shared>>) offsets(%dma_start3A_213 : memref<128xi32, #tpu.memory_space<vmem>>) semaphore(%arg13 : memref<!tpu.dma_semaphore, #tpu.memory_space<semaphore_mem>>) {add = true}
      %gt3A_221 = arith.constant 0 : i32
      %gt3A_222 = arith.cmpi sgt, %add3A_170, %gt3A_221 : i32
      %convert_element_type3A_223 = arith.extui %gt3A_222 : i1 to i32
      %cond3A_224 = arith.constant 0 : i32
      %cond3A_225 = arith.cmpi ne, %convert_element_type3A_223, %cond3A_224 : i32
      scf.if %cond3A_225 {
        %sub3A_423 = arith.constant 1 : i32
        %sub3A_424 = arith.subi %add3A_170, %sub3A_423 : i32
        %jit3A_425 = arith.constant 1 : i32
        %eq3A_426 = arith.constant 0 : i32
        %eq3A_427 = arith.cmpi eq, %jit3A_425, %eq3A_426 : i32
        %jit3A_428 = arith.constant 1 : i32
        %select_n3A_429 = arith.select %eq3A_427, %jit3A_428, %jit3A_425 : i32
        %rem3A_430 = arith.remsi %sub3A_424, %select_n3A_429 : i32
        %ne3A_431 = arith.constant 0 : i32
        %ne3A_432 = arith.cmpi ne, %rem3A_430, %ne3A_431 : i32
        %lt3A_433 = arith.constant 0 : i32
        %lt3A_434 = arith.cmpi slt, %rem3A_430, %lt3A_433 : i32
        %lt3A_435 = arith.constant 0 : i32
        %lt3A_436 = arith.cmpi slt, %select_n3A_429, %lt3A_435 : i32
        %ne3A_437 = arith.xori %lt3A_434, %lt3A_436 : i1
        %and3A_438 = arith.andi %ne3A_437, %ne3A_432 : i1
        %add3A_439 = arith.addi %rem3A_430, %select_n3A_429 : i32
        %select_n3A_440 = arith.select %and3A_438, %add3A_439, %rem3A_430 : i32
        %sub3A_441 = arith.constant 1 : i32
        %sub3A_442 = arith.subi %add3A_170, %sub3A_441 : i32
        %dma_wait3A_443 = arith.constant 0 : i32
        %dma_wait3A_444 = arith.constant 0 : i32
        %dma_wait3A_445 = arith.constant 0 : i32
        %dma_wait3A_446 = tpu.memref_slice %arg9[%dma_wait3A_443, %dma_wait3A_444, %dma_wait3A_445] : memref<5x128x64xbf16, #tpu.memory_space<vmem>> -> memref<1x128x64xbf16, #tpu.memory_space<vmem>>
        %dma_wait3A_447 = tpu.memref_squeeze %dma_wait3A_446 : memref<1x128x64xbf16, #tpu.memory_space<vmem>> -> memref<128x64xbf16, #tpu.memory_space<vmem>>
        %dma_wait3A_448 = arith.constant 0 : i32
        %dma_wait3A_449 = tpu.memref_slice %arg8[%sub3A_442, %dma_wait3A_448] : memref<160x128xi32, #tpu.memory_space<vmem>> -> memref<1x128xi32, #tpu.memory_space<vmem>>
        %dma_wait3A_450 = tpu.memref_squeeze %dma_wait3A_449 : memref<1x128xi32, #tpu.memory_space<vmem>> -> memref<128xi32, #tpu.memory_space<vmem>>
        %dma_wait3A_451 = arith.constant 0 : i32
        %dma_wait3A_452 = arith.constant 0 : i32
        %dma_wait3A_453 = tpu.memref_slice %arg11[%select_n3A_440, %dma_wait3A_451, %dma_wait3A_452] : memref<1x10240x64xbf16, #tpu.memory_space<vmem_shared>> -> memref<1x10240x64xbf16, #tpu.memory_space<vmem_shared>>
        %dma_wait3A_454 = tpu.memref_squeeze %dma_wait3A_453 : memref<1x10240x64xbf16, #tpu.memory_space<vmem_shared>> -> memref<10240x64xbf16, #tpu.memory_space<vmem_shared>>
        %dma_wait3A_455 = arith.constant 0 : i32
        %dma_wait3A_456 = arith.constant 0 : i32
        %dma_wait3A_457 = tpu.memref_slice %dma_wait3A_454[%dma_wait3A_455, %dma_wait3A_456] : memref<10240x64xbf16, #tpu.memory_space<vmem_shared>> -> memref<10240x64xbf16, #tpu.memory_space<vmem_shared>>
        tpu.wait_indirect_dma semaphore(%arg13 : memref<!tpu.dma_semaphore, #tpu.memory_space<semaphore_mem>>) src(%dma_wait3A_447 : memref<128x64xbf16, #tpu.memory_space<vmem>>) dst(%dma_wait3A_457 : memref<10240x64xbf16, #tpu.memory_space<vmem_shared>>)
      } else {
      }
      %lt3A_226 = arith.constant 160 : i32
      %lt3A_227 = arith.cmpi slt, %sub3A_174, %lt3A_226 : i32
      %convert_element_type3A_228 = arith.extui %lt3A_227 : i1 to i32
      %cond3A_229 = arith.constant 0 : i32
      %cond3A_230 = arith.cmpi ne, %convert_element_type3A_228, %cond3A_229 : i32
      scf.if %cond3A_230 {
        %dma_start3A_423 = arith.constant 0 : i32
        %dma_start3A_424 = arith.constant 0 : i32
        %dma_start3A_425 = arith.constant 0 : i32
        %dma_start3A_426 = tpu.memref_slice %arg9[%dma_start3A_423, %dma_start3A_424, %dma_start3A_425] : memref<5x128x64xbf16, #tpu.memory_space<vmem>> -> memref<1x128x64xbf16, #tpu.memory_space<vmem>>
        %dma_start3A_427 = tpu.memref_squeeze %dma_start3A_426 : memref<1x128x64xbf16, #tpu.memory_space<vmem>> -> memref<128x64xbf16, #tpu.memory_space<vmem>>
        %dma_start3A_428 = arith.constant 0 : i32
        %dma_start3A_429 = tpu.memref_slice %arg7[%sub3A_174, %dma_start3A_428] : memref<160x128xi32, #tpu.memory_space<vmem>> -> memref<1x128xi32, #tpu.memory_space<vmem>>
        %dma_start3A_430 = tpu.memref_squeeze %dma_start3A_429 : memref<1x128xi32, #tpu.memory_space<vmem>> -> memref<128xi32, #tpu.memory_space<vmem>>
        %dma_start3A_431 = arith.constant 0 : i32
        %dma_start3A_432 = arith.constant 0 : i32
        %dma_start3A_433 = tpu.memref_slice %arg2[%arg0, %dma_start3A_431, %dma_start3A_432] : memref<2x10000x64xbf16, #tpu.memory_space<hbm>> -> memref<1x10000x64xbf16, #tpu.memory_space<hbm>>
        %dma_start3A_434 = tpu.memref_squeeze %dma_start3A_433 : memref<1x10000x64xbf16, #tpu.memory_space<hbm>> -> memref<10000x64xbf16, #tpu.memory_space<hbm>>
        %dma_start3A_435 = arith.constant 0 : i32
        %dma_start3A_436 = arith.constant 0 : i32
        %dma_start3A_437 = tpu.memref_slice %dma_start3A_434[%dma_start3A_435, %dma_start3A_436] : memref<10000x64xbf16, #tpu.memory_space<hbm>> -> memref<10000x64xbf16, #tpu.memory_space<hbm>>
        tpu.enqueue_indirect_dma source(%dma_start3A_437 : memref<10000x64xbf16, #tpu.memory_space<hbm>>) target(%dma_start3A_427 : memref<128x64xbf16, #tpu.memory_space<vmem>>) offsets(%dma_start3A_430 : memref<128xi32, #tpu.memory_space<vmem>>) semaphore(%arg12 : memref<!tpu.dma_semaphore, #tpu.memory_space<semaphore_mem>>)
      } else {
      }
      %mul3A_231 = arith.constant 5 : i32
      %mul3A_232 = arith.muli %scan3A_113, %mul3A_231 : i32
      %add3A_233 = arith.constant 2 : i32
      %add3A_234 = arith.addi %mul3A_232, %add3A_233 : i32
      %add3A_235 = arith.constant 5 : i32
      %add3A_236 = arith.addi %add3A_234, %add3A_235 : i32
      %sub3A_237 = arith.constant 1 : i32
      %sub3A_238 = arith.subi %add3A_236, %sub3A_237 : i32
      %dma_wait3A_239 = arith.constant 2 : i32
      %dma_wait3A_240 = arith.constant 0 : i32
      %dma_wait3A_241 = arith.constant 0 : i32
      %dma_wait3A_242 = tpu.memref_slice %arg9[%dma_wait3A_239, %dma_wait3A_240, %dma_wait3A_241] : memref<5x128x64xbf16, #tpu.memory_space<vmem>> -> memref<1x128x64xbf16, #tpu.memory_space<vmem>>
      %dma_wait3A_243 = tpu.memref_squeeze %dma_wait3A_242 : memref<1x128x64xbf16, #tpu.memory_space<vmem>> -> memref<128x64xbf16, #tpu.memory_space<vmem>>
      %dma_wait3A_244 = arith.constant 0 : i32
      %dma_wait3A_245 = tpu.memref_slice %arg7[%add3A_234, %dma_wait3A_244] : memref<160x128xi32, #tpu.memory_space<vmem>> -> memref<1x128xi32, #tpu.memory_space<vmem>>
      %dma_wait3A_246 = tpu.memref_squeeze %dma_wait3A_245 : memref<1x128xi32, #tpu.memory_space<vmem>> -> memref<128xi32, #tpu.memory_space<vmem>>
      %dma_wait3A_247 = arith.constant 0 : i32
      %dma_wait3A_248 = arith.constant 0 : i32
      %dma_wait3A_249 = tpu.memref_slice %arg2[%arg0, %dma_wait3A_247, %dma_wait3A_248] : memref<2x10000x64xbf16, #tpu.memory_space<hbm>> -> memref<1x10000x64xbf16, #tpu.memory_space<hbm>>
      %dma_wait3A_250 = tpu.memref_squeeze %dma_wait3A_249 : memref<1x10000x64xbf16, #tpu.memory_space<hbm>> -> memref<10000x64xbf16, #tpu.memory_space<hbm>>
      %dma_wait3A_251 = arith.constant 0 : i32
      %dma_wait3A_252 = arith.constant 0 : i32
      %dma_wait3A_253 = tpu.memref_slice %dma_wait3A_250[%dma_wait3A_251, %dma_wait3A_252] : memref<10000x64xbf16, #tpu.memory_space<hbm>> -> memref<10000x64xbf16, #tpu.memory_space<hbm>>
      tpu.wait_indirect_dma semaphore(%arg12 : memref<!tpu.dma_semaphore, #tpu.memory_space<semaphore_mem>>) src(%dma_wait3A_253 : memref<10000x64xbf16, #tpu.memory_space<hbm>>) dst(%dma_wait3A_243 : memref<128x64xbf16, #tpu.memory_space<vmem>>)
      %jit3A_254 = arith.constant 1 : i32
      %eq3A_255 = arith.constant 0 : i32
      %eq3A_256 = arith.cmpi eq, %jit3A_254, %eq3A_255 : i32
      %jit3A_257 = arith.constant 1 : i32
      %select_n3A_258 = arith.select %eq3A_256, %jit3A_257, %jit3A_254 : i32
      %rem3A_259 = arith.remsi %add3A_234, %select_n3A_258 : i32
      %ne3A_260 = arith.constant 0 : i32
      %ne3A_261 = arith.cmpi ne, %rem3A_259, %ne3A_260 : i32
      %lt3A_262 = arith.constant 0 : i32
      %lt3A_263 = arith.cmpi slt, %rem3A_259, %lt3A_262 : i32
      %lt3A_264 = arith.constant 0 : i32
      %lt3A_265 = arith.cmpi slt, %select_n3A_258, %lt3A_264 : i32
      %ne3A_266 = arith.xori %lt3A_263, %lt3A_265 : i1
      %and3A_267 = arith.andi %ne3A_266, %ne3A_261 : i1
      %add3A_268 = arith.addi %rem3A_259, %select_n3A_258 : i32
      %select_n3A_269 = arith.select %and3A_267, %add3A_268, %rem3A_259 : i32
      %dma_start3A_270 = arith.constant 2 : i32
      %dma_start3A_271 = arith.constant 0 : i32
      %dma_start3A_272 = arith.constant 0 : i32
      %dma_start3A_273 = tpu.memref_slice %arg9[%dma_start3A_270, %dma_start3A_271, %dma_start3A_272] : memref<5x128x64xbf16, #tpu.memory_space<vmem>> -> memref<1x128x64xbf16, #tpu.memory_space<vmem>>
      %dma_start3A_274 = tpu.memref_squeeze %dma_start3A_273 : memref<1x128x64xbf16, #tpu.memory_space<vmem>> -> memref<128x64xbf16, #tpu.memory_space<vmem>>
      %dma_start3A_275 = arith.constant 0 : i32
      %dma_start3A_276 = tpu.memref_slice %arg8[%add3A_234, %dma_start3A_275] : memref<160x128xi32, #tpu.memory_space<vmem>> -> memref<1x128xi32, #tpu.memory_space<vmem>>
      %dma_start3A_277 = tpu.memref_squeeze %dma_start3A_276 : memref<1x128xi32, #tpu.memory_space<vmem>> -> memref<128xi32, #tpu.memory_space<vmem>>
      %dma_start3A_278 = arith.constant 0 : i32
      %dma_start3A_279 = arith.constant 0 : i32
      %dma_start3A_280 = tpu.memref_slice %arg11[%select_n3A_269, %dma_start3A_278, %dma_start3A_279] : memref<1x10240x64xbf16, #tpu.memory_space<vmem_shared>> -> memref<1x10240x64xbf16, #tpu.memory_space<vmem_shared>>
      %dma_start3A_281 = tpu.memref_squeeze %dma_start3A_280 : memref<1x10240x64xbf16, #tpu.memory_space<vmem_shared>> -> memref<10240x64xbf16, #tpu.memory_space<vmem_shared>>
      %dma_start3A_282 = arith.constant 0 : i32
      %dma_start3A_283 = arith.constant 0 : i32
      %dma_start3A_284 = tpu.memref_slice %dma_start3A_281[%dma_start3A_282, %dma_start3A_283] : memref<10240x64xbf16, #tpu.memory_space<vmem_shared>> -> memref<10240x64xbf16, #tpu.memory_space<vmem_shared>>
      tpu.enqueue_indirect_dma source(%dma_start3A_274 : memref<128x64xbf16, #tpu.memory_space<vmem>>) target(%dma_start3A_284 : memref<10240x64xbf16, #tpu.memory_space<vmem_shared>>) offsets(%dma_start3A_277 : memref<128xi32, #tpu.memory_space<vmem>>) semaphore(%arg13 : memref<!tpu.dma_semaphore, #tpu.memory_space<semaphore_mem>>) {add = true}
      %gt3A_285 = arith.constant 0 : i32
      %gt3A_286 = arith.cmpi sgt, %add3A_234, %gt3A_285 : i32
      %convert_element_type3A_287 = arith.extui %gt3A_286 : i1 to i32
      %cond3A_288 = arith.constant 0 : i32
      %cond3A_289 = arith.cmpi ne, %convert_element_type3A_287, %cond3A_288 : i32
      scf.if %cond3A_289 {
        %sub3A_423 = arith.constant 1 : i32
        %sub3A_424 = arith.subi %add3A_234, %sub3A_423 : i32
        %jit3A_425 = arith.constant 1 : i32
        %eq3A_426 = arith.constant 0 : i32
        %eq3A_427 = arith.cmpi eq, %jit3A_425, %eq3A_426 : i32
        %jit3A_428 = arith.constant 1 : i32
        %select_n3A_429 = arith.select %eq3A_427, %jit3A_428, %jit3A_425 : i32
        %rem3A_430 = arith.remsi %sub3A_424, %select_n3A_429 : i32
        %ne3A_431 = arith.constant 0 : i32
        %ne3A_432 = arith.cmpi ne, %rem3A_430, %ne3A_431 : i32
        %lt3A_433 = arith.constant 0 : i32
        %lt3A_434 = arith.cmpi slt, %rem3A_430, %lt3A_433 : i32
        %lt3A_435 = arith.constant 0 : i32
        %lt3A_436 = arith.cmpi slt, %select_n3A_429, %lt3A_435 : i32
        %ne3A_437 = arith.xori %lt3A_434, %lt3A_436 : i1
        %and3A_438 = arith.andi %ne3A_437, %ne3A_432 : i1
        %add3A_439 = arith.addi %rem3A_430, %select_n3A_429 : i32
        %select_n3A_440 = arith.select %and3A_438, %add3A_439, %rem3A_430 : i32
        %sub3A_441 = arith.constant 1 : i32
        %sub3A_442 = arith.subi %add3A_234, %sub3A_441 : i32
        %dma_wait3A_443 = arith.constant 1 : i32
        %dma_wait3A_444 = arith.constant 0 : i32
        %dma_wait3A_445 = arith.constant 0 : i32
        %dma_wait3A_446 = tpu.memref_slice %arg9[%dma_wait3A_443, %dma_wait3A_444, %dma_wait3A_445] : memref<5x128x64xbf16, #tpu.memory_space<vmem>> -> memref<1x128x64xbf16, #tpu.memory_space<vmem>>
        %dma_wait3A_447 = tpu.memref_squeeze %dma_wait3A_446 : memref<1x128x64xbf16, #tpu.memory_space<vmem>> -> memref<128x64xbf16, #tpu.memory_space<vmem>>
        %dma_wait3A_448 = arith.constant 0 : i32
        %dma_wait3A_449 = tpu.memref_slice %arg8[%sub3A_442, %dma_wait3A_448] : memref<160x128xi32, #tpu.memory_space<vmem>> -> memref<1x128xi32, #tpu.memory_space<vmem>>
        %dma_wait3A_450 = tpu.memref_squeeze %dma_wait3A_449 : memref<1x128xi32, #tpu.memory_space<vmem>> -> memref<128xi32, #tpu.memory_space<vmem>>
        %dma_wait3A_451 = arith.constant 0 : i32
        %dma_wait3A_452 = arith.constant 0 : i32
        %dma_wait3A_453 = tpu.memref_slice %arg11[%select_n3A_440, %dma_wait3A_451, %dma_wait3A_452] : memref<1x10240x64xbf16, #tpu.memory_space<vmem_shared>> -> memref<1x10240x64xbf16, #tpu.memory_space<vmem_shared>>
        %dma_wait3A_454 = tpu.memref_squeeze %dma_wait3A_453 : memref<1x10240x64xbf16, #tpu.memory_space<vmem_shared>> -> memref<10240x64xbf16, #tpu.memory_space<vmem_shared>>
        %dma_wait3A_455 = arith.constant 0 : i32
        %dma_wait3A_456 = arith.constant 0 : i32
        %dma_wait3A_457 = tpu.memref_slice %dma_wait3A_454[%dma_wait3A_455, %dma_wait3A_456] : memref<10240x64xbf16, #tpu.memory_space<vmem_shared>> -> memref<10240x64xbf16, #tpu.memory_space<vmem_shared>>
        tpu.wait_indirect_dma semaphore(%arg13 : memref<!tpu.dma_semaphore, #tpu.memory_space<semaphore_mem>>) src(%dma_wait3A_447 : memref<128x64xbf16, #tpu.memory_space<vmem>>) dst(%dma_wait3A_457 : memref<10240x64xbf16, #tpu.memory_space<vmem_shared>>)
      } else {
      }
      %lt3A_290 = arith.constant 160 : i32
      %lt3A_291 = arith.cmpi slt, %sub3A_238, %lt3A_290 : i32
      %convert_element_type3A_292 = arith.extui %lt3A_291 : i1 to i32
      %cond3A_293 = arith.constant 0 : i32
      %cond3A_294 = arith.cmpi ne, %convert_element_type3A_292, %cond3A_293 : i32
      scf.if %cond3A_294 {
        %dma_start3A_423 = arith.constant 1 : i32
        %dma_start3A_424 = arith.constant 0 : i32
        %dma_start3A_425 = arith.constant 0 : i32
        %dma_start3A_426 = tpu.memref_slice %arg9[%dma_start3A_423, %dma_start3A_424, %dma_start3A_425] : memref<5x128x64xbf16, #tpu.memory_space<vmem>> -> memref<1x128x64xbf16, #tpu.memory_space<vmem>>
        %dma_start3A_427 = tpu.memref_squeeze %dma_start3A_426 : memref<1x128x64xbf16, #tpu.memory_space<vmem>> -> memref<128x64xbf16, #tpu.memory_space<vmem>>
        %dma_start3A_428 = arith.constant 0 : i32
        %dma_start3A_429 = tpu.memref_slice %arg7[%sub3A_238, %dma_start3A_428] : memref<160x128xi32, #tpu.memory_space<vmem>> -> memref<1x128xi32, #tpu.memory_space<vmem>>
        %dma_start3A_430 = tpu.memref_squeeze %dma_start3A_429 : memref<1x128xi32, #tpu.memory_space<vmem>> -> memref<128xi32, #tpu.memory_space<vmem>>
        %dma_start3A_431 = arith.constant 0 : i32
        %dma_start3A_432 = arith.constant 0 : i32
        %dma_start3A_433 = tpu.memref_slice %arg2[%arg0, %dma_start3A_431, %dma_start3A_432] : memref<2x10000x64xbf16, #tpu.memory_space<hbm>> -> memref<1x10000x64xbf16, #tpu.memory_space<hbm>>
        %dma_start3A_434 = tpu.memref_squeeze %dma_start3A_433 : memref<1x10000x64xbf16, #tpu.memory_space<hbm>> -> memref<10000x64xbf16, #tpu.memory_space<hbm>>
        %dma_start3A_435 = arith.constant 0 : i32
        %dma_start3A_436 = arith.constant 0 : i32
        %dma_start3A_437 = tpu.memref_slice %dma_start3A_434[%dma_start3A_435, %dma_start3A_436] : memref<10000x64xbf16, #tpu.memory_space<hbm>> -> memref<10000x64xbf16, #tpu.memory_space<hbm>>
        tpu.enqueue_indirect_dma source(%dma_start3A_437 : memref<10000x64xbf16, #tpu.memory_space<hbm>>) target(%dma_start3A_427 : memref<128x64xbf16, #tpu.memory_space<vmem>>) offsets(%dma_start3A_430 : memref<128xi32, #tpu.memory_space<vmem>>) semaphore(%arg12 : memref<!tpu.dma_semaphore, #tpu.memory_space<semaphore_mem>>)
      } else {
      }
      %mul3A_295 = arith.constant 5 : i32
      %mul3A_296 = arith.muli %scan3A_113, %mul3A_295 : i32
      %add3A_297 = arith.constant 3 : i32
      %add3A_298 = arith.addi %mul3A_296, %add3A_297 : i32
      %add3A_299 = arith.constant 5 : i32
      %add3A_300 = arith.addi %add3A_298, %add3A_299 : i32
      %sub3A_301 = arith.constant 1 : i32
      %sub3A_302 = arith.subi %add3A_300, %sub3A_301 : i32
      %dma_wait3A_303 = arith.constant 3 : i32
      %dma_wait3A_304 = arith.constant 0 : i32
      %dma_wait3A_305 = arith.constant 0 : i32
      %dma_wait3A_306 = tpu.memref_slice %arg9[%dma_wait3A_303, %dma_wait3A_304, %dma_wait3A_305] : memref<5x128x64xbf16, #tpu.memory_space<vmem>> -> memref<1x128x64xbf16, #tpu.memory_space<vmem>>
      %dma_wait3A_307 = tpu.memref_squeeze %dma_wait3A_306 : memref<1x128x64xbf16, #tpu.memory_space<vmem>> -> memref<128x64xbf16, #tpu.memory_space<vmem>>
      %dma_wait3A_308 = arith.constant 0 : i32
      %dma_wait3A_309 = tpu.memref_slice %arg7[%add3A_298, %dma_wait3A_308] : memref<160x128xi32, #tpu.memory_space<vmem>> -> memref<1x128xi32, #tpu.memory_space<vmem>>
      %dma_wait3A_310 = tpu.memref_squeeze %dma_wait3A_309 : memref<1x128xi32, #tpu.memory_space<vmem>> -> memref<128xi32, #tpu.memory_space<vmem>>
      %dma_wait3A_311 = arith.constant 0 : i32
      %dma_wait3A_312 = arith.constant 0 : i32
      %dma_wait3A_313 = tpu.memref_slice %arg2[%arg0, %dma_wait3A_311, %dma_wait3A_312] : memref<2x10000x64xbf16, #tpu.memory_space<hbm>> -> memref<1x10000x64xbf16, #tpu.memory_space<hbm>>
      %dma_wait3A_314 = tpu.memref_squeeze %dma_wait3A_313 : memref<1x10000x64xbf16, #tpu.memory_space<hbm>> -> memref<10000x64xbf16, #tpu.memory_space<hbm>>
      %dma_wait3A_315 = arith.constant 0 : i32
      %dma_wait3A_316 = arith.constant 0 : i32
      %dma_wait3A_317 = tpu.memref_slice %dma_wait3A_314[%dma_wait3A_315, %dma_wait3A_316] : memref<10000x64xbf16, #tpu.memory_space<hbm>> -> memref<10000x64xbf16, #tpu.memory_space<hbm>>
      tpu.wait_indirect_dma semaphore(%arg12 : memref<!tpu.dma_semaphore, #tpu.memory_space<semaphore_mem>>) src(%dma_wait3A_317 : memref<10000x64xbf16, #tpu.memory_space<hbm>>) dst(%dma_wait3A_307 : memref<128x64xbf16, #tpu.memory_space<vmem>>)
      %jit3A_318 = arith.constant 1 : i32
      %eq3A_319 = arith.constant 0 : i32
      %eq3A_320 = arith.cmpi eq, %jit3A_318, %eq3A_319 : i32
      %jit3A_321 = arith.constant 1 : i32
      %select_n3A_322 = arith.select %eq3A_320, %jit3A_321, %jit3A_318 : i32
      %rem3A_323 = arith.remsi %add3A_298, %select_n3A_322 : i32
      %ne3A_324 = arith.constant 0 : i32
      %ne3A_325 = arith.cmpi ne, %rem3A_323, %ne3A_324 : i32
      %lt3A_326 = arith.constant 0 : i32
      %lt3A_327 = arith.cmpi slt, %rem3A_323, %lt3A_326 : i32
      %lt3A_328 = arith.constant 0 : i32
      %lt3A_329 = arith.cmpi slt, %select_n3A_322, %lt3A_328 : i32
      %ne3A_330 = arith.xori %lt3A_327, %lt3A_329 : i1
      %and3A_331 = arith.andi %ne3A_330, %ne3A_325 : i1
      %add3A_332 = arith.addi %rem3A_323, %select_n3A_322 : i32
      %select_n3A_333 = arith.select %and3A_331, %add3A_332, %rem3A_323 : i32
      %dma_start3A_334 = arith.constant 3 : i32
      %dma_start3A_335 = arith.constant 0 : i32
      %dma_start3A_336 = arith.constant 0 : i32
      %dma_start3A_337 = tpu.memref_slice %arg9[%dma_start3A_334, %dma_start3A_335, %dma_start3A_336] : memref<5x128x64xbf16, #tpu.memory_space<vmem>> -> memref<1x128x64xbf16, #tpu.memory_space<vmem>>
      %dma_start3A_338 = tpu.memref_squeeze %dma_start3A_337 : memref<1x128x64xbf16, #tpu.memory_space<vmem>> -> memref<128x64xbf16, #tpu.memory_space<vmem>>
      %dma_start3A_339 = arith.constant 0 : i32
      %dma_start3A_340 = tpu.memref_slice %arg8[%add3A_298, %dma_start3A_339] : memref<160x128xi32, #tpu.memory_space<vmem>> -> memref<1x128xi32, #tpu.memory_space<vmem>>
      %dma_start3A_341 = tpu.memref_squeeze %dma_start3A_340 : memref<1x128xi32, #tpu.memory_space<vmem>> -> memref<128xi32, #tpu.memory_space<vmem>>
      %dma_start3A_342 = arith.constant 0 : i32
      %dma_start3A_343 = arith.constant 0 : i32
      %dma_start3A_344 = tpu.memref_slice %arg11[%select_n3A_333, %dma_start3A_342, %dma_start3A_343] : memref<1x10240x64xbf16, #tpu.memory_space<vmem_shared>> -> memref<1x10240x64xbf16, #tpu.memory_space<vmem_shared>>
      %dma_start3A_345 = tpu.memref_squeeze %dma_start3A_344 : memref<1x10240x64xbf16, #tpu.memory_space<vmem_shared>> -> memref<10240x64xbf16, #tpu.memory_space<vmem_shared>>
      %dma_start3A_346 = arith.constant 0 : i32
      %dma_start3A_347 = arith.constant 0 : i32
      %dma_start3A_348 = tpu.memref_slice %dma_start3A_345[%dma_start3A_346, %dma_start3A_347] : memref<10240x64xbf16, #tpu.memory_space<vmem_shared>> -> memref<10240x64xbf16, #tpu.memory_space<vmem_shared>>
      tpu.enqueue_indirect_dma source(%dma_start3A_338 : memref<128x64xbf16, #tpu.memory_space<vmem>>) target(%dma_start3A_348 : memref<10240x64xbf16, #tpu.memory_space<vmem_shared>>) offsets(%dma_start3A_341 : memref<128xi32, #tpu.memory_space<vmem>>) semaphore(%arg13 : memref<!tpu.dma_semaphore, #tpu.memory_space<semaphore_mem>>) {add = true}
      %gt3A_349 = arith.constant 0 : i32
      %gt3A_350 = arith.cmpi sgt, %add3A_298, %gt3A_349 : i32
      %convert_element_type3A_351 = arith.extui %gt3A_350 : i1 to i32
      %cond3A_352 = arith.constant 0 : i32
      %cond3A_353 = arith.cmpi ne, %convert_element_type3A_351, %cond3A_352 : i32
      scf.if %cond3A_353 {
        %sub3A_423 = arith.constant 1 : i32
        %sub3A_424 = arith.subi %add3A_298, %sub3A_423 : i32
        %jit3A_425 = arith.constant 1 : i32
        %eq3A_426 = arith.constant 0 : i32
        %eq3A_427 = arith.cmpi eq, %jit3A_425, %eq3A_426 : i32
        %jit3A_428 = arith.constant 1 : i32
        %select_n3A_429 = arith.select %eq3A_427, %jit3A_428, %jit3A_425 : i32
        %rem3A_430 = arith.remsi %sub3A_424, %select_n3A_429 : i32
        %ne3A_431 = arith.constant 0 : i32
        %ne3A_432 = arith.cmpi ne, %rem3A_430, %ne3A_431 : i32
        %lt3A_433 = arith.constant 0 : i32
        %lt3A_434 = arith.cmpi slt, %rem3A_430, %lt3A_433 : i32
        %lt3A_435 = arith.constant 0 : i32
        %lt3A_436 = arith.cmpi slt, %select_n3A_429, %lt3A_435 : i32
        %ne3A_437 = arith.xori %lt3A_434, %lt3A_436 : i1
        %and3A_438 = arith.andi %ne3A_437, %ne3A_432 : i1
        %add3A_439 = arith.addi %rem3A_430, %select_n3A_429 : i32
        %select_n3A_440 = arith.select %and3A_438, %add3A_439, %rem3A_430 : i32
        %sub3A_441 = arith.constant 1 : i32
        %sub3A_442 = arith.subi %add3A_298, %sub3A_441 : i32
        %dma_wait3A_443 = arith.constant 2 : i32
        %dma_wait3A_444 = arith.constant 0 : i32
        %dma_wait3A_445 = arith.constant 0 : i32
        %dma_wait3A_446 = tpu.memref_slice %arg9[%dma_wait3A_443, %dma_wait3A_444, %dma_wait3A_445] : memref<5x128x64xbf16, #tpu.memory_space<vmem>> -> memref<1x128x64xbf16, #tpu.memory_space<vmem>>
        %dma_wait3A_447 = tpu.memref_squeeze %dma_wait3A_446 : memref<1x128x64xbf16, #tpu.memory_space<vmem>> -> memref<128x64xbf16, #tpu.memory_space<vmem>>
        %dma_wait3A_448 = arith.constant 0 : i32
        %dma_wait3A_449 = tpu.memref_slice %arg8[%sub3A_442, %dma_wait3A_448] : memref<160x128xi32, #tpu.memory_space<vmem>> -> memref<1x128xi32, #tpu.memory_space<vmem>>
        %dma_wait3A_450 = tpu.memref_squeeze %dma_wait3A_449 : memref<1x128xi32, #tpu.memory_space<vmem>> -> memref<128xi32, #tpu.memory_space<vmem>>
        %dma_wait3A_451 = arith.constant 0 : i32
        %dma_wait3A_452 = arith.constant 0 : i32
        %dma_wait3A_453 = tpu.memref_slice %arg11[%select_n3A_440, %dma_wait3A_451, %dma_wait3A_452] : memref<1x10240x64xbf16, #tpu.memory_space<vmem_shared>> -> memref<1x10240x64xbf16, #tpu.memory_space<vmem_shared>>
        %dma_wait3A_454 = tpu.memref_squeeze %dma_wait3A_453 : memref<1x10240x64xbf16, #tpu.memory_space<vmem_shared>> -> memref<10240x64xbf16, #tpu.memory_space<vmem_shared>>
        %dma_wait3A_455 = arith.constant 0 : i32
        %dma_wait3A_456 = arith.constant 0 : i32
        %dma_wait3A_457 = tpu.memref_slice %dma_wait3A_454[%dma_wait3A_455, %dma_wait3A_456] : memref<10240x64xbf16, #tpu.memory_space<vmem_shared>> -> memref<10240x64xbf16, #tpu.memory_space<vmem_shared>>
        tpu.wait_indirect_dma semaphore(%arg13 : memref<!tpu.dma_semaphore, #tpu.memory_space<semaphore_mem>>) src(%dma_wait3A_447 : memref<128x64xbf16, #tpu.memory_space<vmem>>) dst(%dma_wait3A_457 : memref<10240x64xbf16, #tpu.memory_space<vmem_shared>>)
      } else {
      }
      %lt3A_354 = arith.constant 160 : i32
      %lt3A_355 = arith.cmpi slt, %sub3A_302, %lt3A_354 : i32
      %convert_element_type3A_356 = arith.extui %lt3A_355 : i1 to i32
      %cond3A_357 = arith.constant 0 : i32
      %cond3A_358 = arith.cmpi ne, %convert_element_type3A_356, %cond3A_357 : i32
      scf.if %cond3A_358 {
        %dma_start3A_423 = arith.constant 2 : i32
        %dma_start3A_424 = arith.constant 0 : i32
        %dma_start3A_425 = arith.constant 0 : i32
        %dma_start3A_426 = tpu.memref_slice %arg9[%dma_start3A_423, %dma_start3A_424, %dma_start3A_425] : memref<5x128x64xbf16, #tpu.memory_space<vmem>> -> memref<1x128x64xbf16, #tpu.memory_space<vmem>>
        %dma_start3A_427 = tpu.memref_squeeze %dma_start3A_426 : memref<1x128x64xbf16, #tpu.memory_space<vmem>> -> memref<128x64xbf16, #tpu.memory_space<vmem>>
        %dma_start3A_428 = arith.constant 0 : i32
        %dma_start3A_429 = tpu.memref_slice %arg7[%sub3A_302, %dma_start3A_428] : memref<160x128xi32, #tpu.memory_space<vmem>> -> memref<1x128xi32, #tpu.memory_space<vmem>>
        %dma_start3A_430 = tpu.memref_squeeze %dma_start3A_429 : memref<1x128xi32, #tpu.memory_space<vmem>> -> memref<128xi32, #tpu.memory_space<vmem>>
        %dma_start3A_431 = arith.constant 0 : i32
        %dma_start3A_432 = arith.constant 0 : i32
        %dma_start3A_433 = tpu.memref_slice %arg2[%arg0, %dma_start3A_431, %dma_start3A_432] : memref<2x10000x64xbf16, #tpu.memory_space<hbm>> -> memref<1x10000x64xbf16, #tpu.memory_space<hbm>>
        %dma_start3A_434 = tpu.memref_squeeze %dma_start3A_433 : memref<1x10000x64xbf16, #tpu.memory_space<hbm>> -> memref<10000x64xbf16, #tpu.memory_space<hbm>>
        %dma_start3A_435 = arith.constant 0 : i32
        %dma_start3A_436 = arith.constant 0 : i32
        %dma_start3A_437 = tpu.memref_slice %dma_start3A_434[%dma_start3A_435, %dma_start3A_436] : memref<10000x64xbf16, #tpu.memory_space<hbm>> -> memref<10000x64xbf16, #tpu.memory_space<hbm>>
        tpu.enqueue_indirect_dma source(%dma_start3A_437 : memref<10000x64xbf16, #tpu.memory_space<hbm>>) target(%dma_start3A_427 : memref<128x64xbf16, #tpu.memory_space<vmem>>) offsets(%dma_start3A_430 : memref<128xi32, #tpu.memory_space<vmem>>) semaphore(%arg12 : memref<!tpu.dma_semaphore, #tpu.memory_space<semaphore_mem>>)
      } else {
      }
      %mul3A_359 = arith.constant 5 : i32
      %mul3A_360 = arith.muli %scan3A_113, %mul3A_359 : i32
      %add3A_361 = arith.constant 4 : i32
      %add3A_362 = arith.addi %mul3A_360, %add3A_361 : i32
      %add3A_363 = arith.constant 5 : i32
      %add3A_364 = arith.addi %add3A_362, %add3A_363 : i32
      %sub3A_365 = arith.constant 1 : i32
      %sub3A_366 = arith.subi %add3A_364, %sub3A_365 : i32
      %dma_wait3A_367 = arith.constant 4 : i32
      %dma_wait3A_368 = arith.constant 0 : i32
      %dma_wait3A_369 = arith.constant 0 : i32
      %dma_wait3A_370 = tpu.memref_slice %arg9[%dma_wait3A_367, %dma_wait3A_368, %dma_wait3A_369] : memref<5x128x64xbf16, #tpu.memory_space<vmem>> -> memref<1x128x64xbf16, #tpu.memory_space<vmem>>
      %dma_wait3A_371 = tpu.memref_squeeze %dma_wait3A_370 : memref<1x128x64xbf16, #tpu.memory_space<vmem>> -> memref<128x64xbf16, #tpu.memory_space<vmem>>
      %dma_wait3A_372 = arith.constant 0 : i32
      %dma_wait3A_373 = tpu.memref_slice %arg7[%add3A_362, %dma_wait3A_372] : memref<160x128xi32, #tpu.memory_space<vmem>> -> memref<1x128xi32, #tpu.memory_space<vmem>>
      %dma_wait3A_374 = tpu.memref_squeeze %dma_wait3A_373 : memref<1x128xi32, #tpu.memory_space<vmem>> -> memref<128xi32, #tpu.memory_space<vmem>>
      %dma_wait3A_375 = arith.constant 0 : i32
      %dma_wait3A_376 = arith.constant 0 : i32
      %dma_wait3A_377 = tpu.memref_slice %arg2[%arg0, %dma_wait3A_375, %dma_wait3A_376] : memref<2x10000x64xbf16, #tpu.memory_space<hbm>> -> memref<1x10000x64xbf16, #tpu.memory_space<hbm>>
      %dma_wait3A_378 = tpu.memref_squeeze %dma_wait3A_377 : memref<1x10000x64xbf16, #tpu.memory_space<hbm>> -> memref<10000x64xbf16, #tpu.memory_space<hbm>>
      %dma_wait3A_379 = arith.constant 0 : i32
      %dma_wait3A_380 = arith.constant 0 : i32
      %dma_wait3A_381 = tpu.memref_slice %dma_wait3A_378[%dma_wait3A_379, %dma_wait3A_380] : memref<10000x64xbf16, #tpu.memory_space<hbm>> -> memref<10000x64xbf16, #tpu.memory_space<hbm>>
      tpu.wait_indirect_dma semaphore(%arg12 : memref<!tpu.dma_semaphore, #tpu.memory_space<semaphore_mem>>) src(%dma_wait3A_381 : memref<10000x64xbf16, #tpu.memory_space<hbm>>) dst(%dma_wait3A_371 : memref<128x64xbf16, #tpu.memory_space<vmem>>)
      %jit3A_382 = arith.constant 1 : i32
      %eq3A_383 = arith.constant 0 : i32
      %eq3A_384 = arith.cmpi eq, %jit3A_382, %eq3A_383 : i32
      %jit3A_385 = arith.constant 1 : i32
      %select_n3A_386 = arith.select %eq3A_384, %jit3A_385, %jit3A_382 : i32
      %rem3A_387 = arith.remsi %add3A_362, %select_n3A_386 : i32
      %ne3A_388 = arith.constant 0 : i32
      %ne3A_389 = arith.cmpi ne, %rem3A_387, %ne3A_388 : i32
      %lt3A_390 = arith.constant 0 : i32
      %lt3A_391 = arith.cmpi slt, %rem3A_387, %lt3A_390 : i32
      %lt3A_392 = arith.constant 0 : i32
      %lt3A_393 = arith.cmpi slt, %select_n3A_386, %lt3A_392 : i32
      %ne3A_394 = arith.xori %lt3A_391, %lt3A_393 : i1
      %and3A_395 = arith.andi %ne3A_394, %ne3A_389 : i1
      %add3A_396 = arith.addi %rem3A_387, %select_n3A_386 : i32
      %select_n3A_397 = arith.select %and3A_395, %add3A_396, %rem3A_387 : i32
      %dma_start3A_398 = arith.constant 4 : i32
      %dma_start3A_399 = arith.constant 0 : i32
      %dma_start3A_400 = arith.constant 0 : i32
      %dma_start3A_401 = tpu.memref_slice %arg9[%dma_start3A_398, %dma_start3A_399, %dma_start3A_400] : memref<5x128x64xbf16, #tpu.memory_space<vmem>> -> memref<1x128x64xbf16, #tpu.memory_space<vmem>>
      %dma_start3A_402 = tpu.memref_squeeze %dma_start3A_401 : memref<1x128x64xbf16, #tpu.memory_space<vmem>> -> memref<128x64xbf16, #tpu.memory_space<vmem>>
      %dma_start3A_403 = arith.constant 0 : i32
      %dma_start3A_404 = tpu.memref_slice %arg8[%add3A_362, %dma_start3A_403] : memref<160x128xi32, #tpu.memory_space<vmem>> -> memref<1x128xi32, #tpu.memory_space<vmem>>
      %dma_start3A_405 = tpu.memref_squeeze %dma_start3A_404 : memref<1x128xi32, #tpu.memory_space<vmem>> -> memref<128xi32, #tpu.memory_space<vmem>>
      %dma_start3A_406 = arith.constant 0 : i32
      %dma_start3A_407 = arith.constant 0 : i32
      %dma_start3A_408 = tpu.memref_slice %arg11[%select_n3A_397, %dma_start3A_406, %dma_start3A_407] : memref<1x10240x64xbf16, #tpu.memory_space<vmem_shared>> -> memref<1x10240x64xbf16, #tpu.memory_space<vmem_shared>>
      %dma_start3A_409 = tpu.memref_squeeze %dma_start3A_408 : memref<1x10240x64xbf16, #tpu.memory_space<vmem_shared>> -> memref<10240x64xbf16, #tpu.memory_space<vmem_shared>>
      %dma_start3A_410 = arith.constant 0 : i32
      %dma_start3A_411 = arith.constant 0 : i32
      %dma_start3A_412 = tpu.memref_slice %dma_start3A_409[%dma_start3A_410, %dma_start3A_411] : memref<10240x64xbf16, #tpu.memory_space<vmem_shared>> -> memref<10240x64xbf16, #tpu.memory_space<vmem_shared>>
      tpu.enqueue_indirect_dma source(%dma_start3A_402 : memref<128x64xbf16, #tpu.memory_space<vmem>>) target(%dma_start3A_412 : memref<10240x64xbf16, #tpu.memory_space<vmem_shared>>) offsets(%dma_start3A_405 : memref<128xi32, #tpu.memory_space<vmem>>) semaphore(%arg13 : memref<!tpu.dma_semaphore, #tpu.memory_space<semaphore_mem>>) {add = true}
      %gt3A_413 = arith.constant 0 : i32
      %gt3A_414 = arith.cmpi sgt, %add3A_362, %gt3A_413 : i32
      %convert_element_type3A_415 = arith.extui %gt3A_414 : i1 to i32
      %cond3A_416 = arith.constant 0 : i32
      %cond3A_417 = arith.cmpi ne, %convert_element_type3A_415, %cond3A_416 : i32
      scf.if %cond3A_417 {
        %sub3A_423 = arith.constant 1 : i32
        %sub3A_424 = arith.subi %add3A_362, %sub3A_423 : i32
        %jit3A_425 = arith.constant 1 : i32
        %eq3A_426 = arith.constant 0 : i32
        %eq3A_427 = arith.cmpi eq, %jit3A_425, %eq3A_426 : i32
        %jit3A_428 = arith.constant 1 : i32
        %select_n3A_429 = arith.select %eq3A_427, %jit3A_428, %jit3A_425 : i32
        %rem3A_430 = arith.remsi %sub3A_424, %select_n3A_429 : i32
        %ne3A_431 = arith.constant 0 : i32
        %ne3A_432 = arith.cmpi ne, %rem3A_430, %ne3A_431 : i32
        %lt3A_433 = arith.constant 0 : i32
        %lt3A_434 = arith.cmpi slt, %rem3A_430, %lt3A_433 : i32
        %lt3A_435 = arith.constant 0 : i32
        %lt3A_436 = arith.cmpi slt, %select_n3A_429, %lt3A_435 : i32
        %ne3A_437 = arith.xori %lt3A_434, %lt3A_436 : i1
        %and3A_438 = arith.andi %ne3A_437, %ne3A_432 : i1
        %add3A_439 = arith.addi %rem3A_430, %select_n3A_429 : i32
        %select_n3A_440 = arith.select %and3A_438, %add3A_439, %rem3A_430 : i32
        %sub3A_441 = arith.constant 1 : i32
        %sub3A_442 = arith.subi %add3A_362, %sub3A_441 : i32
        %dma_wait3A_443 = arith.constant 3 : i32
        %dma_wait3A_444 = arith.constant 0 : i32
        %dma_wait3A_445 = arith.constant 0 : i32
        %dma_wait3A_446 = tpu.memref_slice %arg9[%dma_wait3A_443, %dma_wait3A_444, %dma_wait3A_445] : memref<5x128x64xbf16, #tpu.memory_space<vmem>> -> memref<1x128x64xbf16, #tpu.memory_space<vmem>>
        %dma_wait3A_447 = tpu.memref_squeeze %dma_wait3A_446 : memref<1x128x64xbf16, #tpu.memory_space<vmem>> -> memref<128x64xbf16, #tpu.memory_space<vmem>>
        %dma_wait3A_448 = arith.constant 0 : i32
        %dma_wait3A_449 = tpu.memref_slice %arg8[%sub3A_442, %dma_wait3A_448] : memref<160x128xi32, #tpu.memory_space<vmem>> -> memref<1x128xi32, #tpu.memory_space<vmem>>
        %dma_wait3A_450 = tpu.memref_squeeze %dma_wait3A_449 : memref<1x128xi32, #tpu.memory_space<vmem>> -> memref<128xi32, #tpu.memory_space<vmem>>
        %dma_wait3A_451 = arith.constant 0 : i32
        %dma_wait3A_452 = arith.constant 0 : i32
        %dma_wait3A_453 = tpu.memref_slice %arg11[%select_n3A_440, %dma_wait3A_451, %dma_wait3A_452] : memref<1x10240x64xbf16, #tpu.memory_space<vmem_shared>> -> memref<1x10240x64xbf16, #tpu.memory_space<vmem_shared>>
        %dma_wait3A_454 = tpu.memref_squeeze %dma_wait3A_453 : memref<1x10240x64xbf16, #tpu.memory_space<vmem_shared>> -> memref<10240x64xbf16, #tpu.memory_space<vmem_shared>>
        %dma_wait3A_455 = arith.constant 0 : i32
        %dma_wait3A_456 = arith.constant 0 : i32
        %dma_wait3A_457 = tpu.memref_slice %dma_wait3A_454[%dma_wait3A_455, %dma_wait3A_456] : memref<10240x64xbf16, #tpu.memory_space<vmem_shared>> -> memref<10240x64xbf16, #tpu.memory_space<vmem_shared>>
        tpu.wait_indirect_dma semaphore(%arg13 : memref<!tpu.dma_semaphore, #tpu.memory_space<semaphore_mem>>) src(%dma_wait3A_447 : memref<128x64xbf16, #tpu.memory_space<vmem>>) dst(%dma_wait3A_457 : memref<10240x64xbf16, #tpu.memory_space<vmem_shared>>)
      } else {
      }
      %lt3A_418 = arith.constant 160 : i32
      %lt3A_419 = arith.cmpi slt, %sub3A_366, %lt3A_418 : i32
      %convert_element_type3A_420 = arith.extui %lt3A_419 : i1 to i32
      %cond3A_421 = arith.constant 0 : i32
      %cond3A_422 = arith.cmpi ne, %convert_element_type3A_420, %cond3A_421 : i32
      scf.if %cond3A_422 {
        %dma_start3A_423 = arith.constant 3 : i32
        %dma_start3A_424 = arith.constant 0 : i32
        %dma_start3A_425 = arith.constant 0 : i32
        %dma_start3A_426 = tpu.memref_slice %arg9[%dma_start3A_423, %dma_start3A_424, %dma_start3A_425] : memref<5x128x64xbf16, #tpu.memory_space<vmem>> -> memref<1x128x64xbf16, #tpu.memory_space<vmem>>
        %dma_start3A_427 = tpu.memref_squeeze %dma_start3A_426 : memref<1x128x64xbf16, #tpu.memory_space<vmem>> -> memref<128x64xbf16, #tpu.memory_space<vmem>>
        %dma_start3A_428 = arith.constant 0 : i32
        %dma_start3A_429 = tpu.memref_slice %arg7[%sub3A_366, %dma_start3A_428] : memref<160x128xi32, #tpu.memory_space<vmem>> -> memref<1x128xi32, #tpu.memory_space<vmem>>
        %dma_start3A_430 = tpu.memref_squeeze %dma_start3A_429 : memref<1x128xi32, #tpu.memory_space<vmem>> -> memref<128xi32, #tpu.memory_space<vmem>>
        %dma_start3A_431 = arith.constant 0 : i32
        %dma_start3A_432 = arith.constant 0 : i32
        %dma_start3A_433 = tpu.memref_slice %arg2[%arg0, %dma_start3A_431, %dma_start3A_432] : memref<2x10000x64xbf16, #tpu.memory_space<hbm>> -> memref<1x10000x64xbf16, #tpu.memory_space<hbm>>
        %dma_start3A_434 = tpu.memref_squeeze %dma_start3A_433 : memref<1x10000x64xbf16, #tpu.memory_space<hbm>> -> memref<10000x64xbf16, #tpu.memory_space<hbm>>
        %dma_start3A_435 = arith.constant 0 : i32
        %dma_start3A_436 = arith.constant 0 : i32
        %dma_start3A_437 = tpu.memref_slice %dma_start3A_434[%dma_start3A_435, %dma_start3A_436] : memref<10000x64xbf16, #tpu.memory_space<hbm>> -> memref<10000x64xbf16, #tpu.memory_space<hbm>>
        tpu.enqueue_indirect_dma source(%dma_start3A_437 : memref<10000x64xbf16, #tpu.memory_space<hbm>>) target(%dma_start3A_427 : memref<128x64xbf16, #tpu.memory_space<vmem>>) offsets(%dma_start3A_430 : memref<128xi32, #tpu.memory_space<vmem>>) semaphore(%arg12 : memref<!tpu.dma_semaphore, #tpu.memory_space<semaphore_mem>>)
      } else {
      }
    }
    %scan3A_89 = arith.constant 32 : i32
    %dma_wait3A = arith.constant 4 : i32
    %dma_wait3A_90 = arith.constant 0 : i32
    %dma_wait3A_91 = arith.constant 159 : i32
    %dma_wait3A_92 = arith.constant 0 : i32
    %dma_wait3A_93 = arith.constant 0 : i32
    %dma_wait3A_94 = tpu.memref_slice %arg9[%dma_wait3A, %dma_wait3A_92, %dma_wait3A_93] : memref<5x128x64xbf16, #tpu.memory_space<vmem>> -> memref<1x128x64xbf16, #tpu.memory_space<vmem>>
    %dma_wait3A_95 = tpu.memref_squeeze %dma_wait3A_94 : memref<1x128x64xbf16, #tpu.memory_space<vmem>> -> memref<128x64xbf16, #tpu.memory_space<vmem>>
    %dma_wait3A_96 = arith.constant 0 : i32
    %dma_wait3A_97 = tpu.memref_slice %arg8[%dma_wait3A_91, %dma_wait3A_96] : memref<160x128xi32, #tpu.memory_space<vmem>> -> memref<1x128xi32, #tpu.memory_space<vmem>>
    %dma_wait3A_98 = tpu.memref_squeeze %dma_wait3A_97 : memref<1x128xi32, #tpu.memory_space<vmem>> -> memref<128xi32, #tpu.memory_space<vmem>>
    %dma_wait3A_99 = arith.constant 0 : i32
    %dma_wait3A_100 = arith.constant 0 : i32
    %dma_wait3A_101 = tpu.memref_slice %arg11[%dma_wait3A_90, %dma_wait3A_99, %dma_wait3A_100] : memref<1x10240x64xbf16, #tpu.memory_space<vmem_shared>> -> memref<1x10240x64xbf16, #tpu.memory_space<vmem_shared>>
    %dma_wait3A_102 = tpu.memref_squeeze %dma_wait3A_101 : memref<1x10240x64xbf16, #tpu.memory_space<vmem_shared>> -> memref<10240x64xbf16, #tpu.memory_space<vmem_shared>>
    %dma_wait3A_103 = arith.constant 0 : i32
    %dma_wait3A_104 = arith.constant 0 : i32
    %dma_wait3A_105 = tpu.memref_slice %dma_wait3A_102[%dma_wait3A_103, %dma_wait3A_104] : memref<10240x64xbf16, #tpu.memory_space<vmem_shared>> -> memref<10240x64xbf16, #tpu.memory_space<vmem_shared>>
    tpu.wait_indirect_dma semaphore(%arg13 : memref<!tpu.dma_semaphore, #tpu.memory_space<semaphore_mem>>) src(%dma_wait3A_95 : memref<128x64xbf16, #tpu.memory_space<vmem>>) dst(%dma_wait3A_105 : memref<10240x64xbf16, #tpu.memory_space<vmem_shared>>)
    %barrier3A_106 = arith.constant 0 : index
    tpu.barrier barrier_id(%barrier3A_106)
    %mul3A_107 = arith.constant 640 : i32
    %mul3A_108 = arith.muli %arg1, %mul3A_107 : i32
    %mul3A_109 = arith.constant 640 : i32
    %mul3A_110 = arith.muli %arg1, %mul3A_109 : i32
    %run_scoped3A_111 = arith.constant 0 : i32
    %run_scoped3A_112 = arith.constant 0 : i32
    "tpu.region"() ({
      %run_scoped3A_113 = tpu.sem_alloc : memref<!tpu.dma_semaphore, #tpu.memory_space<semaphore_mem>>
      %dma_start3A_114 = arith.constant 0 : i32
      %dma_start3A_115 = tpu.memref_slice %arg6[%arg0, %run_scoped3A_112, %mul3A_110, %dma_start3A_114] : memref<2x1x10240x64xbf16, #tpu.memory_space<hbm>> -> memref<1x1x640x64xbf16, #tpu.memory_space<hbm>>
      %dma_start3A_116 = tpu.memref_squeeze %dma_start3A_115 : memref<1x1x640x64xbf16, #tpu.memory_space<hbm>> -> memref<640x64xbf16, #tpu.memory_space<hbm>>
      %dma_start3A_117 = arith.constant 0 : i32
      %dma_start3A_118 = tpu.memref_slice %arg11[%run_scoped3A_111, %mul3A_108, %dma_start3A_117] : memref<1x10240x64xbf16, #tpu.memory_space<vmem_shared>> -> memref<1x640x64xbf16, #tpu.memory_space<vmem_shared>>
      %dma_start3A_119 = tpu.memref_squeeze %dma_start3A_118 : memref<1x640x64xbf16, #tpu.memory_space<vmem_shared>> -> memref<640x64xbf16, #tpu.memory_space<vmem_shared>>
      tpu.enqueue_dma source(%dma_start3A_119 : memref<640x64xbf16, #tpu.memory_space<vmem_shared>>) target(%dma_start3A_116 : memref<640x64xbf16, #tpu.memory_space<hbm>>) target_semaphore(%run_scoped3A_113 : memref<!tpu.dma_semaphore, #tpu.memory_space<semaphore_mem>>)
      %dma_wait3A_120 = arith.constant 0 : i32
      %dma_wait3A_121 = tpu.memref_slice %arg6[%arg0, %run_scoped3A_112, %mul3A_110, %dma_wait3A_120] : memref<2x1x10240x64xbf16, #tpu.memory_space<hbm>> -> memref<1x1x640x64xbf16, #tpu.memory_space<hbm>>
      %dma_wait3A_122 = tpu.memref_squeeze %dma_wait3A_121 : memref<1x1x640x64xbf16, #tpu.memory_space<hbm>> -> memref<640x64xbf16, #tpu.memory_space<hbm>>
      %dma_wait3A_123 = arith.constant 0 : i32
      %dma_wait3A_124 = tpu.memref_slice %arg11[%run_scoped3A_111, %mul3A_108, %dma_wait3A_123] : memref<1x10240x64xbf16, #tpu.memory_space<vmem_shared>> -> memref<1x640x64xbf16, #tpu.memory_space<vmem_shared>>
      %dma_wait3A_125 = tpu.memref_squeeze %dma_wait3A_124 : memref<1x640x64xbf16, #tpu.memory_space<vmem_shared>> -> memref<640x64xbf16, #tpu.memory_space<vmem_shared>>
      tpu.wait_dma2 semaphore(%run_scoped3A_113 : memref<!tpu.dma_semaphore, #tpu.memory_space<semaphore_mem>>) src(%dma_wait3A_125 : memref<640x64xbf16, #tpu.memory_space<vmem_shared>>) dst(%dma_wait3A_122 : memref<640x64xbf16, #tpu.memory_space<hbm>>)
      tpu.yield
    }) : () -> ()
    return
  }
}

module attributes {stable_mosaic.version = 14 : i64} {
  func.func @_tc1_body(%arg0: i32, %arg1: memref<2x1000x16xf32, #tpu.memory_space<vmem>>, %arg2: memref<1000x128xf32, #tpu.memory_space<vmem>>, %arg3: memref<128x128xf32, #tpu.memory_space<vmem>>, %arg4: memref<2x1000x64xf32, #tpu.memory_space<vmem>>) attributes {dimension_semantics = [#tpu.dimension_semantics<arbitrary>], iteration_bounds = array<i64: 10>, scalar_prefetch = 0 : i64, scratch_operands = 0 : i64, tpu.core_type = #tpu.core_type<tc>, window_params = [{transform_indices = @transform_0, window_bounds = array<i64: 2, 1000, 16>}, {transform_indices = @transform_1, window_bounds = array<i64: 1000, 128>}, {pipeline_mode = #tpu.pipeline_mode<synchronous>, transform_indices = @transform_2, window_bounds = array<i64: 128, 128>}, {transform_indices = @transform_3, window_bounds = array<i64: 2, 1000, 64>}]} {
    %get3A = arith.constant 0 : index
    %get3A_0 = arith.constant 0 : index
    %get3A_1 = arith.constant 0 : index
    %get3A_2 = vector.load %arg1[%get3A, %get3A_0, %get3A_1] : memref<2x1000x16xf32, #tpu.memory_space<vmem>>, vector<2x1000x16xf32>
    %reduce_sum3A = arith.constant dense<0.000000e+00> : vector<2x1000xf32>
    %reduce_sum3A_3 = vector.multi_reduction <add>, %get3A_2, %reduce_sum3A [2] : vector<2x1000x16xf32> to vector<2x1000xf32>
    %mul3A = arith.constant 6.250000e-02 : f32
    %mul3A_4 = vector.broadcast %mul3A : f32 to vector<2x1000xf32>
    %mul3A_5 = arith.mulf %reduce_sum3A_3, %mul3A_4 : vector<2x1000xf32>
    %slice3A = vector.extract_strided_slice %mul3A_5 {offsets = [0, 0], sizes = [1, 1000], strides = [1, 1]} : vector<2x1000xf32> to vector<1x1000xf32>
    %squeeze3A = vector.shape_cast %slice3A : vector<1x1000xf32> to vector<1000xf32>
    %slice3A_6 = vector.extract_strided_slice %mul3A_5 {offsets = [1, 0], sizes = [1, 1000], strides = [1, 1]} : vector<2x1000xf32> to vector<1x1000xf32>
    %squeeze3A_7 = vector.shape_cast %slice3A_6 : vector<1x1000xf32> to vector<1000xf32>
    %add3A = arith.addf %squeeze3A, %squeeze3A_7 : vector<1000xf32>
    %add3A_8 = arith.constant 1.000000e+00 : f32
    %add3A_9 = vector.broadcast %add3A_8 : f32 to vector<1000xf32>
    %add3A_10 = arith.addf %add3A, %add3A_9 : vector<1000xf32>
    %rsqrt3A = math.rsqrt %add3A_10 : vector<1000xf32>
    %get3A_11 = arith.constant 0 : index
    %get3A_12 = arith.constant 0 : index
    %get3A_13 = vector.load %arg2[%get3A_11, %get3A_12] : memref<1000x128xf32, #tpu.memory_space<vmem>>, vector<1000x128xf32>
    %get3A_14 = arith.constant 0 : index
    %get3A_15 = arith.constant 0 : index
    %get3A_16 = vector.load %arg3[%get3A_14, %get3A_15] : memref<128x128xf32, #tpu.memory_space<vmem>>, vector<128x128xf32>
    %dot_general3A = arith.constant dense<0.000000e+00> : vector<1000x128xf32>
    %dot_general3A_17 = tpu.matmul %get3A_13, %get3A_16, %dot_general3A {dimension_numbers = #tpu.dot_dimension_numbers<[1], [0], [0], [1], [0, 0, 1, 1], [], []>, transpose_lhs_hint = false} : vector<1000x128xf32>, vector<128x128xf32>, vector<1000x128xf32> -> vector<1000x128xf32>
    %broadcast_in_dim3A = vector.shape_cast %rsqrt3A : vector<1000xf32> to vector<1000x1xf32>
    %mul3A_18 = vector.broadcast %broadcast_in_dim3A : vector<1000x1xf32> to vector<1000x128xf32>
    %mul3A_19 = arith.mulf %dot_general3A_17, %mul3A_18 : vector<1000x128xf32>
    %slice3A_20 = vector.extract_strided_slice %mul3A_19 {offsets = [0, 0], sizes = [1000, 64], strides = [1, 1]} : vector<1000x128xf32> to vector<1000x64xf32>
    %slice3A_21 = vector.extract_strided_slice %mul3A_19 {offsets = [0, 64], sizes = [1000, 64], strides = [1, 1]} : vector<1000x128xf32> to vector<1000x64xf32>
    %stack3A = vector.shape_cast %slice3A_20 : vector<1000x64xf32> to vector<1x1000x64xf32>
    %stack3A_22 = vector.shape_cast %slice3A_21 : vector<1000x64xf32> to vector<1x1000x64xf32>
    %stack3A_23 = tpu.concatenate %stack3A, %stack3A_22 in 0 : vector<1x1000x64xf32>, vector<1x1000x64xf32> -> vector<2x1000x64xf32>
    %swap3A = arith.constant 0 : index
    %swap3A_24 = arith.constant 0 : index
    %swap3A_25 = arith.constant 0 : index
    %swap3A_26 = vector.load %arg4[%swap3A, %swap3A_24, %swap3A_25] : memref<2x1000x64xf32, #tpu.memory_space<vmem>>, vector<2x1000x64xf32>
    tpu.vector_store %arg4[%swap3A, %swap3A_24, %swap3A_25], %stack3A_23 {strides = array<i32>} : memref<2x1000x64xf32, #tpu.memory_space<vmem>>, vector<2x1000x64xf32>,
    return
  }
  func.func @transform_0(%arg0: i32) -> (i32, i32, i32) {
    %c0_i32 = arith.constant 0 : i32
    %c0_i32_0 = arith.constant 0 : i32
    %c0_i32_1 = arith.constant 0 : i32
    return %c0_i32, %arg0, %c0_i32_0 : i32, i32, i32
  }
  func.func @transform_1(%arg0: i32) -> (i32, i32) {
    %c0_i32 = arith.constant 0 : i32
    %c0_i32_0 = arith.constant 0 : i32
    return %arg0, %c0_i32 : i32, i32
  }
  func.func @transform_2(%arg0: i32) -> (i32, i32) {
    %c0_i32 = arith.constant 0 : i32
    %c0_i32_0 = arith.constant 0 : i32
    %c0_i32_1 = arith.constant 0 : i32
    return %c0_i32, %c0_i32_0 : i32, i32
  }
  func.func @transform_3(%arg0: i32) -> (i32, i32, i32) {
    %c0_i32 = arith.constant 0 : i32
    %c0_i32_0 = arith.constant 0 : i32
    %c0_i32_1 = arith.constant 0 : i32
    return %c0_i32, %arg0, %c0_i32_0 : i32, i32, i32
  }
}

module attributes {stable_mosaic.version = 14 : i64} {
  func.func @_tc2_body(%arg0: i32, %arg1: memref<2x1000x16xf32, #tpu.memory_space<vmem>>, %arg2: memref<2x1x1000x64xbf16, #tpu.memory_space<vmem>>, %arg3: memref<2x1000x64xf32, #tpu.memory_space<vmem>>, %arg4: memref<128xf32, #tpu.memory_space<vmem>>, %arg5: memref<128x128xf32, #tpu.memory_space<vmem>>, %arg6: memref<2x1000x64xf32, #tpu.memory_space<vmem>>) attributes {dimension_semantics = [#tpu.dimension_semantics<arbitrary>], iteration_bounds = array<i64: 10>, scalar_prefetch = 0 : i64, scratch_operands = 0 : i64, tpu.core_type = #tpu.core_type<tc>, window_params = [{transform_indices = @transform_0, window_bounds = array<i64: 2, 1000, 16>}, {transform_indices = @transform_1, window_bounds = array<i64: 2, 1, 1000, 64>}, {transform_indices = @transform_2, window_bounds = array<i64: 2, 1000, 64>}, {pipeline_mode = #tpu.pipeline_mode<synchronous>, transform_indices = @transform_3, window_bounds = array<i64: 128>}, {pipeline_mode = #tpu.pipeline_mode<synchronous>, transform_indices = @transform_4, window_bounds = array<i64: 128, 128>}, {transform_indices = @transform_5, window_bounds = array<i64: 2, 1000, 64>}]} {
    %get3A = arith.constant 0 : index
    %get3A_0 = arith.constant 0 : index
    %get3A_1 = arith.constant 0 : index
    %get3A_2 = vector.load %arg1[%get3A, %get3A_0, %get3A_1] : memref<2x1000x16xf32, #tpu.memory_space<vmem>>, vector<2x1000x16xf32>
    %reduce_sum3A = arith.constant dense<0.000000e+00> : vector<2x1000xf32>
    %reduce_sum3A_3 = vector.multi_reduction <add>, %get3A_2, %reduce_sum3A [2] : vector<2x1000x16xf32> to vector<2x1000xf32>
    %mul3A = arith.constant 6.250000e-02 : f32
    %mul3A_4 = vector.broadcast %mul3A : f32 to vector<2x1000xf32>
    %mul3A_5 = arith.mulf %reduce_sum3A_3, %mul3A_4 : vector<2x1000xf32>
    %slice3A = vector.extract_strided_slice %mul3A_5 {offsets = [0, 0], sizes = [1, 1000], strides = [1, 1]} : vector<2x1000xf32> to vector<1x1000xf32>
    %squeeze3A = vector.shape_cast %slice3A : vector<1x1000xf32> to vector<1000xf32>
    %slice3A_6 = vector.extract_strided_slice %mul3A_5 {offsets = [1, 0], sizes = [1, 1000], strides = [1, 1]} : vector<2x1000xf32> to vector<1x1000xf32>
    %squeeze3A_7 = vector.shape_cast %slice3A_6 : vector<1x1000xf32> to vector<1000xf32>
    %add3A = arith.addf %squeeze3A, %squeeze3A_7 : vector<1000xf32>
    %add3A_8 = arith.constant 1.000000e+00 : f32
    %add3A_9 = vector.broadcast %add3A_8 : f32 to vector<1000xf32>
    %add3A_10 = arith.addf %add3A, %add3A_9 : vector<1000xf32>
    %rsqrt3A = math.rsqrt %add3A_10 : vector<1000xf32>
    %get3A_11 = arith.constant 0 : index
    %get3A_12 = arith.constant 0 : index
    %get3A_13 = arith.constant 0 : index
    %get3A_14 = arith.constant 0 : index
    %get3A_15 = vector.load %arg2[%get3A_11, %get3A_12, %get3A_13, %get3A_14] : memref<2x1x1000x64xbf16, #tpu.memory_space<vmem>>, vector<2x1x1000x64xbf16>
    %convert_element_type3A = arith.extf %get3A_15 : vector<2x1x1000x64xbf16> to vector<2x1x1000x64xf32>
    %reduce_sum3A_16 = arith.constant dense<0.000000e+00> : vector<2x1000x64xf32>
    %reduce_sum3A_17 = vector.multi_reduction <add>, %convert_element_type3A, %reduce_sum3A_16 [1] : vector<2x1x1000x64xf32> to vector<2x1000x64xf32>
    %slice3A_18 = vector.extract_strided_slice %reduce_sum3A_17 {offsets = [0, 0, 0], sizes = [1, 1000, 64], strides = [1, 1, 1]} : vector<2x1000x64xf32> to vector<1x1000x64xf32>
    %squeeze3A_19 = vector.shape_cast %slice3A_18 : vector<1x1000x64xf32> to vector<1000x64xf32>
    %slice3A_20 = vector.extract_strided_slice %reduce_sum3A_17 {offsets = [1, 0, 0], sizes = [1, 1000, 64], strides = [1, 1, 1]} : vector<2x1000x64xf32> to vector<1x1000x64xf32>
    %squeeze3A_21 = vector.shape_cast %slice3A_20 : vector<1x1000x64xf32> to vector<1000x64xf32>
    %concatenate3A = tpu.concatenate %squeeze3A_19, %squeeze3A_21 in 1 : vector<1000x64xf32>, vector<1000x64xf32> -> vector<1000x128xf32>
    %get3A_22 = arith.constant 0 : index
    %get3A_23 = arith.constant 0 : index
    %get3A_24 = arith.constant 0 : index
    %get3A_25 = vector.load %arg3[%get3A_22, %get3A_23, %get3A_24] : memref<2x1000x64xf32, #tpu.memory_space<vmem>>, vector<1x1000x64xf32>
    %get3A_26 = vector.shape_cast %get3A_25 : vector<1x1000x64xf32> to vector<1000x64xf32>
    %get3A_27 = arith.constant 1 : index
    %get3A_28 = arith.constant 0 : index
    %get3A_29 = arith.constant 0 : index
    %get3A_30 = vector.load %arg3[%get3A_27, %get3A_28, %get3A_29] : memref<2x1000x64xf32, #tpu.memory_space<vmem>>, vector<1x1000x64xf32>
    %get3A_31 = vector.shape_cast %get3A_30 : vector<1x1000x64xf32> to vector<1000x64xf32>
    %concatenate3A_32 = tpu.concatenate %get3A_26, %get3A_31 in 1 : vector<1000x64xf32>, vector<1000x64xf32> -> vector<1000x128xf32>
    %add3A_33 = arith.addf %concatenate3A, %concatenate3A_32 : vector<1000x128xf32>
    %broadcast_in_dim3A = vector.shape_cast %rsqrt3A : vector<1000xf32> to vector<1000x1xf32>
    %mul3A_34 = vector.broadcast %broadcast_in_dim3A : vector<1000x1xf32> to vector<1000x128xf32>
    %mul3A_35 = arith.mulf %add3A_33, %mul3A_34 : vector<1000x128xf32>
    %get3A_36 = arith.constant 0 : index
    %get3A_37 = vector.load %arg4[%get3A_36] : memref<128xf32, #tpu.memory_space<vmem>>, vector<128xf32>
    %broadcast_in_dim3A_38 = vector.shape_cast %get3A_37 : vector<128xf32> to vector<1x128xf32>
    %add3A_39 = vector.broadcast %broadcast_in_dim3A_38 : vector<1x128xf32> to vector<1000x128xf32>
    %add3A_40 = arith.addf %mul3A_35, %add3A_39 : vector<1000x128xf32>
    %get3A_41 = arith.constant 0 : index
    %get3A_42 = arith.constant 0 : index
    %get3A_43 = vector.load %arg5[%get3A_41, %get3A_42] : memref<128x128xf32, #tpu.memory_space<vmem>>, vector<128x128xf32>
    %dot_general3A = arith.constant dense<0.000000e+00> : vector<1000x128xf32>
    %dot_general3A_44 = tpu.matmul %add3A_40, %get3A_43, %dot_general3A {dimension_numbers = #tpu.dot_dimension_numbers<[1], [0], [0], [1], [0, 0, 1, 1], [], []>, transpose_lhs_hint = false} : vector<1000x128xf32>, vector<128x128xf32>, vector<1000x128xf32> -> vector<1000x128xf32>
    %broadcast_in_dim3A_45 = vector.shape_cast %rsqrt3A : vector<1000xf32> to vector<1000x1xf32>
    %mul3A_46 = vector.broadcast %broadcast_in_dim3A_45 : vector<1000x1xf32> to vector<1000x128xf32>
    %mul3A_47 = arith.mulf %dot_general3A_44, %mul3A_46 : vector<1000x128xf32>
    %slice3A_48 = vector.extract_strided_slice %mul3A_47 {offsets = [0, 0], sizes = [1000, 64], strides = [1, 1]} : vector<1000x128xf32> to vector<1000x64xf32>
    %slice3A_49 = vector.extract_strided_slice %mul3A_47 {offsets = [0, 64], sizes = [1000, 64], strides = [1, 1]} : vector<1000x128xf32> to vector<1000x64xf32>
    %stack3A = vector.shape_cast %slice3A_48 : vector<1000x64xf32> to vector<1x1000x64xf32>
    %stack3A_50 = vector.shape_cast %slice3A_49 : vector<1000x64xf32> to vector<1x1000x64xf32>
    %stack3A_51 = tpu.concatenate %stack3A, %stack3A_50 in 0 : vector<1x1000x64xf32>, vector<1x1000x64xf32> -> vector<2x1000x64xf32>
    %swap3A = arith.constant 0 : index
    %swap3A_52 = arith.constant 0 : index
    %swap3A_53 = arith.constant 0 : index
    %swap3A_54 = vector.load %arg6[%swap3A, %swap3A_52, %swap3A_53] : memref<2x1000x64xf32, #tpu.memory_space<vmem>>, vector<2x1000x64xf32>
    tpu.vector_store %arg6[%swap3A, %swap3A_52, %swap3A_53], %stack3A_51 {strides = array<i32>} : memref<2x1000x64xf32, #tpu.memory_space<vmem>>, vector<2x1000x64xf32>,
    return
  }
  func.func @transform_0(%arg0: i32) -> (i32, i32, i32) {
    %c0_i32 = arith.constant 0 : i32
    %c0_i32_0 = arith.constant 0 : i32
    %c0_i32_1 = arith.constant 0 : i32
    return %c0_i32, %arg0, %c0_i32_0 : i32, i32, i32
  }
  func.func @transform_1(%arg0: i32) -> (i32, i32, i32, i32) {
    %c0_i32 = arith.constant 0 : i32
    %c0_i32_0 = arith.constant 0 : i32
    %c0_i32_1 = arith.constant 0 : i32
    %c0_i32_2 = arith.constant 0 : i32
    return %c0_i32, %c0_i32_0, %arg0, %c0_i32_1 : i32, i32, i32, i32
  }
  func.func @transform_2(%arg0: i32) -> (i32, i32, i32) {
    %c0_i32 = arith.constant 0 : i32
    %c0_i32_0 = arith.constant 0 : i32
    %c0_i32_1 = arith.constant 0 : i32
    return %c0_i32, %arg0, %c0_i32_0 : i32, i32, i32
  }
  func.func @transform_3(%arg0: i32) -> i32 {
    %c0_i32 = arith.constant 0 : i32
    %c0_i32_0 = arith.constant 0 : i32
    return %c0_i32 : i32
  }
  func.func @transform_4(%arg0: i32) -> (i32, i32) {
    %c0_i32 = arith.constant 0 : i32
    %c0_i32_0 = arith.constant 0 : i32
    %c0_i32_1 = arith.constant 0 : i32
    return %c0_i32, %c0_i32_0 : i32, i32
  }
  func.func @transform_5(%arg0: i32) -> (i32, i32, i32) {
    %c0_i32 = arith.constant 0 : i32
    %c0_i32_0 = arith.constant 0 : i32
    %c0_i32_1 = arith.constant 0 : i32
    return %c0_i32, %arg0, %c0_i32_0 : i32, i32, i32
  }
}

module attributes {stable_mosaic.version = 14 : i64} {
  func.func @_tc3_body(%arg0: i32, %arg1: memref<2x1000x16xf32, #tpu.memory_space<vmem>>, %arg2: memref<2x3x1000x64xbf16, #tpu.memory_space<vmem>>, %arg3: memref<2x1000x64xf32, #tpu.memory_space<vmem>>, %arg4: memref<128xf32, #tpu.memory_space<vmem>>, %arg5: memref<1000x128xf32, #tpu.memory_space<vmem>>) attributes {dimension_semantics = [#tpu.dimension_semantics<arbitrary>], iteration_bounds = array<i64: 10>, scalar_prefetch = 0 : i64, scratch_operands = 0 : i64, tpu.core_type = #tpu.core_type<tc>, window_params = [{transform_indices = @transform_0, window_bounds = array<i64: 2, 1000, 16>}, {transform_indices = @transform_1, window_bounds = array<i64: 2, 3, 1000, 64>}, {transform_indices = @transform_2, window_bounds = array<i64: 2, 1000, 64>}, {pipeline_mode = #tpu.pipeline_mode<synchronous>, transform_indices = @transform_3, window_bounds = array<i64: 128>}, {transform_indices = @transform_4, window_bounds = array<i64: 1000, 128>}]} {
    %get3A = arith.constant 0 : index
    %get3A_0 = arith.constant 0 : index
    %get3A_1 = arith.constant 0 : index
    %get3A_2 = vector.load %arg1[%get3A, %get3A_0, %get3A_1] : memref<2x1000x16xf32, #tpu.memory_space<vmem>>, vector<2x1000x16xf32>
    %reduce_sum3A = arith.constant dense<0.000000e+00> : vector<2x1000xf32>
    %reduce_sum3A_3 = vector.multi_reduction <add>, %get3A_2, %reduce_sum3A [2] : vector<2x1000x16xf32> to vector<2x1000xf32>
    %mul3A = arith.constant 6.250000e-02 : f32
    %mul3A_4 = vector.broadcast %mul3A : f32 to vector<2x1000xf32>
    %mul3A_5 = arith.mulf %reduce_sum3A_3, %mul3A_4 : vector<2x1000xf32>
    %slice3A = vector.extract_strided_slice %mul3A_5 {offsets = [0, 0], sizes = [1, 1000], strides = [1, 1]} : vector<2x1000xf32> to vector<1x1000xf32>
    %squeeze3A = vector.shape_cast %slice3A : vector<1x1000xf32> to vector<1000xf32>
    %slice3A_6 = vector.extract_strided_slice %mul3A_5 {offsets = [1, 0], sizes = [1, 1000], strides = [1, 1]} : vector<2x1000xf32> to vector<1x1000xf32>
    %squeeze3A_7 = vector.shape_cast %slice3A_6 : vector<1x1000xf32> to vector<1000xf32>
    %add3A = arith.addf %squeeze3A, %squeeze3A_7 : vector<1000xf32>
    %add3A_8 = arith.constant 1.000000e+00 : f32
    %add3A_9 = vector.broadcast %add3A_8 : f32 to vector<1000xf32>
    %add3A_10 = arith.addf %add3A, %add3A_9 : vector<1000xf32>
    %rsqrt3A = math.rsqrt %add3A_10 : vector<1000xf32>
    %get3A_11 = arith.constant 0 : index
    %get3A_12 = arith.constant 0 : index
    %get3A_13 = arith.constant 0 : index
    %get3A_14 = arith.constant 0 : index
    %get3A_15 = vector.load %arg2[%get3A_11, %get3A_12, %get3A_13, %get3A_14] : memref<2x3x1000x64xbf16, #tpu.memory_space<vmem>>, vector<2x3x1000x64xbf16>
    %convert_element_type3A = arith.extf %get3A_15 : vector<2x3x1000x64xbf16> to vector<2x3x1000x64xf32>
    %reduce_sum3A_16 = arith.constant dense<0.000000e+00> : vector<2x1000x64xf32>
    %reduce_sum3A_17 = vector.multi_reduction <add>, %convert_element_type3A, %reduce_sum3A_16 [1] : vector<2x3x1000x64xf32> to vector<2x1000x64xf32>
    %slice3A_18 = vector.extract_strided_slice %reduce_sum3A_17 {offsets = [0, 0, 0], sizes = [1, 1000, 64], strides = [1, 1, 1]} : vector<2x1000x64xf32> to vector<1x1000x64xf32>
    %squeeze3A_19 = vector.shape_cast %slice3A_18 : vector<1x1000x64xf32> to vector<1000x64xf32>
    %slice3A_20 = vector.extract_strided_slice %reduce_sum3A_17 {offsets = [1, 0, 0], sizes = [1, 1000, 64], strides = [1, 1, 1]} : vector<2x1000x64xf32> to vector<1x1000x64xf32>
    %squeeze3A_21 = vector.shape_cast %slice3A_20 : vector<1x1000x64xf32> to vector<1000x64xf32>
    %concatenate3A = tpu.concatenate %squeeze3A_19, %squeeze3A_21 in 1 : vector<1000x64xf32>, vector<1000x64xf32> -> vector<1000x128xf32>
    %get3A_22 = arith.constant 0 : index
    %get3A_23 = arith.constant 0 : index
    %get3A_24 = arith.constant 0 : index
    %get3A_25 = vector.load %arg3[%get3A_22, %get3A_23, %get3A_24] : memref<2x1000x64xf32, #tpu.memory_space<vmem>>, vector<1x1000x64xf32>
    %get3A_26 = vector.shape_cast %get3A_25 : vector<1x1000x64xf32> to vector<1000x64xf32>
    %get3A_27 = arith.constant 1 : index
    %get3A_28 = arith.constant 0 : index
    %get3A_29 = arith.constant 0 : index
    %get3A_30 = vector.load %arg3[%get3A_27, %get3A_28, %get3A_29] : memref<2x1000x64xf32, #tpu.memory_space<vmem>>, vector<1x1000x64xf32>
    %get3A_31 = vector.shape_cast %get3A_30 : vector<1x1000x64xf32> to vector<1000x64xf32>
    %concatenate3A_32 = tpu.concatenate %get3A_26, %get3A_31 in 1 : vector<1000x64xf32>, vector<1000x64xf32> -> vector<1000x128xf32>
    %add3A_33 = arith.addf %concatenate3A, %concatenate3A_32 : vector<1000x128xf32>
    %broadcast_in_dim3A = vector.shape_cast %rsqrt3A : vector<1000xf32> to vector<1000x1xf32>
    %mul3A_34 = vector.broadcast %broadcast_in_dim3A : vector<1000x1xf32> to vector<1000x128xf32>
    %mul3A_35 = arith.mulf %add3A_33, %mul3A_34 : vector<1000x128xf32>
    %get3A_36 = arith.constant 0 : index
    %get3A_37 = vector.load %arg4[%get3A_36] : memref<128xf32, #tpu.memory_space<vmem>>, vector<128xf32>
    %broadcast_in_dim3A_38 = vector.shape_cast %get3A_37 : vector<128xf32> to vector<1x128xf32>
    %add3A_39 = vector.broadcast %broadcast_in_dim3A_38 : vector<1x128xf32> to vector<1000x128xf32>
    %add3A_40 = arith.addf %mul3A_35, %add3A_39 : vector<1000x128xf32>
    %tanh3A = math.tanh %add3A_40 : vector<1000x128xf32>
    %swap3A = arith.constant 0 : index
    %swap3A_41 = arith.constant 0 : index
    %swap3A_42 = vector.load %arg5[%swap3A, %swap3A_41] : memref<1000x128xf32, #tpu.memory_space<vmem>>, vector<1000x128xf32>
    tpu.vector_store %arg5[%swap3A, %swap3A_41], %tanh3A {strides = array<i32>} : memref<1000x128xf32, #tpu.memory_space<vmem>>, vector<1000x128xf32>,
    return
  }
  func.func @transform_0(%arg0: i32) -> (i32, i32, i32) {
    %c0_i32 = arith.constant 0 : i32
    %c0_i32_0 = arith.constant 0 : i32
    %c0_i32_1 = arith.constant 0 : i32
    return %c0_i32, %arg0, %c0_i32_0 : i32, i32, i32
  }
  func.func @transform_1(%arg0: i32) -> (i32, i32, i32, i32) {
    %c0_i32 = arith.constant 0 : i32
    %c0_i32_0 = arith.constant 0 : i32
    %c0_i32_1 = arith.constant 0 : i32
    %c0_i32_2 = arith.constant 0 : i32
    return %c0_i32, %c0_i32_0, %arg0, %c0_i32_1 : i32, i32, i32, i32
  }
  func.func @transform_2(%arg0: i32) -> (i32, i32, i32) {
    %c0_i32 = arith.constant 0 : i32
    %c0_i32_0 = arith.constant 0 : i32
    %c0_i32_1 = arith.constant 0 : i32
    return %c0_i32, %arg0, %c0_i32_0 : i32, i32, i32
  }
  func.func @transform_3(%arg0: i32) -> i32 {
    %c0_i32 = arith.constant 0 : i32
    %c0_i32_0 = arith.constant 0 : i32
    return %c0_i32 : i32
  }
  func.func @transform_4(%arg0: i32) -> (i32, i32) {
    %c0_i32 = arith.constant 0 : i32
    %c0_i32_0 = arith.constant 0 : i32
    return %arg0, %c0_i32 : i32, i32
  }
}

</mosaic_0001>

<sc_bundles>
// kernel: kernel.11.cloned.1.call-start
scs
__scs_entry_jumppad:
0x0: {  	(pc) =	sbr.rel $0x88, $3  }
0x1: {  	(tag) =	ssettag $0x0;
	lr =	simm.s32 $0x1  }
0x2: {  	[smem:$0x3F9B] =	sst lr;
	_ =	strace $0xD0000000  }
0x3: {  	_ = 	snop  }
0x4: {  	_ = 	snop  }
0x5: {  	_ = 	snop  }
0x6: {  	_ = 	snop  }
0x7: {  	_ = 	snop  }
__scs_overlays_trampoline_lowered:
0x8: {  	[smem:$0x3FAA] =	sst s0  }
0x9: {  	[smem:$0x3FAB] =	sst s1  }
0xa: {  	[smem:$0x3FAC] =	sst s2  }
0xb: {  	[smem:$0x3FAD] =	sst s3  }
0xc: {  	[smem:$0x3FAE] =	sst s4  }
0xd: {  	[smem:$0x3FAF] =	sst s5  }
0xe: {  	[smem:$0x3FB0] =	sst s6  }
0xf: {  	[smem:$0x3FB1] =	sst s7  }
0x10: {  	[smem:$0x3FB2] =	sst s8  }
0x11: {  	[smem:$0x3FB3] =	sst s9;
	s0 =	simm.s32 @!p0 $0x0  }
0x12: {  	s1 =	sld [smem:$0x3F99];
	s0 =	simm.s32 @p0 $0x1  }
0x13: {  	[smem:$0x3FB4] =	sst s0;
	s0 =	simm.s32 @!p1 $0x0  }
0x14: {  	s2 =	sld [smem:$0x3F98];
	s0 =	simm.s32 @p1 $0x1  }
0x15: {  	[smem:$0x3FB5] =	sst s0;
	s0 =	simm.s32 @!p2 $0x0  }
0x16: {  	s3 =	sld [smem:$0x3FDB];
	s0 =	simm.s32 @p2 $0x1  }
0x17: {  	s4 =	simm.s32 $0x1BF5;
	[smem:$0x3FB7] =	sst s0  }
0x18: {  	s0 =	sld [smem:$0x3F9A];
	_ =	swait.ge [sflag:s4], $0x0  }
0x19: {  	s7 =	sld [smem:$0x3F9B]  }
0x1a: {  	s8 =	sadd.s32 $0xFFFFE003, lr  }
0x1b: {  	s9 =	sadd.s32 $0xFFFFFEF7, lr;
	s5 =	simm.s32 $0xFFFFFFFF;
	p2 =	slt.u32 s8, $0xFFFFF086  }
0x1c: {  	p1 =	slt.u32 s9, $0xF7A;
	s5 =	simm.s32 @!p2 $0x0  }
0x1d: {  	s5 =	simm.s32 @p1 $0x1;
	p0 =	seq.s32 s7, s2  }
0x1e: {  	s7 =	smul.u32 @!p0 $0xF7A, s2;
	p2 =	seq.s32 @!p0 s5, $0x0  }
0x1f: {  	s9 =	smul.u32 $0xF7A, s1;
	s8 =	simm.s32 @!p0 $0x1BF5;
	p2 =	por !p2, p0  }
0x20: {  	[sflag:s8] =	ssyncset.s32 @!p0 $0xFFFFF086;
	s6 =	sadd.s32 @!p0 s3, s7;
	s7 =	simm.s32 @!p0 $0x108  }
0x21: {  	s3 =	sadd.s32 s3, s9;
	s6 =	sadd.s32 @!p0 $0x88, s6;
	s7 =	simm.s32 @p2 $0x1082  }
0x22: {  	[simem:s7], [sflag:s8] =	dma.local @!p0 [hbm:s6], $0xF7A  }
0x23: {  	s9 =	sor.u32 $0xD0000000, s2;
	s6 =	simm.s32 $0x108;
	_ =	swait.ge @!p0 [sflag:s8], $0x0  }
0x24: {  	s3 =	sadd.s32 $0x88, s3;
	s6 =	simm.s32 @!p1 $0x1082;
	[sflag:s4] =	ssyncset.s32 $0xFFFFF086  }
0x25: {  	[simem:s6], [sflag:s4] =	dma.local [hbm:s3], $0xF7A  }
0x26: {  	[smem:$0x3F9B] =	sst s1;
	(tag) =	ssettag s2;
	_ =	strace s9  }
0x27: {  	s1 =	sld [smem:$0x3FAB]  }
0x28: {  	s2 =	sld [smem:$0x3FAC]  }
0x29: {  	s4 =	sld [smem:$0x3FAE]  }
0x2a: {  	p0 =	seq.s32 s5, $0x0;
	s5 =	sld [smem:$0x3FAF]  }
0x2b: {  	s6 =	sld [smem:$0x3FB0]  }
0x2c: {  	s7 =	sld [smem:$0x3FB1]  }
0x2d: {  	s3 =	simm.s32 $0x108;
	s8 =	sld [smem:$0x3FB2]  }
0x2e: {  	s3 =	simm.s32 @!p0 $0x1082;
	s9 =	sld [smem:$0x3FB3]  }
0x2f: {  	lr =	sadd.s32 s0, s3;
	s0 =	sld [smem:$0x3FAA]  }
0x30: {  	s3 =	sld [smem:$0x3FAD]  }
0x31: {  	[smem:$0x3FB6] =	sst s10  }
0x32: {  	s10 =	sld [smem:$0x3FB4];
	_ =	sdelay $0x3  }
0x33: {  	p0 =	seq.s32 s10, $0x1;
	s10 =	sld [smem:$0x3FB6];
	_ =	sdelay $0x3  }
0x34: {  	[smem:$0x3FB6] =	sst s10  }
0x35: {  	s10 =	sld [smem:$0x3FB5];
	_ =	sdelay $0x3  }
0x36: {  	p1 =	seq.s32 s10, $0x1;
	s10 =	sld [smem:$0x3FB6];
	_ =	sdelay $0x3  }
0x37: {  	[smem:$0x3FB6] =	sst s10  }
0x38: {  	s10 =	sld [smem:$0x3FB7]  }
0x39: {  	_ = 	snop;
	(pc) =	sbr.ind lr, $3  }
0x3a: {  	_ = 	snop  }
0x3b: {  	_ = 	snop  }
0x3c: {  	p2 =	seq.s32 s10, $0x1;
	s10 =	sld [smem:$0x3FB6]  }
0x3d: {  	_ =	shalt  }
0x3e: {  	_ =	shalt  }
0x3f: {  	_ =	shalt  }
0x40: {  	_ =	shalt  }
0x41: {  	_ =	shalt  }
0x42: {  	_ =	shalt  }
0x43: {  	_ =	shalt  }
0x44: {  	_ =	shalt  }
0x45: {  	_ =	shalt  }
0x46: {  	_ =	shalt  }
0x47: {  	_ =	shalt  }
0x48: {  	_ =	shalt  }
0x49: {  	_ =	shalt  }
0x4a: {  	_ =	shalt  }
0x4b: {  	_ =	shalt  }
0x4c: {  	_ =	shalt  }
0x4d: {  	_ =	shalt  }
0x4e: {  	_ =	shalt  }
0x4f: {  	_ =	shalt  }
0x50: {  	_ =	shalt  }
0x51: {  	_ =	shalt  }
0x52: {  	_ =	shalt  }
0x53: {  	_ =	shalt  }
0x54: {  	_ =	shalt  }
0x55: {  	_ =	shalt  }
0x56: {  	_ =	shalt  }
0x57: {  	_ =	shalt  }
0x58: {  	_ =	shalt  }
0x59: {  	_ =	shalt  }
0x5a: {  	_ =	shalt  }
0x5b: {  	_ =	shalt  }
0x5c: {  	_ =	shalt  }
0x5d: {  	_ =	shalt  }
0x5e: {  	_ =	shalt  }
0x5f: {  	_ =	shalt  }
0x60: {  	_ =	shalt  }
0x61: {  	_ =	shalt  }
0x62: {  	_ =	shalt  }
0x63: {  	_ =	shalt  }
0x64: {  	_ =	shalt  }
0x65: {  	_ =	shalt  }
0x66: {  	_ =	shalt  }
0x67: {  	_ =	shalt  }
0x68: {  	_ =	shalt  }
0x69: {  	_ =	shalt  }
0x6a: {  	_ =	shalt  }
0x6b: {  	_ =	shalt  }
0x6c: {  	_ =	shalt  }
0x6d: {  	_ =	shalt  }
0x6e: {  	_ =	shalt  }
0x6f: {  	_ =	shalt  }
0x70: {  	_ =	shalt  }
0x71: {  	_ =	shalt  }
0x72: {  	_ =	shalt  }
0x73: {  	_ =	shalt  }
0x74: {  	_ =	shalt  }
0x75: {  	_ =	shalt  }
0x76: {  	_ =	shalt  }
0x77: {  	_ =	shalt  }
0x78: {  	_ =	shalt  }
0x79: {  	_ =	shalt  }
0x7a: {  	_ =	shalt  }
0x7b: {  	_ =	shalt  }
0x7c: {  	_ =	shalt  }
0x7d: {  	_ =	shalt  }
0x7e: {  	_ =	shalt  }
0x7f: {  	_ =	shalt  }
0x80: {  	_ =	shalt  }
0x81: {  	_ =	shalt  }
0x82: {  	_ =	shalt  }
0x83: {  	_ =	shalt  }
0x84: {  	_ =	shalt  }
0x85: {  	_ =	shalt  }
0x86: {  	_ =	shalt  }
0x87: {  	_ =	shalt  }
.Lfunc_end0:
.L_simem_size_0:
called_computation.1_lowered:
.L_overlay_start_0:
0x88: {  	s2 =	sld [smem:$0x3FD9]  }
0x89: {  	s3 =	sld [smem:$0x3FFE];
	_ =	sdelay $0x1  }
0x8a: {  	s1 =	srdreg.scid  }
0x8b: {  	s0 =	sand.u32 $0x1, s1  }
0x8c: {  	s17 =	sshll.u32 s0, $0xA;
	s2 =	sadd.s32 s3, s2  }
0x8d: {  	s2 =	sadd.s32 s2, s17  }
0x8e: {  	[smem:$0x3FC2] =	sst s2  }
0x8f: {  	_ = 	snop  }
0x90: {  	s2 =	sld [smem:$0x3FD0];
	(tm) =	ssettm $0x1  }
0x91: {  	s18 =	sld [smem:$0x3FFB];
	_ =	sdelay $0x3  }
0x92: {  	_ =	strace s18  }
0x93: {  	s3 =	sld [smem:$0x3FFC];
	_ =	sdelay $0x3  }
0x94: {  	_ =	strace s3  }
0x95: {  	s3 =	sld [smem:$0x3FFD];
	_ =	sdelay $0x3  }
0x96: {  	_ =	strace s3  }
0x97: {  	_ =	strace $0x8FFFFFFF  }
0x98: {  	s19 =	sld [smem:$0x3FDB];
	_ =	sdelay $0x1  }
0x99: {  	s4 =	simm.s32 $_scs_section_size  }
0x9a: {  	s5 =	simm.s32 $_size__tile_overlayer_lowered;
	s6 =	simm.s32 $_tile_overlayer_lowered  }
0x9b: {  	s22 =	simm.s32 $0x1BFF;
	s21 =	sshll.u32 s6, $0x1;
	s3 =	sadd.s32 s4, s19  }
0x9c: {  	s7 =	simm.s32 $0x0;
	s20 =	sshll.u32 s5, $0x1;
	s5 =	sadd.s32 s21, s3  }
0x9d: {  	[timem:s7], [sflag:s22] =	dma.local [hbm:s5], s20  }
0x9e: {  	_ =	swait.ge [sflag:s22], s20  }
0x9f: {  	s4 =	ssub.s32 $0x0, s20;
	[sflag:s22] =	ssyncset.done $0x0  }
0xa0: {  	[sflag:s22] =	ssyncadd.s32 s4;
	_ =	sdelay $0x1  }
0xa1: {  	s23 =	simm.s32 $0x1B8B  }
0xa2: {  	_ =	swait.ge [sflag:s23], $0x1  }
0xa3: {  	[sflag:s23] =	ssyncset.done $0x0  }
0xa4: {  	s25 =	simm.s32 $0x1B8E;
	s24 =	sld [smem:$0x3FFE];
	[sflag:s23] =	ssyncadd.s32 $0xFFFFFFFF  }
0xa5: {  	s26 =	simm.s32 $execute0_lowered;
	[smem:$0x3FD2] =	sst s25  }
0xa6: {  	s5 =	sshll.u32 s26, $0x1;
	_ =	strace $0x80000049;
	[dreg:$0x1] =	wrdreg $0xFFFFFFFF  }
0xa7: {  	s28 =	simm.s32 $_size_execute0_lowered;
	s3 =	sadd.s32 s3, s5;
	[dreg:$0x0] =	wrdreg $0x0  }
0xa8: {  	s5 =	sshll.u32 s28, $0x1;
	[dreg:$0x2] =	wrdreg s3  }
0xa9: {  	[dreg:$0x3] =	wrdreg s5  }
0xaa: {  	[dreg:$0x4] =	wrdreg $0xC0  }
0xab: {  	_ =	task [dreg:s7], $0x5FFFF  }
0xac: {  	[dreg:$0x1] =	wrdreg $0xFFFFFFFF  }
0xad: {  	[dreg:$0x0] =	wrdreg $0x60  }
0xae: {  	[dreg:$0x2] =	wrdreg s24  }
0xaf: {  	[dreg:$0x3] =	wrdreg s2  }
0xb0: {  	[dreg:$0x4] =	wrdreg $0x100000  }
0xb1: {  	[dreg:$0x5] =	wrdreg $0x9  }
0xb2: {  	_ =	task.clear_ibuf [dreg:s7], $0x6FFFF;
	_ =	strace $0x90000049  }
0xb3: {  	s29 =	simm.s32 $0x9;
	_ =	strace $0x8000004B  }
0xb4: {  	_ =	swait.ge [sflag:s29], $0x1  }
0xb5: {  	[sflag:s29] =	ssyncadd.s32 $0xFFFFFFFF  }
0xb6: {  	_ =	strace $0x9000004B  }
0xb7: {  	_ =	sfence  }
0xb8: {  	s30 =	sld [smem:$0x0];
	_ =	sdelay $0x2  }
0xb9: {  	s31 =	sshll.u32 s1, $0xD;
	s1 =	sshrl.u32 s1, $0x2  }
0xba: {  	s3 =	sand.u32 $0x4000, s31;
	s1 =	sadd.s32 s1, s30  }
0xbb: {  	s0 =	sor.u32 s3, s0;
	s1 =	sshll.u32 s1, $0x11  }
0xbc: {  	s0 =	sor.u32 s1, s0  }
0xbd: {  	s0 =	sadd.s32 $0x8F2B, s0  }
0xbe: {  	[sflag:s0] =	ssyncadd.remote.s32 $0x1  }
0xbf: {  	_ =	sfence.sel $0xFFFF  }
0xc0: {  	[dreg:$0x0] =	wrdreg $0xFFFFFFFF;
	(pc) =	sbr.abs _section_cstart, $3  }
0xc1: {  	[dreg:$0x1] =	wrdreg $0xFFFFFFFF  }
0xc2: {  	_ =	task.clear_ibuf [dreg:s7], $0x2FFFF;
	_ =	strace $0x9FFFFFFF  }
0xc3: {  	(tm) =	ssettm $0x7FFFFFFF  }
tec
execute0_lowered:
.L_overlay_start_1:
0x0: {  	(tag) =	ssettag $0x1  }
0x1: {  	s0 =	rddreg [dreg:$0x0]  }
0x2: {  	s2 =	rddreg [dreg:$0x1]  }
0x3: {  	s1 =	rddreg [dreg:$0x2]  }
0x4: {  	s3 =	srdreg.scid;
	s11 =	stileid.u32;
	s15 =	simm.s32 $0x3  }
0x5: {  	s16 =	simm.s32 $0x5000;
	s17 =	simm.s32 $0x80;
	s18 =	simm.s32 $0xA000  }
0x6: {  	s19 =	simm.s32 $0xB000;
	s21 =	simm.s32 $0xC000;
	s5 =	smul.u32 $0xA00, s11  }
0x7: {  	s28 =	simm.s32 $0xE000;
	s30 =	simm.s32 $0x2;
	s10 =	smul.u32 $0xA000, s11  }
0x8: {  	s7 =	sand.u32 $0x1, s3;
	s3 =	simm.s32 $0x0;
	s11 =	smul.u32 $0x14000, s11  }
0x9: {  	s31 =	simm.s32 $0x0;
	s4 =	smul.u32 $0x9C40, s7;
	[smem:$0x7FF] =	sst s3  }
0xa: {  	s6 =	ssub.s32 $0x2, s7;
	s25 =	smul.u32 $0xA0000, s7;
	_ =	strace $0x8000004A  }
0xb: {  	s9 =	sadd.s32 s5, s0;
	s23 =	sshrl.u32 s6, $0x1;
	s26 =	sshrl.u32 s10, $0x1  }
0xc: {  	s11 =	sshrl.u32 s11, $0x2;
	s8 =	sadd.s32 s4, s0;
	s4 =	sadd.s32 $0xCA00, s0  }
0xd: {  	s24 =	ssub.s32 s6, s23;
	s5 =	sadd.s32 $0xCC00, s9;
	s6 =	sadd.s32 $0x2200, s9  }
.Ltmp0:
0xe: {  	s12 =	sadd.s32 s11, s1;
	s29 =	sadd.s32 s10, s25;
	(pc) =	sbr.rel .LBB2_1-.Ltmp0, $4  }
0xf: {  	s23 =	simm.s32 $0xD000;
	s25 =	simm.s32 $0x1;
	s7 =	sadd.s32 $0xB4E00, s8  }
0x10: {  	s8 =	sadd.s32 s26, s1;
	s9 =	sadd.s32 $0x1000, s12;
	s10 =	sadd.s32 $0x2000, s12  }
0x11: {  	s13 =	sshrl.u32 s29, $0x4;
	s11 =	sadd.s32 $0x3000, s12;
	s12 =	sadd.s32 $0x4000, s12  }
0x12: {  	s14 =	smax.u32 s24, $0x1;
	s24 =	simm.s32 $0xF000;
	s13 =	sadd.s32 s2, s13  }
.LBB2_4:
0x13: {  	_ =	swait.ge [sflag:s25], $0x1000  }
0x14: {  	[sflag:s25] =	ssyncset.done $0x0  }
0x15: {  	[sflag:s25] =	ssyncadd.s32 $0xFFFFF000  }
0x16: {  	[spmem:s1] =	stream.indirect.scatter.add.bf16 [tilespmem:s28], [sflag:$0x2], $0x20, s20, s17, $0xb8;
	[tilespmem:$0x15000] =	vst v63  }
0x17: {  	_ =	swait.ge [sflag:s30], $0x1000  }
0x18: {  	[sflag:s30] =	ssyncset.done $0x0  }
0x19: {  	[sflag:s30] =	ssyncadd.s32 $0xFFFFF000  }
0x1a: {  	s0 =	stileid.u32;
	_ =	swait.ge [sflag:s30], $0x1000  }
0x1b: {  	s2 =	sshrl.u32 s8, $0x3;
	s31 =	sadd.s32 $0x1, s31;
	[sflag:s30] =	ssyncset.done $0x0  }
0x1c: {  	s0 =	sshll.u32 s0, $0x6;
	p0 =	sne.s32 s31, s14;
	[sflag:s30] =	ssyncadd.s32 $0xFFFFF000  }
.Ltmp1:
0x1d: {  	s0 =	sor.u32 $0x1C03, s0;
	[bflag:$0x0] =	sbarrier.arrive $0xFFFF;
	(pc) =	sbr.rel @!p0 .LBB2_5-.Ltmp1, $4  }
0x1e: {  	[hbm:s13], [sflag:s0] =	dma.local [spmem:s2], $0xA00  }
0x1f: {  	_ =	swait.ge [sflag:s15], $0xA00  }
0x20: {  	[sflag:s15] =	ssyncset.done $0x0  }
0x21: {  	[sflag:s15] =	ssyncadd.s32 $0xFFFFF600  }
.LBB2_1:
0x22: {  	[tilespmem:s3], [sflag:$0x3] =	stream.linear.gather [hbm4b:s5+s3], $0x5000, $0x38;
	[tilespmem:$0x15000] =	vst v63  }
0x23: {  	_ =	swait.ge [sflag:s15], $0x5000  }
0x24: {  	[sflag:s15] =	ssyncset.done $0x0  }
0x25: {  	[sflag:s15] =	ssyncadd.s32 $0xFFFFB000  }
0x26: {  	[tilespmem:s16], [sflag:$0x3] =	stream.linear.gather [hbm4b:s6+s3], $0x5000, $0x38;
	[tilespmem:$0x15000] =	vst v63  }
0x27: {  	_ =	swait.ge [sflag:s15], $0x5000  }
0x28: {  	[sflag:s15] =	ssyncset.done $0x0  }
0x29: {  	[sflag:s15] =	ssyncadd.s32 $0xFFFFB000  }
0x2a: {  	[tilespmem:s18], [sflag:$0x1] =	stream.indirect.gather [hbm4b:s7+s17], $0x20, s3, s17, $0xb8;
	[tilespmem:$0x15000] =	vst v63  }
0x2b: {  	_ = 	snop  }
0x2c: {  	[tilespmem:s19], [sflag:$0x1] =	stream.indirect.gather [hbm4b:s7+s17], $0x20, s17, s17, $0xb8;
	[tilespmem:$0x15000] =	vst v63  }
0x2d: {  	s0 =	simm.s32 $0x100  }
0x2e: {  	[tilespmem:s21], [sflag:$0x1] =	stream.indirect.gather [hbm4b:s7+s17], $0x20, s0, s17, $0xb8;
	[tilespmem:$0x15000] =	vst v63  }
0x2f: {  	s2 =	simm.s32 $0x180  }
0x30: {  	[tilespmem:s23], [sflag:$0x1] =	stream.indirect.gather [hbm4b:s7+s17], $0x20, s2, s17, $0xb8;
	[tilespmem:$0x15000] =	vst v63  }
0x31: {  	_ = 	snop  }
0x32: {  	[tilespmem:s24], [sflag:$0x3] =	stream.linear.gather [hbm4b:s4+s3], $0x1000, $0x38;
	[tilespmem:$0x15000] =	vst v63  }
0x33: {  	_ =	swait.ge [sflag:s15], $0x1000  }
0x34: {  	[sflag:s15] =	ssyncset.done $0x0  }
0x35: {  	[sflag:s15] =	ssyncadd.s32 $0xFFFFF000  }
0x36: {  	[spmem:s8] =	stream.linear.scatter [tilespmem:s24], [sflag:$0x3], $0x1000, $0x38;
	[tilespmem:$0x15000] =	vst v63  }
0x37: {  	_ =	swait.ge [sflag:s15], $0x1000  }
0x38: {  	[sflag:s15] =	ssyncset.done $0x0  }
0x39: {  	[sflag:s15] =	ssyncadd.s32 $0xFFFFF000  }
0x3a: {  	[spmem:s9] =	stream.linear.scatter [tilespmem:s24], [sflag:$0x3], $0x1000, $0x38;
	[tilespmem:$0x15000] =	vst v63  }
0x3b: {  	_ =	swait.ge [sflag:s15], $0x1000  }
0x3c: {  	[sflag:s15] =	ssyncset.done $0x0  }
0x3d: {  	[sflag:s15] =	ssyncadd.s32 $0xFFFFF000  }
0x3e: {  	[spmem:s10] =	stream.linear.scatter [tilespmem:s24], [sflag:$0x3], $0x1000, $0x38;
	[tilespmem:$0x15000] =	vst v63  }
0x3f: {  	_ =	swait.ge [sflag:s15], $0x1000  }
0x40: {  	[sflag:s15] =	ssyncset.done $0x0  }
0x41: {  	[sflag:s15] =	ssyncadd.s32 $0xFFFFF000  }
0x42: {  	[spmem:s11] =	stream.linear.scatter [tilespmem:s24], [sflag:$0x3], $0x1000, $0x38;
	[tilespmem:$0x15000] =	vst v63  }
0x43: {  	_ =	swait.ge [sflag:s15], $0x1000  }
0x44: {  	[sflag:s15] =	ssyncset.done $0x0  }
0x45: {  	[sflag:s15] =	ssyncadd.s32 $0xFFFFF000  }
0x46: {  	[spmem:s12] =	stream.linear.scatter [tilespmem:s24], [sflag:$0x3], $0x1000, $0x38;
	[tilespmem:$0x15000] =	vst v63  }
0x47: {  	_ =	swait.ge [sflag:s15], $0x1000  }
0x48: {  	[sflag:s15] =	ssyncset.done $0x0  }
0x49: {  	[sflag:s15] =	ssyncadd.s32 $0xFFFFF000  }
0x4a: {  	[bflag:$0x0] =	sbarrier.arrive $0xFFFF  }
0x4b: {  	_ =	swait.ge [sflag:s25], $0x1000  }
0x4c: {  	[sflag:s25] =	ssyncset.done $0x0  }
0x4d: {  	[sflag:s25] =	ssyncadd.s32 $0xFFFFF000  }
0x4e: {  	[spmem:s1] =	stream.indirect.scatter.add.bf16 [tilespmem:s18], [sflag:$0x2], $0x20, s16, s17, $0xb8;
	[tilespmem:$0x15000] =	vst v63  }
0x4f: {  	s20 =	simm.s32 $0x200  }
0x50: {  	[tilespmem:s28], [sflag:$0x1] =	stream.indirect.gather [hbm4b:s7+s17], $0x20, s20, s17, $0xb8;
	[tilespmem:$0x15000] =	vst v63  }
0x51: {  	_ =	swait.ge [sflag:s25], $0x1000  }
0x52: {  	[sflag:s25] =	ssyncset.done $0x0  }
0x53: {  	s22 =	simm.s32 $0x5080;
	[sflag:s25] =	ssyncadd.s32 $0xFFFFF000  }
0x54: {  	[spmem:s1] =	stream.indirect.scatter.add.bf16 [tilespmem:s19], [sflag:$0x2], $0x20, s22, s17, $0xb8;
	[tilespmem:$0x15000] =	vst v63  }
0x55: {  	_ =	swait.ge [sflag:s30], $0x1000  }
0x56: {  	[sflag:s30] =	ssyncset.done $0x0  }
0x57: {  	s26 =	simm.s32 $0x280;
	[sflag:s30] =	ssyncadd.s32 $0xFFFFF000  }
0x58: {  	[tilespmem:s18], [sflag:$0x1] =	stream.indirect.gather [hbm4b:s7+s17], $0x20, s26, s17, $0xb8;
	[tilespmem:$0x15000] =	vst v63  }
0x59: {  	_ =	swait.ge [sflag:s25], $0x1000  }
0x5a: {  	[sflag:s25] =	ssyncset.done $0x0  }
0x5b: {  	s29 =	simm.s32 $0x5100;
	[sflag:s25] =	ssyncadd.s32 $0xFFFFF000  }
0x5c: {  	[spmem:s1] =	stream.indirect.scatter.add.bf16 [tilespmem:s21], [sflag:$0x2], $0x20, s29, s17, $0xb8;
	[tilespmem:$0x15000] =	vst v63  }
0x5d: {  	_ =	swait.ge [sflag:s30], $0x1000  }
0x5e: {  	[sflag:s30] =	ssyncset.done $0x0  }
0x5f: {  	s2 =	simm.s32 $0x300;
	[sflag:s30] =	ssyncadd.s32 $0xFFFFF000  }
0x60: {  	[tilespmem:s19], [sflag:$0x1] =	stream.indirect.gather [hbm4b:s7+s17], $0x20, s2, s17, $0xb8;
	[tilespmem:$0x15000] =	vst v63  }
0x61: {  	_ =	swait.ge [sflag:s25], $0x1000  }
0x62: {  	[sflag:s25] =	ssyncset.done $0x0  }
0x63: {  	s20 =	simm.s32 $0x5180;
	[sflag:s25] =	ssyncadd.s32 $0xFFFFF000  }
0x64: {  	[spmem:s1] =	stream.indirect.scatter.add.bf16 [tilespmem:s23], [sflag:$0x2], $0x20, s20, s17, $0xb8;
	[tilespmem:$0x15000] =	vst v63  }
0x65: {  	_ =	swait.ge [sflag:s30], $0x1000  }
0x66: {  	[sflag:s30] =	ssyncset.done $0x0  }
0x67: {  	s22 =	simm.s32 $0x380;
	[sflag:s30] =	ssyncadd.s32 $0xFFFFF000  }
0x68: {  	[tilespmem:s21], [sflag:$0x1] =	stream.indirect.gather [hbm4b:s7+s17], $0x20, s22, s17, $0xb8;
	[tilespmem:$0x15000] =	vst v63  }
0x69: {  	_ =	swait.ge [sflag:s25], $0x1000  }
0x6a: {  	[sflag:s25] =	ssyncset.done $0x0  }
0x6b: {  	s26 =	simm.s32 $0x5200;
	[sflag:s25] =	ssyncadd.s32 $0xFFFFF000  }
0x6c: {  	[spmem:s1] =	stream.indirect.scatter.add.bf16 [tilespmem:s28], [sflag:$0x2], $0x20, s26, s17, $0xb8;
	[tilespmem:$0x15000] =	vst v63  }
0x6d: {  	_ =	swait.ge [sflag:s30], $0x1000  }
0x6e: {  	[sflag:s30] =	ssyncset.done $0x0  }
0x6f: {  	s0 =	simm.s32 $0x0;
	s29 =	simm.s32 $0x400;
	[sflag:s30] =	ssyncadd.s32 $0xFFFFF000  }
0x70: {  	[tilespmem:s23], [sflag:$0x1] =	stream.indirect.gather [hbm4b:s7+s17], $0x20, s29, s17, $0xb8;
	[tilespmem:$0x15000] =	vst v63  }
.LBB2_2:
0x71: {  	_ =	swait.ge [sflag:s25], $0x1000  }
0x72: {  	s2 =	sshra.s32 s0, $0x2;
	[sflag:s25] =	ssyncset.done $0x0  }
0x73: {  	s20 =	sadd.s32 $0x5280, s2;
	[sflag:s25] =	ssyncadd.s32 $0xFFFFF000  }
0x74: {  	[spmem:s1] =	stream.indirect.scatter.add.bf16 [tilespmem:s18], [sflag:$0x2], $0x20, s20, s17, $0xb8;
	[tilespmem:$0x15000] =	vst v63  }
0x75: {  	_ =	swait.ge [sflag:s30], $0x1000  }
0x76: {  	[sflag:s30] =	ssyncset.done $0x0  }
0x77: {  	s22 =	sadd.s32 $0x480, s2;
	[sflag:s30] =	ssyncadd.s32 $0xFFFFF000  }
0x78: {  	[tilespmem:s28], [sflag:$0x1] =	stream.indirect.gather [hbm4b:s7+s17], $0x20, s22, s17, $0xb8;
	[tilespmem:$0x15000] =	vst v63  }
0x79: {  	_ =	swait.ge [sflag:s25], $0x1000  }
0x7a: {  	[sflag:s25] =	ssyncset.done $0x0  }
0x7b: {  	s26 =	sadd.s32 $0x5300, s2;
	[sflag:s25] =	ssyncadd.s32 $0xFFFFF000  }
0x7c: {  	[spmem:s1] =	stream.indirect.scatter.add.bf16 [tilespmem:s19], [sflag:$0x2], $0x20, s26, s17, $0xb8;
	[tilespmem:$0x15000] =	vst v63  }
0x7d: {  	_ =	swait.ge [sflag:s30], $0x1000  }
0x7e: {  	p0 =	seq.s32 s0, $0x12C00;
	[sflag:s30] =	ssyncset.done $0x0  }
0x7f: {  	s20 =	simm.s32 @p0 $0x1;
	[sflag:s30] =	ssyncadd.s32 $0xFFFFF000  }
0x80: {  	_ =	swait.ge @p0 [sflag:s20], $0x1000  }
0x81: {  	[sflag:s20] =	ssyncset.done @p0 $0x0  }
0x82: {  	[sflag:s20] =	ssyncadd.s32 @p0 $0xFFFFF000;
	s20 =	sshra.s32 @p0 s0, $0x2  }
0x83: {  	s22 =	simm.s32 @p0 $0x80;
	s26 =	simm.s32 @p0 $0xC000;
	s20 =	sadd.s32 @p0 $0x5380, s20  }
0x84: {  	[spmem:s1] =	stream.indirect.scatter.add.bf16 @p0 [tilespmem:s26], [sflag:$0x2], $0x20, s20, s22, $0xb8;
	[tilespmem:$0x15000] =	vst v63  }
0x85: {  	s20 =	simm.s32 @p0 $0x2  }
0x86: {  	_ =	swait.ge @p0 [sflag:s20], $0x1000  }
0x87: {  	[sflag:s20] =	ssyncset.done @p0 $0x0  }
0x88: {  	[sflag:s20] =	ssyncadd.s32 @p0 $0xFFFFF000;
	s20 =	sshra.s32 @!p0 s0, $0x2  }
0x89: {  	s29 =	simm.s32 @!p0 $0xA000;
	s26 =	simm.s32 @!p0 $0x80;
	s22 =	sadd.s32 @!p0 $0x500, s20  }
0x8a: {  	[tilespmem:s29], [sflag:$0x1] =	stream.indirect.gather @!p0 [hbm4b:s7+s26], $0x20, s22, s26, $0xb8;
	[tilespmem:$0x15000] =	vst v63  }
0x8b: {  	s22 =	simm.s32 @!p0 $0x1  }
0x8c: {  	_ =	swait.ge @!p0 [sflag:s22], $0x1000  }
0x8d: {  	[sflag:s22] =	ssyncset.done @!p0 $0x0  }
0x8e: {  	s29 =	simm.s32 @!p0 $0xC000;
	[sflag:s22] =	ssyncadd.s32 @!p0 $0xFFFFF000;
	s22 =	sadd.s32 @!p0 $0x5380, s20  }
0x8f: {  	[spmem:s1] =	stream.indirect.scatter.add.bf16 @!p0 [tilespmem:s29], [sflag:$0x2], $0x20, s22, s26, $0xb8;
	[tilespmem:$0x15000] =	vst v63  }
0x90: {  	s22 =	simm.s32 @!p0 $0x2  }
0x91: {  	_ =	swait.ge @!p0 [sflag:s22], $0x1000  }
0x92: {  	[sflag:s22] =	ssyncset.done @!p0 $0x0  }
0x93: {  	s20 =	sadd.s32 @!p0 $0x580, s20;
	[sflag:s22] =	ssyncadd.s32 @!p0 $0xFFFFF000;
	s22 =	simm.s32 @!p0 $0xB000  }
0x94: {  	[tilespmem:s22], [sflag:$0x1] =	stream.indirect.gather @!p0 [hbm4b:s7+s26], $0x20, s20, s26, $0xb8;
	[tilespmem:$0x15000] =	vst v63  }
0x95: {  	_ =	swait.ge [sflag:s25], $0x1000  }
0x96: {  	[sflag:s25] =	ssyncset.done $0x0  }
.Ltmp2:
0x97: {  	s29 =	sadd.s32 $0x5400, s2;
	[sflag:s25] =	ssyncadd.s32 $0xFFFFF000;
	(pc) =	sbr.rel @p0 .LBB2_4-.Ltmp2, $4  }
0x98: {  	[spmem:s1] =	stream.indirect.scatter.add.bf16 [tilespmem:s23], [sflag:$0x2], $0x20, s29, s17, $0xb8;
	[tilespmem:$0x15000] =	vst v63  }
0x99: {  	_ =	swait.ge [sflag:s30], $0x1000  }
0x9a: {  	[sflag:s30] =	ssyncset.done $0x0  }
0x9b: {  	s20 =	sadd.s32 $0x5480, s2;
	[sflag:s30] =	ssyncadd.s32 $0xFFFFF000  }
0x9c: {  	s22 =	sadd.s32 $0x600, s2  }
0x9d: {  	[tilespmem:s21], [sflag:$0x1] =	stream.indirect.gather [hbm4b:s7+s17], $0x20, s22, s17, $0xb8;
	[tilespmem:$0x15000] =	vst v63  }
0x9e: {  	_ =	swait.ge [sflag:s25], $0x1000  }
0x9f: {  	[sflag:s25] =	ssyncset.done $0x0  }
0xa0: {  	[sflag:s25] =	ssyncadd.s32 $0xFFFFF000  }
0xa1: {  	[spmem:s1] =	stream.indirect.scatter.add.bf16 [tilespmem:s28], [sflag:$0x2], $0x20, s20, s17, $0xb8;
	[tilespmem:$0x15000] =	vst v63  }
.Ltmp3:
0xa2: {  	_ = 	snop;
	(pc) =	sbr.rel .LBB2_2-.Ltmp3, $4  }
0xa3: {  	_ =	swait.ge [sflag:s30], $0x1000  }
0xa4: {  	[sflag:s30] =	ssyncset.done $0x0  }
0xa5: {  	s29 =	sadd.s32 $0x680, s2;
	s0 =	sadd.s32 $0xA00, s0;
	[sflag:s30] =	ssyncadd.s32 $0xFFFFF000  }
0xa6: {  	[tilespmem:s23], [sflag:$0x1] =	stream.indirect.gather [hbm4b:s7+s17], $0x20, s29, s17, $0xb8;
	[tilespmem:$0x15000] =	vst v63  }
.LBB2_5:
0xa7: {  	_ =	sfence.sel $0x180000  }
0xa8: {  	[bflag:$0x0] =	sbarrier.arrive $0xFFFF  }
0xa9: {  	_ =	strace $0x9000004A  }
0xaa: {  	s0 =	stileid.u32;
	[bflag:$0x2] =	sbarrier.arrive $0xFFFF  }
0xab: {  	p0 =	sne.s32 s0, $0x0;
	s0 =	rddreg [dreg:$0x3]  }
0xac: {  	s0 =	sadd.s32 @!p0 $0x100000, s0  }
0xad: {  	[sflag:s0] =	ssyncadd.tile.s32 @!p0 $0x1;
	_ =	shalt  }
.Lfunc_end2:
_tile_overlayer_lowered:
.L_overlay_start_2:
0xae: {  	(tag) =	ssettag $0x2  }
0xaf: {  	s0 =	rddreg [dreg:$0x0];
	s2 =	stileid.u32  }
0xb0: {  	s1 =	rddreg [dreg:$0x1];
	p0 =	sne.s32 s2, $0x0  }
0xb1: {  	s3 =	rddreg [dreg:$0x2];
	[bflag:$0x3] =	sbarrier.arrive $0xFFFF;
	s2 =	simm.s32 @!p0 $0x1C03  }
0xb2: {  	[timem:s3], [sflag:s2] =	dma.local @!p0 [hbm:s0], s1  }
0xb3: {  	s0 =	simm.s32 @!p0 $0x3  }
0xb4: {  	_ =	swait.ge @!p0 [sflag:s0], s1  }
0xb5: {  	s1 =	ssub.s32 @!p0 $0x0, s1;
	[sflag:s0] =	ssyncset.done @!p0 $0x0  }
0xb6: {  	[sflag:s0] =	ssyncadd.s32 @!p0 s1  }
0xb7: {  	[bflag:$0x3] =	sbarrier.arrive $0xFFFF  }
0xb8: {  	_ =	shalt  }

// kernel: kernel.14.cloned.1.call-start
scs
__scs_entry_jumppad:
0x0: {  	(pc) =	sbr.rel $0x88, $3  }
0x1: {  	(tag) =	ssettag $0x0;
	lr =	simm.s32 $0x1  }
0x2: {  	[smem:$0x3F9B] =	sst lr;
	_ =	strace $0xD0000000  }
0x3: {  	_ = 	snop  }
0x4: {  	_ = 	snop  }
0x5: {  	_ = 	snop  }
0x6: {  	_ = 	snop  }
0x7: {  	_ = 	snop  }
__scs_overlays_trampoline_lowered:
0x8: {  	[smem:$0x3FAA] =	sst s0  }
0x9: {  	[smem:$0x3FAB] =	sst s1  }
0xa: {  	[smem:$0x3FAC] =	sst s2  }
0xb: {  	[smem:$0x3FAD] =	sst s3  }
0xc: {  	[smem:$0x3FAE] =	sst s4  }
0xd: {  	[smem:$0x3FAF] =	sst s5  }
0xe: {  	[smem:$0x3FB0] =	sst s6  }
0xf: {  	[smem:$0x3FB1] =	sst s7  }
0x10: {  	[smem:$0x3FB2] =	sst s8  }
0x11: {  	[smem:$0x3FB3] =	sst s9;
	s0 =	simm.s32 @!p0 $0x0  }
0x12: {  	s1 =	sld [smem:$0x3F99];
	s0 =	simm.s32 @p0 $0x1  }
0x13: {  	[smem:$0x3FB4] =	sst s0;
	s0 =	simm.s32 @!p1 $0x0  }
0x14: {  	s2 =	sld [smem:$0x3F98];
	s0 =	simm.s32 @p1 $0x1  }
0x15: {  	[smem:$0x3FB5] =	sst s0;
	s0 =	simm.s32 @!p2 $0x0  }
0x16: {  	s3 =	sld [smem:$0x3FDB];
	s0 =	simm.s32 @p2 $0x1  }
0x17: {  	s4 =	simm.s32 $0x1BF5;
	[smem:$0x3FB7] =	sst s0  }
0x18: {  	s0 =	sld [smem:$0x3F9A];
	_ =	swait.ge [sflag:s4], $0x0  }
0x19: {  	s7 =	sld [smem:$0x3F9B]  }
0x1a: {  	s8 =	sadd.s32 $0xFFFFE003, lr  }
0x1b: {  	s9 =	sadd.s32 $0xFFFFFEF7, lr;
	s5 =	simm.s32 $0xFFFFFFFF;
	p2 =	slt.u32 s8, $0xFFFFF086  }
0x1c: {  	p1 =	slt.u32 s9, $0xF7A;
	s5 =	simm.s32 @!p2 $0x0  }
0x1d: {  	s5 =	simm.s32 @p1 $0x1;
	p0 =	seq.s32 s7, s2  }
0x1e: {  	s7 =	smul.u32 @!p0 $0xF7A, s2;
	p2 =	seq.s32 @!p0 s5, $0x0  }
0x1f: {  	s9 =	smul.u32 $0xF7A, s1;
	s8 =	simm.s32 @!p0 $0x1BF5;
	p2 =	por !p2, p0  }
0x20: {  	[sflag:s8] =	ssyncset.s32 @!p0 $0xFFFFF086;
	s6 =	sadd.s32 @!p0 s3, s7;
	s7 =	simm.s32 @!p0 $0x108  }
0x21: {  	s3 =	sadd.s32 s3, s9;
	s6 =	sadd.s32 @!p0 $0x88, s6;
	s7 =	simm.s32 @p2 $0x1082  }
0x22: {  	[simem:s7], [sflag:s8] =	dma.local @!p0 [hbm:s6], $0xF7A  }
0x23: {  	s9 =	sor.u32 $0xD0000000, s2;
	s6 =	simm.s32 $0x108;
	_ =	swait.ge @!p0 [sflag:s8], $0x0  }
0x24: {  	s3 =	sadd.s32 $0x88, s3;
	s6 =	simm.s32 @!p1 $0x1082;
	[sflag:s4] =	ssyncset.s32 $0xFFFFF086  }
0x25: {  	[simem:s6], [sflag:s4] =	dma.local [hbm:s3], $0xF7A  }
0x26: {  	[smem:$0x3F9B] =	sst s1;
	(tag) =	ssettag s2;
	_ =	strace s9  }
0x27: {  	s1 =	sld [smem:$0x3FAB]  }
0x28: {  	s2 =	sld [smem:$0x3FAC]  }
0x29: {  	s4 =	sld [smem:$0x3FAE]  }
0x2a: {  	p0 =	seq.s32 s5, $0x0;
	s5 =	sld [smem:$0x3FAF]  }
0x2b: {  	s6 =	sld [smem:$0x3FB0]  }
0x2c: {  	s7 =	sld [smem:$0x3FB1]  }
0x2d: {  	s3 =	simm.s32 $0x108;
	s8 =	sld [smem:$0x3FB2]  }
0x2e: {  	s3 =	simm.s32 @!p0 $0x1082;
	s9 =	sld [smem:$0x3FB3]  }
0x2f: {  	lr =	sadd.s32 s0, s3;
	s0 =	sld [smem:$0x3FAA]  }
0x30: {  	s3 =	sld [smem:$0x3FAD]  }
0x31: {  	[smem:$0x3FB6] =	sst s10  }
0x32: {  	s10 =	sld [smem:$0x3FB4];
	_ =	sdelay $0x3  }
0x33: {  	p0 =	seq.s32 s10, $0x1;
	s10 =	sld [smem:$0x3FB6];
	_ =	sdelay $0x3  }
0x34: {  	[smem:$0x3FB6] =	sst s10  }
0x35: {  	s10 =	sld [smem:$0x3FB5];
	_ =	sdelay $0x3  }
0x36: {  	p1 =	seq.s32 s10, $0x1;
	s10 =	sld [smem:$0x3FB6];
	_ =	sdelay $0x3  }
0x37: {  	[smem:$0x3FB6] =	sst s10  }
0x38: {  	s10 =	sld [smem:$0x3FB7]  }
0x39: {  	_ = 	snop;
	(pc) =	sbr.ind lr, $3  }
0x3a: {  	_ = 	snop  }
0x3b: {  	_ = 	snop  }
0x3c: {  	p2 =	seq.s32 s10, $0x1;
	s10 =	sld [smem:$0x3FB6]  }
0x3d: {  	_ =	shalt  }
0x3e: {  	_ =	shalt  }
0x3f: {  	_ =	shalt  }
0x40: {  	_ =	shalt  }
0x41: {  	_ =	shalt  }
0x42: {  	_ =	shalt  }
0x43: {  	_ =	shalt  }
0x44: {  	_ =	shalt  }
0x45: {  	_ =	shalt  }
0x46: {  	_ =	shalt  }
0x47: {  	_ =	shalt  }
0x48: {  	_ =	shalt  }
0x49: {  	_ =	shalt  }
0x4a: {  	_ =	shalt  }
0x4b: {  	_ =	shalt  }
0x4c: {  	_ =	shalt  }
0x4d: {  	_ =	shalt  }
0x4e: {  	_ =	shalt  }
0x4f: {  	_ =	shalt  }
0x50: {  	_ =	shalt  }
0x51: {  	_ =	shalt  }
0x52: {  	_ =	shalt  }
0x53: {  	_ =	shalt  }
0x54: {  	_ =	shalt  }
0x55: {  	_ =	shalt  }
0x56: {  	_ =	shalt  }
0x57: {  	_ =	shalt  }
0x58: {  	_ =	shalt  }
0x59: {  	_ =	shalt  }
0x5a: {  	_ =	shalt  }
0x5b: {  	_ =	shalt  }
0x5c: {  	_ =	shalt  }
0x5d: {  	_ =	shalt  }
0x5e: {  	_ =	shalt  }
0x5f: {  	_ =	shalt  }
0x60: {  	_ =	shalt  }
0x61: {  	_ =	shalt  }
0x62: {  	_ =	shalt  }
0x63: {  	_ =	shalt  }
0x64: {  	_ =	shalt  }
0x65: {  	_ =	shalt  }
0x66: {  	_ =	shalt  }
0x67: {  	_ =	shalt  }
0x68: {  	_ =	shalt  }
0x69: {  	_ =	shalt  }
0x6a: {  	_ =	shalt  }
0x6b: {  	_ =	shalt  }
0x6c: {  	_ =	shalt  }
0x6d: {  	_ =	shalt  }
0x6e: {  	_ =	shalt  }
0x6f: {  	_ =	shalt  }
0x70: {  	_ =	shalt  }
0x71: {  	_ =	shalt  }
0x72: {  	_ =	shalt  }
0x73: {  	_ =	shalt  }
0x74: {  	_ =	shalt  }
0x75: {  	_ =	shalt  }
0x76: {  	_ =	shalt  }
0x77: {  	_ =	shalt  }
0x78: {  	_ =	shalt  }
0x79: {  	_ =	shalt  }
0x7a: {  	_ =	shalt  }
0x7b: {  	_ =	shalt  }
0x7c: {  	_ =	shalt  }
0x7d: {  	_ =	shalt  }
0x7e: {  	_ =	shalt  }
0x7f: {  	_ =	shalt  }
0x80: {  	_ =	shalt  }
0x81: {  	_ =	shalt  }
0x82: {  	_ =	shalt  }
0x83: {  	_ =	shalt  }
0x84: {  	_ =	shalt  }
0x85: {  	_ =	shalt  }
0x86: {  	_ =	shalt  }
0x87: {  	_ =	shalt  }
.Lfunc_end0:
.L_simem_size_0:
called_computation.2_lowered:
.L_overlay_start_0:
0x88: {  	s2 =	sld [smem:$0x3FD9]  }
0x89: {  	s3 =	sld [smem:$0x3FFE];
	_ =	sdelay $0x1  }
0x8a: {  	s1 =	srdreg.scid  }
0x8b: {  	s0 =	sand.u32 $0x1, s1  }
0x8c: {  	s17 =	sshll.u32 s0, $0xA;
	s2 =	sadd.s32 s3, s2  }
0x8d: {  	s2 =	sadd.s32 s2, s17  }
0x8e: {  	[smem:$0x3FC2] =	sst s2  }
0x8f: {  	_ = 	snop  }
0x90: {  	s2 =	sld [smem:$0x3FD0];
	(tm) =	ssettm $0x1  }
0x91: {  	s18 =	sld [smem:$0x3FFB];
	_ =	sdelay $0x3  }
0x92: {  	_ =	strace s18  }
0x93: {  	s3 =	sld [smem:$0x3FFC];
	_ =	sdelay $0x3  }
0x94: {  	_ =	strace s3  }
0x95: {  	s3 =	sld [smem:$0x3FFD];
	_ =	sdelay $0x3  }
0x96: {  	_ =	strace s3  }
0x97: {  	_ =	strace $0x8FFFFFFF  }
0x98: {  	s19 =	sld [smem:$0x3FDB];
	_ =	sdelay $0x1  }
0x99: {  	s4 =	simm.s32 $_scs_section_size  }
0x9a: {  	s5 =	simm.s32 $_size__tile_overlayer_lowered;
	s6 =	simm.s32 $_tile_overlayer_lowered  }
0x9b: {  	s22 =	simm.s32 $0x1BFF;
	s21 =	sshll.u32 s6, $0x1;
	s3 =	sadd.s32 s4, s19  }
0x9c: {  	s7 =	simm.s32 $0x0;
	s20 =	sshll.u32 s5, $0x1;
	s5 =	sadd.s32 s21, s3  }
0x9d: {  	[timem:s7], [sflag:s22] =	dma.local [hbm:s5], s20  }
0x9e: {  	_ =	swait.ge [sflag:s22], s20  }
0x9f: {  	s4 =	ssub.s32 $0x0, s20;
	[sflag:s22] =	ssyncset.done $0x0  }
0xa0: {  	[sflag:s22] =	ssyncadd.s32 s4;
	_ =	sdelay $0x1  }
0xa1: {  	s23 =	simm.s32 $0x1B8B  }
0xa2: {  	_ =	swait.ge [sflag:s23], $0x1  }
0xa3: {  	[sflag:s23] =	ssyncset.done $0x0  }
0xa4: {  	s25 =	simm.s32 $0x1B8E;
	s24 =	sld [smem:$0x3FFE];
	[sflag:s23] =	ssyncadd.s32 $0xFFFFFFFF  }
0xa5: {  	s26 =	simm.s32 $execute0_lowered;
	[smem:$0x3FD2] =	sst s25  }
0xa6: {  	s5 =	sshll.u32 s26, $0x1;
	_ =	strace $0x8000004C;
	[dreg:$0x1] =	wrdreg $0xFFFFFFFF  }
0xa7: {  	s28 =	simm.s32 $_size_execute0_lowered;
	s3 =	sadd.s32 s3, s5;
	[dreg:$0x0] =	wrdreg $0x0  }
0xa8: {  	s5 =	sshll.u32 s28, $0x1;
	[dreg:$0x2] =	wrdreg s3  }
0xa9: {  	[dreg:$0x3] =	wrdreg s5  }
0xaa: {  	[dreg:$0x4] =	wrdreg $0xC0  }
0xab: {  	_ =	task [dreg:s7], $0x5FFFF  }
0xac: {  	[dreg:$0x1] =	wrdreg $0xFFFFFFFF  }
0xad: {  	[dreg:$0x0] =	wrdreg $0x60  }
0xae: {  	[dreg:$0x2] =	wrdreg s2  }
0xaf: {  	[dreg:$0x3] =	wrdreg s24  }
0xb0: {  	[dreg:$0x4] =	wrdreg $0x100000  }
0xb1: {  	[dreg:$0x5] =	wrdreg $0x9  }
0xb2: {  	_ =	task.clear_ibuf [dreg:s7], $0x6FFFF;
	_ =	strace $0x9000004C  }
0xb3: {  	s29 =	simm.s32 $0x9;
	_ =	strace $0x8000004E  }
0xb4: {  	_ =	swait.ge [sflag:s29], $0x1  }
0xb5: {  	[sflag:s29] =	ssyncadd.s32 $0xFFFFFFFF  }
0xb6: {  	_ =	strace $0x9000004E  }
0xb7: {  	_ =	sfence  }
0xb8: {  	s30 =	sld [smem:$0x0];
	_ =	sdelay $0x2  }
0xb9: {  	s31 =	sshll.u32 s1, $0xD;
	s1 =	sshrl.u32 s1, $0x2  }
0xba: {  	s3 =	sand.u32 $0x4000, s31;
	s1 =	sadd.s32 s1, s30  }
0xbb: {  	s0 =	sor.u32 s3, s0;
	s1 =	sshll.u32 s1, $0x11  }
0xbc: {  	s0 =	sor.u32 s1, s0  }
0xbd: {  	s0 =	sadd.s32 $0x8F2B, s0  }
0xbe: {  	[sflag:s0] =	ssyncadd.remote.s32 $0x1  }
0xbf: {  	_ =	sfence.sel $0xFFFF  }
0xc0: {  	[dreg:$0x0] =	wrdreg $0xFFFFFFFF;
	(pc) =	sbr.abs _section_cstart, $3  }
0xc1: {  	[dreg:$0x1] =	wrdreg $0xFFFFFFFF  }
0xc2: {  	_ =	task.clear_ibuf [dreg:s7], $0x2FFFF;
	_ =	strace $0x9FFFFFFF  }
0xc3: {  	(tm) =	ssettm $0x7FFFFFFF  }
tec
execute0_lowered:
.L_overlay_start_1:
0x0: {  	(tag) =	ssettag $0x1  }
0x1: {  	s0 =	rddreg [dreg:$0x0]  }
0x2: {  	s1 =	rddreg [dreg:$0x1]  }
0x3: {  	s7 =	stileid.u32;
	s3 =	srdreg.scid  }
0x4: {  	s2 =	rddreg [dreg:$0x2];
	s28 =	simm.s32 $0x3;
	s30 =	simm.s32 $0x80  }
0x5: {  	s31 =	simm.s32 $0xA000;
	s29 =	simm.s32 $0xC000;
	s5 =	smul.u32 $0xA000, s7  }
0x6: {  	s4 =	sand.u32 $0x1, s3;
	s3 =	simm.s32 $0x0;
	s7 =	smul.u32 $0xA00, s7  }
0x7: {  	s10 =	simm.s32 $0x0;
	s6 =	smul.u32 $0x1E0000, s4;
	[smem:$0x7FF] =	sst s3  }
0x8: {  	s9 =	sadd.s32 $0xCA00, s1;
	s8 =	ssub.s32 $0x2, s4;
	_ =	strace $0x8000004D  }
0x9: {  	s7 =	sadd.s32 s7, s1;
	[dreg:$0x4] =	wrdreg s9;
	s6 =	sadd.s32 s5, s6  }
0xa: {  	s5 =	sshrl.u32 s5, $0x1;
	s15 =	sadd.s32 $0xCC00, s7;
	s7 =	sadd.s32 $0x2200, s7  }
0xb: {  	s4 =	smul.u32 $0x9C40, s4;
	[dreg:$0x6] =	wrdreg s7;
	s7 =	sadd.s32 s5, s2  }
0xc: {  	s14 =	sshrl.u32 s8, $0x1;
	[dreg:$0x5] =	wrdreg s15;
	s16 =	sadd.s32 $0x1000, s7  }
0xd: {  	s9 =	simm.s32 $0x2;
	s17 =	sadd.s32 $0x2000, s7;
	[dreg:$0x7] =	wrdreg s16  }
0xe: {  	s6 =	sshrl.u32 s6, $0x4;
	s18 =	sadd.s32 $0x3000, s7;
	[dreg:$0x8] =	wrdreg s17  }
0xf: {  	s5 =	simm.s32 $0x1;
	s19 =	sadd.s32 $0x4000, s7;
	[dreg:$0x9] =	wrdreg s18  }
0x10: {  	s1 =	sadd.s32 s6, s1;
	s20 =	sadd.s32 $0x51000, s7;
	[dreg:$0xa] =	wrdreg s19  }
0x11: {  	s6 =	ssub.s32 s8, s14;
	s21 =	sadd.s32 $0x52000, s7;
	[dreg:$0xb] =	wrdreg s20  }
0x12: {  	s8 =	sadd.s32 s0, s4;
	s22 =	sadd.s32 $0x53000, s7;
	[dreg:$0xc] =	wrdreg s21  }
0x13: {  	s13 =	sadd.s32 $0x50000, s7;
	s23 =	sadd.s32 $0x54000, s7;
	[dreg:$0xd] =	wrdreg s22  }
0x14: {  	s24 =	sadd.s32 $0xA1000, s7;
	s25 =	sadd.s32 $0xA2000, s7;
	[dreg:$0xe] =	wrdreg s23  }
.Ltmp0:
0x15: {  	s26 =	sadd.s32 $0xA3000, s7;
	[dreg:$0xf] =	wrdreg s24;
	(pc) =	sbr.rel .LBB2_1-.Ltmp0, $4  }
0x16: {  	s0 =	simm.s32 $0xD000;
	s4 =	simm.s32 $0xF000;
	[dreg:$0x10] =	wrdreg s25  }
0x17: {  	s18 =	sadd.s32 $0xA0000, s7;
	[dreg:$0x11] =	wrdreg s26;
	s22 =	sadd.s32 $0x66C00, s1  }
0x18: {  	s23 =	sadd.s32 $0x70C00, s1;
	s24 =	sadd.s32 $0x7AC00, s1;
	s25 =	smax.u32 s6, $0x1  }
0x19: {  	s26 =	sadd.s32 $0xA4000, s7;
	s1 =	simm.s32 $0xB000;
	s6 =	simm.s32 $0xE000  }
.LBB2_4:
0x1a: {  	_ =	swait.ge [sflag:s9], $0x1000  }
0x1b: {  	s11 =	stileid.u32;
	[sflag:s9] =	ssyncset.done $0x0  }
0x1c: {  	s11 =	sshll.u32 s11, $0x6;
	[sflag:s9] =	ssyncadd.s32 $0xFFFFF000  }
0x1d: {  	s12 =	sshrl.u32 s7, $0x3;
	s11 =	sor.u32 $0x1C03, s11;
	[bflag:$0x0] =	sbarrier.arrive $0xFFFF  }
0x1e: {  	[hbm:s22], [sflag:s11] =	dma.local [spmem:s12], $0xA00  }
0x1f: {  	_ =	swait.ge [sflag:s28], $0xA00  }
0x20: {  	[sflag:s28] =	ssyncset.done $0x0  }
0x21: {  	s20 =	sshrl.u32 s13, $0x3;
	[sflag:s28] =	ssyncadd.s32 $0xFFFFF600  }
0x22: {  	[hbm:s23], [sflag:s11] =	dma.local [spmem:s20], $0xA00  }
0x23: {  	s10 =	sadd.s32 $0x1, s10;
	_ =	swait.ge [sflag:s28], $0xA00  }
0x24: {  	p0 =	sne.s32 s10, s25;
	[sflag:s28] =	ssyncset.done $0x0  }
.Ltmp1:
0x25: {  	s21 =	sshrl.u32 s18, $0x3;
	[sflag:s28] =	ssyncadd.s32 $0xFFFFF600;
	(pc) =	sbr.rel @!p0 .LBB2_5-.Ltmp1, $4  }
0x26: {  	[hbm:s24], [sflag:s11] =	dma.local [spmem:s21], $0xA00  }
0x27: {  	_ =	swait.ge [sflag:s28], $0xA00  }
0x28: {  	[sflag:s28] =	ssyncset.done $0x0  }
0x29: {  	[sflag:s28] =	ssyncadd.s32 $0xFFFFF600  }
.LBB2_1:
0x2a: {  	s11 =	rddreg [dreg:$0x5]  }
0x2b: {  	[tilespmem:s3], [sflag:$0x3] =	stream.linear.gather [hbm4b:s11+s3], $0x5000, $0x38;
	[tilespmem:$0x1F000] =	vst v63  }
0x2c: {  	_ =	swait.ge [sflag:s28], $0x5000  }
0x2d: {  	[sflag:s28] =	ssyncset.done $0x0  }
0x2e: {  	s12 =	simm.s32 $0x5000;
	s14 =	rddreg [dreg:$0x6];
	[sflag:s28] =	ssyncadd.s32 $0xFFFFB000  }
0x2f: {  	[tilespmem:s12], [sflag:$0x3] =	stream.linear.gather [hbm4b:s14+s3], $0x5000, $0x38;
	[tilespmem:$0x1F000] =	vst v63  }
0x30: {  	_ =	swait.ge [sflag:s28], $0x5000  }
0x31: {  	[sflag:s28] =	ssyncset.done $0x0  }
0x32: {  	[sflag:s28] =	ssyncadd.s32 $0xFFFFB000  }
0x33: {  	[tilespmem:s31], [sflag:$0x1] =	stream.indirect.gather [hbm4b:s8+s30], $0x20, s3, s30, $0xb8;
	[tilespmem:$0x1F000] =	vst v63  }
0x34: {  	_ = 	snop  }
0x35: {  	[tilespmem:s1], [sflag:$0x1] =	stream.indirect.gather [hbm4b:s8+s30], $0x20, s30, s30, $0xb8;
	[tilespmem:$0x1F000] =	vst v63  }
0x36: {  	s15 =	simm.s32 $0x100  }
0x37: {  	[tilespmem:s29], [sflag:$0x1] =	stream.indirect.gather [hbm4b:s8+s30], $0x20, s15, s30, $0xb8;
	[tilespmem:$0x1F000] =	vst v63  }
0x38: {  	s16 =	simm.s32 $0x180  }
0x39: {  	[tilespmem:s0], [sflag:$0x1] =	stream.indirect.gather [hbm4b:s8+s30], $0x20, s16, s30, $0xb8;
	[tilespmem:$0x1F000] =	vst v63  }
0x3a: {  	s17 =	rddreg [dreg:$0x4]  }
0x3b: {  	[tilespmem:s4], [sflag:$0x3] =	stream.linear.gather [hbm4b:s17+s3], $0x1000, $0x38;
	[tilespmem:$0x1F000] =	vst v63  }
0x3c: {  	_ =	swait.ge [sflag:s28], $0x1000  }
0x3d: {  	[sflag:s28] =	ssyncset.done $0x0  }
0x3e: {  	[sflag:s28] =	ssyncadd.s32 $0xFFFFF000  }
0x3f: {  	[spmem:s7] =	stream.linear.scatter [tilespmem:s4], [sflag:$0x3], $0x1000, $0x38;
	[tilespmem:$0x1F000] =	vst v63  }
0x40: {  	_ =	swait.ge [sflag:s28], $0x1000  }
0x41: {  	[sflag:s28] =	ssyncset.done $0x0  }
0x42: {  	s19 =	rddreg [dreg:$0x7];
	[sflag:s28] =	ssyncadd.s32 $0xFFFFF000  }
0x43: {  	[spmem:s19] =	stream.linear.scatter [tilespmem:s4], [sflag:$0x3], $0x1000, $0x38;
	[tilespmem:$0x1F000] =	vst v63  }
0x44: {  	_ =	swait.ge [sflag:s28], $0x1000  }
0x45: {  	[sflag:s28] =	ssyncset.done $0x0  }
0x46: {  	s20 =	rddreg [dreg:$0x8];
	[sflag:s28] =	ssyncadd.s32 $0xFFFFF000  }
0x47: {  	[spmem:s20] =	stream.linear.scatter [tilespmem:s4], [sflag:$0x3], $0x1000, $0x38;
	[tilespmem:$0x1F000] =	vst v63  }
0x48: {  	_ =	swait.ge [sflag:s28], $0x1000  }
0x49: {  	[sflag:s28] =	ssyncset.done $0x0  }
0x4a: {  	s21 =	rddreg [dreg:$0x9];
	[sflag:s28] =	ssyncadd.s32 $0xFFFFF000  }
0x4b: {  	[spmem:s21] =	stream.linear.scatter [tilespmem:s4], [sflag:$0x3], $0x1000, $0x38;
	[tilespmem:$0x1F000] =	vst v63  }
0x4c: {  	_ =	swait.ge [sflag:s28], $0x1000  }
0x4d: {  	[sflag:s28] =	ssyncset.done $0x0  }
0x4e: {  	s12 =	rddreg [dreg:$0xa];
	[sflag:s28] =	ssyncadd.s32 $0xFFFFF000  }
0x4f: {  	[spmem:s12] =	stream.linear.scatter [tilespmem:s4], [sflag:$0x3], $0x1000, $0x38;
	[tilespmem:$0x1F000] =	vst v63  }
0x50: {  	_ =	swait.ge [sflag:s28], $0x1000  }
0x51: {  	[sflag:s28] =	ssyncset.done $0x0  }
0x52: {  	[sflag:s28] =	ssyncadd.s32 $0xFFFFF000  }
0x53: {  	[spmem:s13] =	stream.linear.scatter [tilespmem:s4], [sflag:$0x3], $0x1000, $0x38;
	[tilespmem:$0x1F000] =	vst v63  }
0x54: {  	_ =	swait.ge [sflag:s28], $0x1000  }
0x55: {  	[sflag:s28] =	ssyncset.done $0x0  }
0x56: {  	s14 =	rddreg [dreg:$0xb];
	[sflag:s28] =	ssyncadd.s32 $0xFFFFF000  }
0x57: {  	[spmem:s14] =	stream.linear.scatter [tilespmem:s4], [sflag:$0x3], $0x1000, $0x38;
	[tilespmem:$0x1F000] =	vst v63  }
0x58: {  	_ =	swait.ge [sflag:s28], $0x1000  }
0x59: {  	[sflag:s28] =	ssyncset.done $0x0  }
0x5a: {  	s15 =	rddreg [dreg:$0xc];
	[sflag:s28] =	ssyncadd.s32 $0xFFFFF000  }
0x5b: {  	[spmem:s15] =	stream.linear.scatter [tilespmem:s4], [sflag:$0x3], $0x1000, $0x38;
	[tilespmem:$0x1F000] =	vst v63  }
0x5c: {  	_ =	swait.ge [sflag:s28], $0x1000  }
0x5d: {  	[sflag:s28] =	ssyncset.done $0x0  }
0x5e: {  	s16 =	rddreg [dreg:$0xd];
	[sflag:s28] =	ssyncadd.s32 $0xFFFFF000  }
0x5f: {  	[spmem:s16] =	stream.linear.scatter [tilespmem:s4], [sflag:$0x3], $0x1000, $0x38;
	[tilespmem:$0x1F000] =	vst v63  }
0x60: {  	_ =	swait.ge [sflag:s28], $0x1000  }
0x61: {  	[sflag:s28] =	ssyncset.done $0x0  }
0x62: {  	s17 =	rddreg [dreg:$0xe];
	[sflag:s28] =	ssyncadd.s32 $0xFFFFF000  }
0x63: {  	[spmem:s17] =	stream.linear.scatter [tilespmem:s4], [sflag:$0x3], $0x1000, $0x38;
	[tilespmem:$0x1F000] =	vst v63  }
0x64: {  	_ =	swait.ge [sflag:s28], $0x1000  }
0x65: {  	[sflag:s28] =	ssyncset.done $0x0  }
0x66: {  	[sflag:s28] =	ssyncadd.s32 $0xFFFFF000  }
0x67: {  	[spmem:s18] =	stream.linear.scatter [tilespmem:s4], [sflag:$0x3], $0x1000, $0x38;
	[tilespmem:$0x1F000] =	vst v63  }
0x68: {  	_ =	swait.ge [sflag:s28], $0x1000  }
0x69: {  	[sflag:s28] =	ssyncset.done $0x0  }
0x6a: {  	s19 =	rddreg [dreg:$0xf];
	[sflag:s28] =	ssyncadd.s32 $0xFFFFF000  }
0x6b: {  	[spmem:s19] =	stream.linear.scatter [tilespmem:s4], [sflag:$0x3], $0x1000, $0x38;
	[tilespmem:$0x1F000] =	vst v63  }
0x6c: {  	_ =	swait.ge [sflag:s28], $0x1000  }
0x6d: {  	[sflag:s28] =	ssyncset.done $0x0  }
0x6e: {  	s20 =	rddreg [dreg:$0x10];
	[sflag:s28] =	ssyncadd.s32 $0xFFFFF000  }
0x6f: {  	[spmem:s20] =	stream.linear.scatter [tilespmem:s4], [sflag:$0x3], $0x1000, $0x38;
	[tilespmem:$0x1F000] =	vst v63  }
0x70: {  	_ =	swait.ge [sflag:s28], $0x1000  }
0x71: {  	[sflag:s28] =	ssyncset.done $0x0  }
0x72: {  	s21 =	rddreg [dreg:$0x11];
	[sflag:s28] =	ssyncadd.s32 $0xFFFFF000  }
0x73: {  	[spmem:s21] =	stream.linear.scatter [tilespmem:s4], [sflag:$0x3], $0x1000, $0x38;
	[tilespmem:$0x1F000] =	vst v63  }
0x74: {  	_ =	swait.ge [sflag:s28], $0x1000  }
0x75: {  	[sflag:s28] =	ssyncset.done $0x0  }
0x76: {  	[sflag:s28] =	ssyncadd.s32 $0xFFFFF000  }
0x77: {  	[spmem:s26] =	stream.linear.scatter [tilespmem:s4], [sflag:$0x3], $0x1000, $0x38;
	[tilespmem:$0x1F000] =	vst v63  }
0x78: {  	_ =	swait.ge [sflag:s28], $0x1000  }
0x79: {  	[sflag:s28] =	ssyncset.done $0x0  }
0x7a: {  	[sflag:s28] =	ssyncadd.s32 $0xFFFFF000  }
0x7b: {  	s11 =	simm.s32 $0x0;
	s12 =	simm.s32 $0x0;
	[bflag:$0x0] =	sbarrier.arrive $0xFFFF  }
.LBB2_2:
0x7c: {  	s14 =	smul.u32 $0xAB, s11;
	_ =	sdelay $0x1  }
0x7d: {  	s14 =	sshrl.u32 s14, $0x9  }
0x7e: {  	s14 =	sand.u32 $0x7F, s14  }
0x7f: {  	s14 =	smul.u32 $0x3, s14;
	_ =	sdelay $0x1  }
0x80: {  	s14 =	ssub.s32 s11, s14  }
0x81: {  	s14 =	sand.u32 $0xFF, s14  }
0x82: {  	_ =	swait.ge [sflag:s5], $0x1000;
	s15 =	smul.u32 $0x140000, s14  }
0x83: {  	s19 =	sadd.s32 $0x1, s11;
	p0 =	seq.s32 s12, $0x0;
	[sflag:s5] =	ssyncset.done $0x0  }
0x84: {  	s20 =	sand.u32 $0xFF, s19;
	s14 =	sshra.s32 s12, $0x2;
	s15 =	sshrl.u32 s15, $0x2  }
0x85: {  	[sflag:s5] =	ssyncadd.s32 $0xFFFFF000;
	s16 =	sadd.s32 $0x5000, s14;
	s15 =	sadd.s32 s15, s2  }
0x86: {  	[spmem:s15] =	stream.indirect.scatter.add.bf16 [tilespmem:s31], [sflag:$0x2], $0x20, s16, s30, $0xb8;
	[tilespmem:$0x1F000] =	vst v63  }
0x87: {  	s17 =	simm.s32 @!p0 $0x2;
	s16 =	smul.u32 $0xAB, s20  }
0x88: {  	_ =	swait.ge @!p0 [sflag:s17], $0x1000  }
0x89: {  	[sflag:s17] =	ssyncset.done @!p0 $0x0;
	s16 =	sshrl.u32 s16, $0x9  }
0x8a: {  	s21 =	sadd.s32 $0x200, s14;
	[sflag:s17] =	ssyncadd.s32 @!p0 $0xFFFFF000;
	s16 =	smul.u32 $0x3, s16  }
0x8b: {  	[tilespmem:s6], [sflag:$0x1] =	stream.indirect.gather [hbm4b:s8+s30], $0x20, s21, s30, $0xb8;
	[tilespmem:$0x1F000] =	vst v63  }
0x8c: {  	s15 =	ssub.s32 s19, s16  }
0x8d: {  	s15 =	sand.u32 $0xFF, s15  }
0x8e: {  	s15 =	smul.u32 $0x140000, s15  }
0x8f: {  	_ =	swait.ge [sflag:s5], $0x1000  }
0x90: {  	[sflag:s5] =	ssyncset.done $0x0;
	s15 =	sshrl.u32 s15, $0x2  }
0x91: {  	s19 =	sadd.s32 $0x5080, s14;
	[sflag:s5] =	ssyncadd.s32 $0xFFFFF000;
	s15 =	sadd.s32 s15, s2  }
0x92: {  	[spmem:s15] =	stream.indirect.scatter.add.bf16 [tilespmem:s1], [sflag:$0x2], $0x20, s19, s30, $0xb8;
	[tilespmem:$0x1F000] =	vst v63  }
0x93: {  	s15 =	sadd.s32 $0x2, s11  }
0x94: {  	s20 =	sand.u32 $0xFF, s15  }
0x95: {  	p0 =	seq.s32 s12, $0x13600;
	s16 =	smul.u32 $0xAB, s20  }
0x96: {  	s17 =	sshra.s32 @!p0 s12, $0x2;
	s21 =	simm.s32 @!p0 $0xA000;
	_ =	swait.ge [sflag:s9], $0x1000  }
0x97: {  	s19 =	sadd.s32 @!p0 $0x280, s17;
	[sflag:s9] =	ssyncset.done $0x0;
	s16 =	sshrl.u32 s16, $0x9  }
0x98: {  	s20 =	simm.s32 @!p0 $0x80;
	[sflag:s9] =	ssyncadd.s32 $0xFFFFF000;
	s16 =	smul.u32 $0x3, s16  }
0x99: {  	[tilespmem:s21], [sflag:$0x1] =	stream.indirect.gather @!p0 [hbm4b:s8+s20], $0x20, s19, s20, $0xb8;
	[tilespmem:$0x1F000] =	vst v63  }
0x9a: {  	s15 =	ssub.s32 s15, s16  }
0x9b: {  	s15 =	sand.u32 $0xFF, s15  }
0x9c: {  	s15 =	smul.u32 $0x140000, s15  }
0x9d: {  	_ =	swait.ge [sflag:s5], $0x1000  }
0x9e: {  	[sflag:s5] =	ssyncset.done $0x0;
	s15 =	sshrl.u32 s15, $0x2  }
0x9f: {  	s21 =	sadd.s32 $0x5100, s14;
	[sflag:s5] =	ssyncadd.s32 $0xFFFFF000;
	s15 =	sadd.s32 s15, s2  }
0xa0: {  	[spmem:s15] =	stream.indirect.scatter.add.bf16 [tilespmem:s29], [sflag:$0x2], $0x20, s21, s30, $0xb8;
	[tilespmem:$0x1F000] =	vst v63  }
0xa1: {  	s15 =	sadd.s32 $0x3, s11  }
0xa2: {  	s19 =	sand.u32 $0xFF, s15  }
0xa3: {  	s16 =	smul.u32 $0xAB, s19  }
0xa4: {  	_ =	swait.ge [sflag:s9], $0x1000  }
0xa5: {  	s21 =	simm.s32 @!p0 $0xB000;
	[sflag:s9] =	ssyncset.done $0x0;
	s16 =	sshrl.u32 s16, $0x9  }
0xa6: {  	s19 =	sadd.s32 @!p0 $0x300, s17;
	[sflag:s9] =	ssyncadd.s32 $0xFFFFF000;
	s16 =	smul.u32 $0x3, s16  }
0xa7: {  	[tilespmem:s21], [sflag:$0x1] =	stream.indirect.gather @!p0 [hbm4b:s8+s20], $0x20, s19, s20, $0xb8;
	[tilespmem:$0x1F000] =	vst v63  }
0xa8: {  	s15 =	ssub.s32 s15, s16  }
0xa9: {  	s15 =	sand.u32 $0xFF, s15  }
0xaa: {  	s15 =	smul.u32 $0x140000, s15  }
0xab: {  	s21 =	sadd.s32 $0x5180, s14;
	_ =	swait.ge [sflag:s5], $0x1000  }
0xac: {  	[sflag:s5] =	ssyncset.done $0x0;
	s16 =	sadd.s32 $0x4, s11;
	s15 =	sshrl.u32 s15, $0x2  }
0xad: {  	[sflag:s5] =	ssyncadd.s32 $0xFFFFF000;
	s19 =	sand.u32 $0xFF, s16;
	s15 =	sadd.s32 s15, s2  }
0xae: {  	[spmem:s15] =	stream.indirect.scatter.add.bf16 [tilespmem:s0], [sflag:$0x2], $0x20, s21, s30, $0xb8;
	[tilespmem:$0x1F000] =	vst v63  }
0xaf: {  	s15 =	smul.u32 $0xAB, s19  }
0xb0: {  	_ =	swait.ge [sflag:s9], $0x1000  }
0xb1: {  	s17 =	sadd.s32 @!p0 $0x380, s17;
	[sflag:s9] =	ssyncset.done $0x0;
	s15 =	sshrl.u32 s15, $0x9  }
0xb2: {  	s19 =	simm.s32 @!p0 $0xC000;
	[sflag:s9] =	ssyncadd.s32 $0xFFFFF000;
	s15 =	smul.u32 $0x3, s15  }
0xb3: {  	[tilespmem:s19], [sflag:$0x1] =	stream.indirect.gather @!p0 [hbm4b:s8+s20], $0x20, s17, s20, $0xb8;
	[tilespmem:$0x1F000] =	vst v63  }
0xb4: {  	s15 =	ssub.s32 s16, s15  }
0xb5: {  	s15 =	sand.u32 $0xFF, s15  }
0xb6: {  	s15 =	smul.u32 $0x140000, s15  }
0xb7: {  	_ =	swait.ge [sflag:s5], $0x1000  }
0xb8: {  	s21 =	sadd.s32 $0x5200, s14;
	[sflag:s5] =	ssyncset.done $0x0;
	s15 =	sshrl.u32 s15, $0x2  }
.Ltmp2:
0xb9: {  	[sflag:s5] =	ssyncadd.s32 $0xFFFFF000;
	s15 =	sadd.s32 s15, s2;
	(pc) =	sbr.rel @p0 .LBB2_4-.Ltmp2, $4  }
0xba: {  	[spmem:s15] =	stream.indirect.scatter.add.bf16 [tilespmem:s6], [sflag:$0x2], $0x20, s21, s30, $0xb8;
	[tilespmem:$0x1F000] =	vst v63  }
0xbb: {  	_ =	swait.ge [sflag:s9], $0x1000  }
0xbc: {  	[sflag:s9] =	ssyncset.done $0x0  }
0xbd: {  	[sflag:s9] =	ssyncadd.s32 $0xFFFFF000  }
.Ltmp3:
0xbe: {  	(pc) =	sbr.rel .LBB2_2-.Ltmp3, $3  }
0xbf: {  	_ =	sdelay $0x1  }
0xc0: {  	s14 =	sadd.s32 $0x400, s14;
	s12 =	sadd.s32 $0xA00, s12;
	s11 =	sadd.s32 $0x5, s11  }
0xc1: {  	[tilespmem:s0], [sflag:$0x1] =	stream.indirect.gather [hbm4b:s8+s30], $0x20, s14, s30, $0xb8;
	[tilespmem:$0x1F000] =	vst v63  }
.LBB2_5:
0xc2: {  	_ =	sfence.sel $0x180000  }
0xc3: {  	[bflag:$0x0] =	sbarrier.arrive $0xFFFF  }
0xc4: {  	_ =	strace $0x9000004D  }
0xc5: {  	s0 =	stileid.u32;
	[bflag:$0x2] =	sbarrier.arrive $0xFFFF  }
0xc6: {  	p0 =	sne.s32 s0, $0x0;
	s0 =	rddreg [dreg:$0x3]  }
0xc7: {  	s0 =	sadd.s32 @!p0 $0x100000, s0  }
0xc8: {  	[sflag:s0] =	ssyncadd.tile.s32 @!p0 $0x1;
	_ =	shalt  }
.Lfunc_end2:
_tile_overlayer_lowered:
.L_overlay_start_2:
0xc9: {  	(tag) =	ssettag $0x2  }
0xca: {  	s0 =	rddreg [dreg:$0x0];
	s2 =	stileid.u32  }
0xcb: {  	s1 =	rddreg [dreg:$0x1];
	p0 =	sne.s32 s2, $0x0  }
0xcc: {  	s3 =	rddreg [dreg:$0x2];
	[bflag:$0x3] =	sbarrier.arrive $0xFFFF;
	s2 =	simm.s32 @!p0 $0x1C03  }
0xcd: {  	[timem:s3], [sflag:s2] =	dma.local @!p0 [hbm:s0], s1  }
0xce: {  	s0 =	simm.s32 @!p0 $0x3  }
0xcf: {  	_ =	swait.ge @!p0 [sflag:s0], s1  }
0xd0: {  	s1 =	ssub.s32 @!p0 $0x0, s1;
	[sflag:s0] =	ssyncset.done @!p0 $0x0  }
0xd1: {  	[sflag:s0] =	ssyncadd.s32 @!p0 s1  }
0xd2: {  	[bflag:$0x3] =	sbarrier.arrive $0xFFFF  }
0xd3: {  	_ =	shalt  }

// kernel: kernel.8.cloned.1.call-start
scs
__scs_entry_jumppad:
0x0: {  	(pc) =	sbr.rel $0x88, $3  }
0x1: {  	(tag) =	ssettag $0x0;
	lr =	simm.s32 $0x1  }
0x2: {  	[smem:$0x3F9B] =	sst lr;
	_ =	strace $0xD0000000  }
0x3: {  	_ = 	snop  }
0x4: {  	_ = 	snop  }
0x5: {  	_ = 	snop  }
0x6: {  	_ = 	snop  }
0x7: {  	_ = 	snop  }
__scs_overlays_trampoline_lowered:
0x8: {  	[smem:$0x3FAA] =	sst s0  }
0x9: {  	[smem:$0x3FAB] =	sst s1  }
0xa: {  	[smem:$0x3FAC] =	sst s2  }
0xb: {  	[smem:$0x3FAD] =	sst s3  }
0xc: {  	[smem:$0x3FAE] =	sst s4  }
0xd: {  	[smem:$0x3FAF] =	sst s5  }
0xe: {  	[smem:$0x3FB0] =	sst s6  }
0xf: {  	[smem:$0x3FB1] =	sst s7  }
0x10: {  	[smem:$0x3FB2] =	sst s8  }
0x11: {  	[smem:$0x3FB3] =	sst s9;
	s0 =	simm.s32 @!p0 $0x0  }
0x12: {  	s1 =	sld [smem:$0x3F99];
	s0 =	simm.s32 @p0 $0x1  }
0x13: {  	[smem:$0x3FB4] =	sst s0;
	s0 =	simm.s32 @!p1 $0x0  }
0x14: {  	s2 =	sld [smem:$0x3F98];
	s0 =	simm.s32 @p1 $0x1  }
0x15: {  	[smem:$0x3FB5] =	sst s0;
	s0 =	simm.s32 @!p2 $0x0  }
0x16: {  	s3 =	sld [smem:$0x3FDB];
	s0 =	simm.s32 @p2 $0x1  }
0x17: {  	s4 =	simm.s32 $0x1BF5;
	[smem:$0x3FB7] =	sst s0  }
0x18: {  	s0 =	sld [smem:$0x3F9A];
	_ =	swait.ge [sflag:s4], $0x0  }
0x19: {  	s7 =	sld [smem:$0x3F9B]  }
0x1a: {  	s8 =	sadd.s32 $0xFFFFE003, lr  }
0x1b: {  	s9 =	sadd.s32 $0xFFFFFEF7, lr;
	s5 =	simm.s32 $0xFFFFFFFF;
	p2 =	slt.u32 s8, $0xFFFFF086  }
0x1c: {  	p1 =	slt.u32 s9, $0xF7A;
	s5 =	simm.s32 @!p2 $0x0  }
0x1d: {  	s5 =	simm.s32 @p1 $0x1;
	p0 =	seq.s32 s7, s2  }
0x1e: {  	s7 =	smul.u32 @!p0 $0xF7A, s2;
	p2 =	seq.s32 @!p0 s5, $0x0  }
0x1f: {  	s9 =	smul.u32 $0xF7A, s1;
	s8 =	simm.s32 @!p0 $0x1BF5;
	p2 =	por !p2, p0  }
0x20: {  	[sflag:s8] =	ssyncset.s32 @!p0 $0xFFFFF086;
	s6 =	sadd.s32 @!p0 s3, s7;
	s7 =	simm.s32 @!p0 $0x108  }
0x21: {  	s3 =	sadd.s32 s3, s9;
	s6 =	sadd.s32 @!p0 $0x88, s6;
	s7 =	simm.s32 @p2 $0x1082  }
0x22: {  	[simem:s7], [sflag:s8] =	dma.local @!p0 [hbm:s6], $0xF7A  }
0x23: {  	s9 =	sor.u32 $0xD0000000, s2;
	s6 =	simm.s32 $0x108;
	_ =	swait.ge @!p0 [sflag:s8], $0x0  }
0x24: {  	s3 =	sadd.s32 $0x88, s3;
	s6 =	simm.s32 @!p1 $0x1082;
	[sflag:s4] =	ssyncset.s32 $0xFFFFF086  }
0x25: {  	[simem:s6], [sflag:s4] =	dma.local [hbm:s3], $0xF7A  }
0x26: {  	[smem:$0x3F9B] =	sst s1;
	(tag) =	ssettag s2;
	_ =	strace s9  }
0x27: {  	s1 =	sld [smem:$0x3FAB]  }
0x28: {  	s2 =	sld [smem:$0x3FAC]  }
0x29: {  	s4 =	sld [smem:$0x3FAE]  }
0x2a: {  	p0 =	seq.s32 s5, $0x0;
	s5 =	sld [smem:$0x3FAF]  }
0x2b: {  	s6 =	sld [smem:$0x3FB0]  }
0x2c: {  	s7 =	sld [smem:$0x3FB1]  }
0x2d: {  	s3 =	simm.s32 $0x108;
	s8 =	sld [smem:$0x3FB2]  }
0x2e: {  	s3 =	simm.s32 @!p0 $0x1082;
	s9 =	sld [smem:$0x3FB3]  }
0x2f: {  	lr =	sadd.s32 s0, s3;
	s0 =	sld [smem:$0x3FAA]  }
0x30: {  	s3 =	sld [smem:$0x3FAD]  }
0x31: {  	[smem:$0x3FB6] =	sst s10  }
0x32: {  	s10 =	sld [smem:$0x3FB4];
	_ =	sdelay $0x3  }
0x33: {  	p0 =	seq.s32 s10, $0x1;
	s10 =	sld [smem:$0x3FB6];
	_ =	sdelay $0x3  }
0x34: {  	[smem:$0x3FB6] =	sst s10  }
0x35: {  	s10 =	sld [smem:$0x3FB5];
	_ =	sdelay $0x3  }
0x36: {  	p1 =	seq.s32 s10, $0x1;
	s10 =	sld [smem:$0x3FB6];
	_ =	sdelay $0x3  }
0x37: {  	[smem:$0x3FB6] =	sst s10  }
0x38: {  	s10 =	sld [smem:$0x3FB7]  }
0x39: {  	_ = 	snop;
	(pc) =	sbr.ind lr, $3  }
0x3a: {  	_ = 	snop  }
0x3b: {  	_ = 	snop  }
0x3c: {  	p2 =	seq.s32 s10, $0x1;
	s10 =	sld [smem:$0x3FB6]  }
0x3d: {  	_ =	shalt  }
0x3e: {  	_ =	shalt  }
0x3f: {  	_ =	shalt  }
0x40: {  	_ =	shalt  }
0x41: {  	_ =	shalt  }
0x42: {  	_ =	shalt  }
0x43: {  	_ =	shalt  }
0x44: {  	_ =	shalt  }
0x45: {  	_ =	shalt  }
0x46: {  	_ =	shalt  }
0x47: {  	_ =	shalt  }
0x48: {  	_ =	shalt  }
0x49: {  	_ =	shalt  }
0x4a: {  	_ =	shalt  }
0x4b: {  	_ =	shalt  }
0x4c: {  	_ =	shalt  }
0x4d: {  	_ =	shalt  }
0x4e: {  	_ =	shalt  }
0x4f: {  	_ =	shalt  }
0x50: {  	_ =	shalt  }
0x51: {  	_ =	shalt  }
0x52: {  	_ =	shalt  }
0x53: {  	_ =	shalt  }
0x54: {  	_ =	shalt  }
0x55: {  	_ =	shalt  }
0x56: {  	_ =	shalt  }
0x57: {  	_ =	shalt  }
0x58: {  	_ =	shalt  }
0x59: {  	_ =	shalt  }
0x5a: {  	_ =	shalt  }
0x5b: {  	_ =	shalt  }
0x5c: {  	_ =	shalt  }
0x5d: {  	_ =	shalt  }
0x5e: {  	_ =	shalt  }
0x5f: {  	_ =	shalt  }
0x60: {  	_ =	shalt  }
0x61: {  	_ =	shalt  }
0x62: {  	_ =	shalt  }
0x63: {  	_ =	shalt  }
0x64: {  	_ =	shalt  }
0x65: {  	_ =	shalt  }
0x66: {  	_ =	shalt  }
0x67: {  	_ =	shalt  }
0x68: {  	_ =	shalt  }
0x69: {  	_ =	shalt  }
0x6a: {  	_ =	shalt  }
0x6b: {  	_ =	shalt  }
0x6c: {  	_ =	shalt  }
0x6d: {  	_ =	shalt  }
0x6e: {  	_ =	shalt  }
0x6f: {  	_ =	shalt  }
0x70: {  	_ =	shalt  }
0x71: {  	_ =	shalt  }
0x72: {  	_ =	shalt  }
0x73: {  	_ =	shalt  }
0x74: {  	_ =	shalt  }
0x75: {  	_ =	shalt  }
0x76: {  	_ =	shalt  }
0x77: {  	_ =	shalt  }
0x78: {  	_ =	shalt  }
0x79: {  	_ =	shalt  }
0x7a: {  	_ =	shalt  }
0x7b: {  	_ =	shalt  }
0x7c: {  	_ =	shalt  }
0x7d: {  	_ =	shalt  }
0x7e: {  	_ =	shalt  }
0x7f: {  	_ =	shalt  }
0x80: {  	_ =	shalt  }
0x81: {  	_ =	shalt  }
0x82: {  	_ =	shalt  }
0x83: {  	_ =	shalt  }
0x84: {  	_ =	shalt  }
0x85: {  	_ =	shalt  }
0x86: {  	_ =	shalt  }
0x87: {  	_ =	shalt  }
.Lfunc_end0:
.L_simem_size_0:
called_computation_lowered:
.L_overlay_start_0:
0x88: {  	s2 =	sld [smem:$0x3FD9]  }
0x89: {  	s3 =	sld [smem:$0x3FFE];
	_ =	sdelay $0x1  }
0x8a: {  	s1 =	srdreg.scid  }
0x8b: {  	s0 =	sand.u32 $0x1, s1  }
0x8c: {  	s17 =	sshll.u32 s0, $0xA;
	s2 =	sadd.s32 s3, s2  }
0x8d: {  	s2 =	sadd.s32 s2, s17  }
0x8e: {  	[smem:$0x3FC2] =	sst s2  }
0x8f: {  	_ = 	snop  }
0x90: {  	s2 =	sld [smem:$0x3FD0];
	(tm) =	ssettm $0x1  }
0x91: {  	s18 =	sld [smem:$0x3FFB];
	_ =	sdelay $0x3  }
0x92: {  	_ =	strace s18  }
0x93: {  	s3 =	sld [smem:$0x3FFC];
	_ =	sdelay $0x3  }
0x94: {  	_ =	strace s3  }
0x95: {  	s3 =	sld [smem:$0x3FFD];
	_ =	sdelay $0x3  }
0x96: {  	_ =	strace s3  }
0x97: {  	_ =	strace $0x8FFFFFFF  }
0x98: {  	s19 =	sld [smem:$0x3FDB];
	_ =	sdelay $0x1  }
0x99: {  	s4 =	simm.s32 $_scs_section_size  }
0x9a: {  	s5 =	simm.s32 $_size__tile_overlayer_lowered;
	s6 =	simm.s32 $_tile_overlayer_lowered  }
0x9b: {  	s22 =	simm.s32 $0x1BFF;
	s21 =	sshll.u32 s6, $0x1;
	s3 =	sadd.s32 s4, s19  }
0x9c: {  	s7 =	simm.s32 $0x0;
	s20 =	sshll.u32 s5, $0x1;
	s5 =	sadd.s32 s21, s3  }
0x9d: {  	[timem:s7], [sflag:s22] =	dma.local [hbm:s5], s20  }
0x9e: {  	_ =	swait.ge [sflag:s22], s20  }
0x9f: {  	s4 =	ssub.s32 $0x0, s20;
	[sflag:s22] =	ssyncset.done $0x0  }
0xa0: {  	[sflag:s22] =	ssyncadd.s32 s4;
	_ =	sdelay $0x1  }
0xa1: {  	s23 =	simm.s32 $0x1B8B  }
0xa2: {  	_ =	swait.ge [sflag:s23], $0x1  }
0xa3: {  	[sflag:s23] =	ssyncset.done $0x0  }
0xa4: {  	s25 =	simm.s32 $0x1B8E;
	s24 =	sld [smem:$0x3FFE];
	[sflag:s23] =	ssyncadd.s32 $0xFFFFFFFF  }
0xa5: {  	s26 =	simm.s32 $execute0_lowered;
	[smem:$0x3FD2] =	sst s25  }
0xa6: {  	s5 =	sshll.u32 s26, $0x1;
	_ =	strace $0x80000046;
	[dreg:$0x1] =	wrdreg $0xFFFFFFFF  }
0xa7: {  	s28 =	simm.s32 $_size_execute0_lowered;
	s3 =	sadd.s32 s3, s5;
	[dreg:$0x0] =	wrdreg $0x0  }
0xa8: {  	s5 =	sshll.u32 s28, $0x1;
	[dreg:$0x2] =	wrdreg s3  }
0xa9: {  	[dreg:$0x3] =	wrdreg s5  }
0xaa: {  	[dreg:$0x4] =	wrdreg $0xC0  }
0xab: {  	_ =	task [dreg:s7], $0x5FFFF  }
0xac: {  	[dreg:$0x1] =	wrdreg $0xFFFFFFFF  }
0xad: {  	[dreg:$0x0] =	wrdreg $0x60  }
0xae: {  	[dreg:$0x2] =	wrdreg s24  }
0xaf: {  	[dreg:$0x3] =	wrdreg s2  }
0xb0: {  	[dreg:$0x4] =	wrdreg $0x58000  }
0xb1: {  	[dreg:$0x5] =	wrdreg $0x9  }
0xb2: {  	_ =	task.clear_ibuf [dreg:s7], $0x6FFFF;
	_ =	strace $0x90000046  }
0xb3: {  	s29 =	simm.s32 $0x9;
	_ =	strace $0x80000048  }
0xb4: {  	_ =	swait.ge [sflag:s29], $0x1  }
0xb5: {  	[sflag:s29] =	ssyncadd.s32 $0xFFFFFFFF  }
0xb6: {  	_ =	strace $0x90000048  }
0xb7: {  	_ =	sfence  }
0xb8: {  	s30 =	sld [smem:$0x0];
	_ =	sdelay $0x2  }
0xb9: {  	s31 =	sshll.u32 s1, $0xD;
	s1 =	sshrl.u32 s1, $0x2  }
0xba: {  	s3 =	sand.u32 $0x4000, s31;
	s1 =	sadd.s32 s1, s30  }
0xbb: {  	s0 =	sor.u32 s3, s0;
	s1 =	sshll.u32 s1, $0x11  }
0xbc: {  	s0 =	sor.u32 s1, s0  }
0xbd: {  	s0 =	sadd.s32 $0x8F2B, s0  }
0xbe: {  	[sflag:s0] =	ssyncadd.remote.s32 $0x1  }
0xbf: {  	_ =	sfence.sel $0xFFFF  }
0xc0: {  	[dreg:$0x0] =	wrdreg $0xFFFFFFFF;
	(pc) =	sbr.abs _section_cstart, $3  }
0xc1: {  	[dreg:$0x1] =	wrdreg $0xFFFFFFFF  }
0xc2: {  	_ =	task.clear_ibuf [dreg:s7], $0x2FFFF;
	_ =	strace $0x9FFFFFFF  }
0xc3: {  	(tm) =	ssettm $0x7FFFFFFF  }
tec
execute0_lowered:
.L_overlay_start_1:
0x0: {  	(tag) =	ssettag $0x1  }
0x1: {  	s5 =	rddreg [dreg:$0x0]  }
0x2: {  	s1 =	srdreg.scid;
	s8 =	rddreg [dreg:$0x1]  }
0x3: {  	s0 =	stileid.u32;
	s2 =	rddreg [dreg:$0x2];
	s3 =	simm.s32 $0x0  }
0x4: {  	s12 =	simm.s32 $0x2800;
	s13 =	simm.s32 $0x80;
	s6 =	smul.u32 $0x5000, s0  }
0x5: {  	s4 =	sand.u32 $0x1, s1;
	s1 =	rddreg [dreg:$0x3];
	s30 =	smul.u32 $0x2800, s0  }
0x6: {  	s16 =	simm.s32 $0x0;
	[smem:$0x7FF] =	sst s3;
	s7 =	smul.u32 $0x2800, s4  }
0x7: {  	s14 =	sshll.u32 s0, $0x6;
	s9 =	smul.u32 $0x28000, s4;
	_ =	strace $0x80000047  }
0x8: {  	s31 =	ssub.s32 $0x2, s4;
	s4 =	sadd.s32 $0xC200, s5;
	s14 =	sor.u32 $0x1C01, s14  }
0x9: {  	s11 =	sshrl.u32 s31, $0x1;
	s6 =	sadd.s32 s7, s6;
	s9 =	sadd.s32 s30, s9  }
0xa: {  	s11 =	ssub.s32 s31, s11;
	s6 =	sshrl.u32 s6, $0x3;
	s9 =	sshrl.u32 s9, $0x3  }
0xb: {  	s10 =	sadd.s32 s6, s5;
	s5 =	sadd.s32 $0xC400, s5;
	s6 =	sadd.s32 s30, s2  }
0xc: {  	s8 =	sadd.s32 s8, s9;
	s9 =	smax.u32 s11, $0x1;
	s11 =	simm.s32 $0x1  }
0xd: {  	s7 =	sadd.s32 $0x2200, s10;
	s10 =	simm.s32 $0x3000;
	s15 =	sshrl.u32 s6, $0x3  }
.LBB2_1:
0xe: {  	[tilespmem:s10], [sflag:$0x1] =	stream.linear.gather [hbm4b:s5+s3], $0x2800, $0x38;
	[tilespmem:$0x8000] =	vst v63  }
0xf: {  	_ =	swait.ge [sflag:s11], $0x2800  }
0x10: {  	[sflag:s11] =	ssyncset.done $0x0  }
0x11: {  	[sflag:s11] =	ssyncadd.s32 $0xFFFFD800  }
0x12: {  	[spmem:s6] =	stream.linear.scatter [tilespmem:s10], [sflag:$0x1], $0x2800, $0x38;
	[tilespmem:$0x8000] =	vst v63  }
0x13: {  	_ =	swait.ge [sflag:s11], $0x2800  }
0x14: {  	[sflag:s11] =	ssyncset.done $0x0  }
0x15: {  	[sflag:s11] =	ssyncadd.s32 $0xFFFFD800  }
0x16: {  	[tilespmem:s12], [sflag:$0x1] =	stream.linear.gather [hbm4b:s4+s3], $0x800, $0x38;
	[tilespmem:$0x8000] =	vst v63  }
0x17: {  	_ =	swait.ge [sflag:s11], $0x800  }
0x18: {  	[sflag:s11] =	ssyncset.done $0x0  }
0x19: {  	[sflag:s11] =	ssyncadd.s32 $0xFFFFF800  }
0x1a: {  	[tilespmem:s3], [sflag:$0x1] =	stream.linear.gather [hbm4b:s7+s3], $0x2800, $0x38;
	[tilespmem:$0x8000] =	vst v63  }
0x1b: {  	_ =	swait.ge [sflag:s11], $0x2800  }
0x1c: {  	[sflag:s11] =	ssyncset.done $0x0  }
0x1d: {  	[sflag:s11] =	ssyncadd.s32 $0xFFFFD800  }
0x1e: {  	s17 =	simm.s32 $0x0;
	[bflag:$0x0] =	sbarrier.arrive $0xFFFF  }
0x1f: {  	[spmem:s2] =	stream.indirect.scatter.add.f32 [tilespmem:s12], [sflag:$0x1], $0x10, s17, s13, $0xb8;
	[tilespmem:$0x8000] =	vst v63  }
0x20: {  	_ =	swait.ge [sflag:s11], $0x800  }
0x21: {  	s17 =	simm.s32 $0x200;
	[sflag:s11] =	ssyncset.done $0x0  }
.LBB2_2:
0x22: {  	s18 =	sshra.s32 s17, $0x2;
	[sflag:s11] =	ssyncadd.s32 $0xFFFFF800;
	p0 =	sne.s32 s17, $0x9E00  }
0x23: {  	[spmem:s2] =	stream.indirect.scatter.add.f32 [tilespmem:s12], [sflag:$0x1], $0x10, s18, s13, $0xb8;
	[tilespmem:$0x8000] =	vst v63  }
.Ltmp0:
0x24: {  	_ = 	snop;
	(pc) =	sbr.rel @p0 .LBB2_2-.Ltmp0, $4  }
0x25: {  	_ = 	snop  }
0x26: {  	s17 =	sadd.s32 $0x200, s17  }
0x27: {  	_ =	swait.ge [sflag:s11], $0x800  }
0x28: {  	[sflag:s11] =	ssyncset.done $0x0  }
0x29: {  	s16 =	sadd.s32 $0x1, s16  }
0x2a: {  	[sflag:s11] =	ssyncadd.s32 $0xFFFFF800;
	p0 =	sne.s32 s16, s9  }
.Ltmp1:
0x2b: {  	[bflag:$0x0] =	sbarrier.arrive $0xFFFF;
	(pc) =	sbr.rel @p0 .LBB2_1-.Ltmp1, $4  }
0x2c: {  	[hbm:s8], [sflag:s14] =	dma.local [spmem:s15], $0x500  }
0x2d: {  	_ =	swait.ge [sflag:s11], $0x500  }
0x2e: {  	[sflag:s11] =	ssyncset.done $0x0  }
0x2f: {  	[sflag:s11] =	ssyncadd.s32 $0xFFFFFB00  }
0x30: {  	_ =	sfence.sel $0x180000  }
0x31: {  	[bflag:$0x0] =	sbarrier.arrive $0xFFFF  }
0x32: {  	p0 =	sne.s32 s0, $0x0;
	_ =	strace $0x90000047  }
0x33: {  	s0 =	sadd.s32 @!p0 $0x100000, s1;
	[bflag:$0x2] =	sbarrier.arrive $0xFFFF  }
0x34: {  	[sflag:s0] =	ssyncadd.tile.s32 @!p0 $0x1;
	_ =	shalt  }
.Lfunc_end2:
_tile_overlayer_lowered:
.L_overlay_start_2:
0x35: {  	(tag) =	ssettag $0x2  }
0x36: {  	s0 =	rddreg [dreg:$0x0];
	s2 =	stileid.u32  }
0x37: {  	s1 =	rddreg [dreg:$0x1];
	p0 =	sne.s32 s2, $0x0  }
0x38: {  	s3 =	rddreg [dreg:$0x2];
	[bflag:$0x3] =	sbarrier.arrive $0xFFFF;
	s2 =	simm.s32 @!p0 $0x1C01  }
0x39: {  	[timem:s3], [sflag:s2] =	dma.local @!p0 [hbm:s0], s1  }
0x3a: {  	s0 =	simm.s32 @!p0 $0x1  }
0x3b: {  	_ =	swait.ge @!p0 [sflag:s0], s1  }
0x3c: {  	s1 =	ssub.s32 @!p0 $0x0, s1;
	[sflag:s0] =	ssyncset.done @!p0 $0x0  }
0x3d: {  	[sflag:s0] =	ssyncadd.s32 @!p0 s1  }
0x3e: {  	[bflag:$0x3] =	sbarrier.arrive $0xFFFF  }
0x3f: {  	_ =	shalt  }

</sc_bundles>
